<compile_context>
chip_gen: v7x
topology: tpu7x:2x2x1
jax: 0.10.2.dev20260603
libtpu: 0.0.44.dev20260713+nightly
codegen_flags: <defaults>
</compile_context>

<pallas_src>
import functools

import jax
import jax.numpy as jnp
from jax import lax
from jax.experimental import pallas as pl
from jax.experimental.pallas import tpu as pltpu
from jax.experimental.pallas import tpu_sc as plsc

N = 10000
E = 320000
D = 128
RF = 401
RPAD = 416
NS = 16
NW = 32
EPW = E // NW
C = 80
CPT = EPW // C
NPAD = 10240
RPT = NPAD // NS


def _tile_ids():
    c = lax.axis_index("c")
    s = lax.axis_index("s")
    return c, s, (c * NS + s) * EPW


def _sca_body(x_hbm, rel_hbm, q6_hbm, out_hbm,
              q6_v, i0_v, i2_v, xa_v, ra_v, sem):
    c, s, base = _tile_ids()
    wid = c * NS + s

    @pl.loop(0, CPT)
    def _pa(k):
        off = base + k * C
        pltpu.sync_copy(q6_hbm.at[wid * CPT + k], q6_v)

        @pl.loop(0, C // 16)
        def _ia(g):
            sl = pl.ds(g * 16, 16)
            i0_v[sl] = q6_v[0, sl]
            i2_v[sl] = q6_v[2, sl]

        ga = pltpu.async_copy(x_hbm.at[i0_v], xa_v, sem)
        gc = pltpu.async_copy(rel_hbm.at[i2_v], ra_v, sem)
        ga.wait()
        gc.wait()

        @pl.loop(0, C)
        def _rows(e):
            for j in range(8):
                sl = pl.ds(16 * j, 16)
                ra_v[e, sl] = xa_v[e, sl] * ra_v[e, sl]

        pltpu.sync_copy(ra_v, out_hbm.at[pl.ds(off, C)])


def _scb_body(x_hbm, rel_hbm, q6_hbm, prev_hbm, out_hbm,
              q6_v, i1_v, i3_v, xa_v, ra_v, rb_v, sem):
    c, s, base = _tile_ids()
    wid = c * NS + s

    @pl.loop(0, CPT)
    def _pb(k):
        off = base + k * C
        pltpu.sync_copy(q6_hbm.at[wid * CPT + k], q6_v)

        @pl.loop(0, C // 16)
        def _ib(g):
            sl = pl.ds(g * 16, 16)
            i1_v[sl] = q6_v[1, sl]
            i3_v[sl] = q6_v[3, sl]

        ga = pltpu.async_copy(x_hbm.at[i1_v], xa_v, sem)
        gc = pltpu.async_copy(rel_hbm.at[i3_v], ra_v, sem)
        pltpu.sync_copy(prev_hbm.at[pl.ds(off, C)], rb_v)
        ga.wait()
        gc.wait()

        @pl.loop(0, C)
        def _rows(e):
            for j in range(8):
                sl = pl.ds(16 * j, 16)
                ra_v[e, sl] = xa_v[e, sl] * ra_v[e, sl] + rb_v[e, sl]

        pltpu.sync_copy(ra_v, out_hbm.at[pl.ds(off, C)])


def _scc_body(rel_hbm, q6_hbm, relp_hbm, q6_v, i5_v, xa_v, sem):
    c, s, base = _tile_ids()
    wid = c * NS + s

    @pl.loop(0, CPT)
    def _pc(k):
        off = base + k * C
        pltpu.sync_copy(q6_hbm.at[wid * CPT + k], q6_v)

        @pl.loop(0, C // 16)
        def _ic(g):
            sl = pl.ds(g * 16, 16)
            i5_v[sl] = q6_v[5, sl]

        pltpu.async_copy(rel_hbm.at[i5_v], xa_v, sem).wait()
        pltpu.sync_copy(xa_v, relp_hbm.at[pl.ds(off, C)])


def _scd_body(q6_hbm, deg_hbm, q6_v, i4_v, ones_v, deg_sp, sem):
    c, s, base = _tile_ids()
    wid = c * NS + s

    @pl.loop(0, C)
    def _z(r):
        ones_v[r, :] = jnp.zeros((16,), jnp.float32)

    for t in range(RPT // C):
        pltpu.sync_copy(ones_v, deg_sp.at[pl.ds(s * RPT + t * C, C)])

    @pl.loop(0, C)
    def _o(r):
        ones_v[r, :] = jnp.ones((16,), jnp.float32)

    plsc.subcore_barrier()

    @pl.loop(0, CPT)
    def _pd(k):
        pltpu.sync_copy(q6_hbm.at[wid * CPT + k], q6_v)

        @pl.loop(0, C // 16)
        def _id(g):
            sl = pl.ds(g * 16, 16)
            i4_v[sl] = q6_v[4, sl]

        pltpu.sync_copy(ones_v, deg_sp.at[i4_v], add=True)

    plsc.subcore_barrier()
    pltpu.sync_copy(deg_sp.at[pl.ds(s * RPT, RPT)],
                    deg_hbm.at[pl.ds(c * NPAD + s * RPT, RPT)])


def _sce_body(xs_hbm, qplus_hbm, q3_hbm, res_hbm,
              q3_v, ic_v, ir_v, xj_v, qa_v, res_sp, sem):
    c, s, base = _tile_ids()
    wid = c * NS + s

    @pl.loop(0, C)
    def _z(r):
        for j in range(8):
            xj_v[r, pl.ds(16 * j, 16)] = jnp.zeros((16,), jnp.float32)

    for t in range(RPT // C):
        pltpu.sync_copy(xj_v, res_sp.at[pl.ds(s * RPT + t * C, C)])

    plsc.subcore_barrier()

    @pl.loop(0, CPT)
    def _pe(k):
        off = base + k * C
        pltpu.sync_copy(q3_hbm.at[wid * CPT + k], q3_v)

        @pl.loop(0, C // 16)
        def _ie(g):
            sl = pl.ds(g * 16, 16)
            ic_v[sl] = q3_v[0, sl] + c * N
            ir_v[sl] = q3_v[2, sl]

        gx = pltpu.async_copy(xs_hbm.at[ic_v], xj_v, sem)
        pltpu.sync_copy(qplus_hbm.at[pl.ds(off, C)], qa_v)
        gx.wait()

        @pl.loop(0, C)
        def _rows(e):
            for j in range(8):
                sl = pl.ds(16 * j, 16)
                qa_v[e, sl] = qa_v[e, sl] * xj_v[e, sl]

        pltpu.sync_copy(qa_v, res_sp.at[ir_v], add=True)

    plsc.subcore_barrier()
    pltpu.sync_copy(res_sp.at[pl.ds(s * RPT, RPT)],
                    res_hbm.at[pl.ds(c * NPAD + s * RPT, RPT)])


def _dinv_body(deg_ref, x_ref, dinv_ref, xs_ref):
    d = deg_ref[...][:, 0]
    dinv = jnp.where(d > 0, lax.rsqrt(jnp.maximum(d, 1e-30)), 0.0)
    dinv_ref[...] = dinv
    x = x_ref[...]
    xs_ref[:N, :] = x * (0.5 * dinv[:N])[:, None]
    xs_ref[N:, :] = x * (0.5 * dinv[NPAD:NPAD + N])[:, None]


def _mm_body(a_ref, w_ref, r_ref, o_ref):
    o_ref[...] = jnp.dot(a_ref[...], w_ref[...],
                         preferred_element_type=jnp.float32) + r_ref[...]


def _final_body(in_ref, out_ref, din_ref, dout_ref, x_ref, lr_ref,
                w_loop_ref, w_in_ref, w_out_ref, rel_ref, w_rel_ref,
                bias_ref, gamma_ref, beta_ref, y_ref, relw_ref):
    x = x_ref[...]
    loop_res = (x * lr_ref[...]) @ w_loop_ref[...]
    a = (din_ref[...] * in_ref[...]) @ w_in_ref[...]
    b = (dout_ref[...] * out_ref[...]) @ w_out_ref[...]
    sm = (a + b + loop_res) * (1.0 / 3.0) + bias_ref[...]
    mean = jnp.mean(sm, axis=0, keepdims=True)
    var = jnp.mean((sm - mean) ** 2, axis=0, keepdims=True)
    y = gamma_ref[...] * (sm - mean) * lax.rsqrt(var + 1e-5) + beta_ref[...]
    y_ref[...] = jnp.tanh(y)
    relw_ref[...] = rel_ref[...] @ w_rel_ref[...]


def kernel(x, edge_index, edge_type, rel_embed, qualifier_ent, qualifier_rel,
           w_loop, w_in, w_out, w_rel, w_q, loop_rel, bias, gamma, beta):
    rel_full = jnp.concatenate([rel_embed, loop_rel], axis=0)
    rel_pad = jnp.concatenate(
        [rel_full, jnp.zeros((RPAD - RF, D), jnp.float32)], axis=0)
    q6 = jnp.stack([qualifier_ent[0], qualifier_ent[1],
                    qualifier_rel[0], qualifier_rel[1], edge_index[0],
                    edge_type])
    q6 = q6.reshape(6, E // C, C).transpose(1, 0, 2)
    q3 = jnp.stack([edge_index[1], edge_type, edge_index[0]])
    q3 = q3.reshape(3, E // C, C).transpose(1, 0, 2)

    mesh = plsc.VectorSubcoreMesh(core_axis_name="c", subcore_axis_name="s")
    ek = functools.partial(pl.kernel, mesh=mesh)
    edf32 = jax.ShapeDtypeStruct((E, D), jnp.float32)
    idx_t = pltpu.VMEM((C,), jnp.int32)
    row_t = pltpu.VMEM((C, D), jnp.float32)
    q6_t = pltpu.VMEM((6, C), jnp.int32)

    qsum_a = ek(out_type=edf32,
                scratch_types=[q6_t, idx_t, idx_t, row_t, row_t,
                               pltpu.SemaphoreType.DMA])(_sca_body)(
        x, rel_pad, q6)
    qsum = ek(out_type=edf32,
              scratch_types=[q6_t, idx_t, idx_t, row_t, row_t, row_t,
                             pltpu.SemaphoreType.DMA])(_scb_body)(
        x, rel_pad, q6, qsum_a)
    relp = ek(out_type=edf32,
              scratch_types=[q6_t, idx_t, row_t,
                             pltpu.SemaphoreType.DMA])(_scc_body)(
        rel_pad, q6)
    deg = ek(out_type=jax.ShapeDtypeStruct((2 * NPAD, 16), jnp.float32),
             scratch_types=[q6_t, idx_t,
                            pltpu.VMEM((C, 16), jnp.float32),
                            pltpu.VMEM_SHARED((NPAD, 16), jnp.float32),
                            pltpu.SemaphoreType.DMA])(_scd_body)(q6)

    half = (jnp.arange(E) >= E // 2).astype(jnp.int32)
    degx = jnp.zeros((2 * NPAD,), jnp.float32).at[
        edge_index[0] + half * NPAD].add(1.0)
    deg = jnp.broadcast_to(degx[:, None], (2 * NPAD, 16))

    dinv, xs = pl.pallas_call(
        _dinv_body,
        out_shape=(jax.ShapeDtypeStruct((2 * NPAD,), jnp.float32),
                   jax.ShapeDtypeStruct((2 * N, D), jnp.float32)),
    )(deg, x)

    qplus = pl.pallas_call(
        _mm_body,
        grid=(E // 3200,),
        in_specs=[pl.BlockSpec((3200, D), lambda i: (i, 0)),
                  pl.BlockSpec((D, D), lambda i: (0, 0)),
                  pl.BlockSpec((3200, D), lambda i: (i, 0))],
        out_specs=pl.BlockSpec((3200, D), lambda i: (i, 0)),
        out_shape=jax.ShapeDtypeStruct((E, D), jnp.float32),
    )(qsum, w_q, relp)

    res = ek(out_type=jax.ShapeDtypeStruct((2 * NPAD, D), jnp.float32),
             scratch_types=[pltpu.VMEM((3, C), jnp.int32), idx_t, idx_t,
                            row_t, row_t,
                            pltpu.VMEM_SHARED((NPAD, D), jnp.float32),
                            pltpu.SemaphoreType.DMA])(_sce_body)(
        xs, qplus, q3)

    y, relw = pl.pallas_call(
        _final_body,
        out_shape=(jax.ShapeDtypeStruct((N, D), jnp.float32),
                   jax.ShapeDtypeStruct((RF, D), jnp.float32)),
    )(res[:N], res[NPAD:NPAD + N], dinv[:N, None], dinv[NPAD:NPAD + N, None],
      x, loop_rel, w_loop, w_in, w_out, rel_full, w_rel,
      bias.reshape(1, D), gamma.reshape(1, D), beta.reshape(1, D))

    return y, relw[:-1]

# --- scband reference (transcript-rebuilt; emitter-appended) ---
"""Pipeline reference for scband-comp-qgcnencoder-88252987998402 (READ-ONLY COPY).

The authoritative reference and input builder live on the scoring server;
editing this copy changes nothing except your own understanding.
"""

import jax, jax.numpy as jnp
import numpy as np

N = 10000
E = 320000
D = 128
R = 400

def setup_inputs(seed: int = 0):
    key = jax.random.key(seed)
    ks = jax.random.split(key, 16)
    inp = {}
    inp["x"] = jax.random.normal(ks[0], (N, D), dtype=jnp.float32)
    inp["edge_index"] = jax.random.randint(ks[1], (2, E), 0, N, dtype=jnp.int32)
    inp["edge_type"] = jax.random.randint(ks[2], (E,), 0, R, dtype=jnp.int32)
    inp["rel_embed"] = jax.random.normal(ks[3], (R, D), dtype=jnp.float32) * 0.02
    inp["qualifier_ent"] = jax.random.randint(ks[4], (2, E), 0, N, dtype=jnp.int32)
    inp["qualifier_rel"] = jax.random.randint(ks[5], (2, E), 0, R, dtype=jnp.int32)
    s = 1.0 / np.sqrt(D)
    inp["w_loop"] = jax.random.uniform(ks[6], (D, D), jnp.float32, -s, s)
    inp["w_in"] = jax.random.uniform(ks[7], (D, D), jnp.float32, -s, s)
    inp["w_out"] = jax.random.uniform(ks[8], (D, D), jnp.float32, -s, s)
    inp["w_rel"] = jax.random.uniform(ks[9], (D, D), jnp.float32, -s, s)
    inp["w_q"] = jax.random.uniform(ks[10], (D, D), jnp.float32, -s, s)
    inp["loop_rel"] = jax.random.normal(ks[11], (1, D), jnp.float32) * 0.02
    inp["bias"] = jnp.zeros((D,), jnp.float32)
    inp["gamma"] = jnp.ones((D,), jnp.float32)
    inp["beta"] = jnp.zeros((D,), jnp.float32)
    return inp

def compute_norm(row, col, num_ent):
    deg = jax.ops.segment_sum(jnp.ones_like(row, dtype=jnp.float32), row, num_segments=num_ent)
    deg_inv = jnp.where(deg > 0, deg ** -0.5, 0.0)
    return deg_inv[row] * deg_inv[col]

def message(x, row, col, etype, rel_full, qe, qr, w, w_q):
    # update_rel_emb_with_qualifier (OPN = 'mult', aggregate type 'sum', alpha=0.5)
    qrel = rel_full[qr]          # [K, ne, D] gather from relation table
    qent = x[qe]                 # [K, ne, D] gather from entity table
    rel_part = rel_full[etype]   # [ne, D]
    qual = qent * qrel           # rel_transform (mult)
    qagg = qual.sum(axis=0) @ w_q
    rel_emb = 0.5 * rel_part + 0.5 * qagg
    x_j = x[col]                 # gather source features
    return (x_j * rel_emb) @ w

def reference(x, edge_index, edge_type, rel_embed, qualifier_ent, qualifier_rel,
              w_loop, w_in, w_out, w_rel, w_q, loop_rel, bias, gamma, beta):
    num_ent = x.shape[0]
    rel_full = jnp.concatenate([rel_embed, loop_rel], axis=0)
    ne = edge_index.shape[1] // 2
    in_idx, out_idx = edge_index[:, :ne], edge_index[:, ne:]
    in_t, out_t = edge_type[:ne], edge_type[ne:]
    in_qe, out_qe = qualifier_ent[:, :ne], qualifier_ent[:, ne:]
    in_qr, out_qr = qualifier_rel[:, :ne], qualifier_rel[:, ne:]

    in_norm = compute_norm(in_idx[0], in_idx[1], num_ent)
    out_norm = compute_norm(out_idx[0], out_idx[1], num_ent)

    msg_in = message(x, in_idx[0], in_idx[1], in_t, rel_full, in_qe, in_qr, w_in, w_q) * in_norm[:, None]
    in_res = jax.ops.segment_sum(msg_in, in_idx[0], num_segments=num_ent)

    msg_out = message(x, out_idx[0], out_idx[1], out_t, rel_full, out_qe, out_qr, w_out, w_q) * out_norm[:, None]
    out_res = jax.ops.segment_sum(msg_out, out_idx[0], num_segments=num_ent)

    # self-loop: edges i->i with loop relation (last row of rel_full), no norm
    loop_res = (x * rel_full[-1][None, :]) @ w_loop

    # dropout is identity in eval / reference
    out = (in_res + out_res + loop_res) * (1.0 / 3.0)
    out = out + bias

    # BatchNorm1d (training-mode batch statistics)
    mean = out.mean(axis=0)
    var = out.var(axis=0)
    out = gamma * (out - mean) / jnp.sqrt(var + 1e-5) + beta

    return jnp.tanh(out), (rel_full @ w_rel)[:-1]

if __name__ == "__main__":
    import jax
    _d = setup_inputs()
    print(jax.jit(kernel)(*tuple(_d.values())))

</pallas_src>

<mosaic_0001>
#map = affine_map<(d0, d1) -> (0, 0)>
#map1 = affine_map<(d0, d1) -> (0, 0, 0)>
module attributes {stable_mosaic.version = 14 : i64} {
  func.func @_sca_body(%arg0: i32, %arg1: i32, %arg2: memref<10000x128xf32, #tpu.memory_space<hbm>>, %arg3: memref<416x128xf32, #tpu.memory_space<hbm>>, %arg4: memref<4000x6x80xi32, #tpu.memory_space<hbm>>, %arg5: memref<320000x128xf32, #tpu.memory_space<hbm>>, %arg6: memref<6x80xi32, #tpu.memory_space<vmem>>, %arg7: memref<80xi32, #tpu.memory_space<vmem>>, %arg8: memref<80xi32, #tpu.memory_space<vmem>>, %arg9: memref<80x128xf32, #tpu.memory_space<vmem>>, %arg10: memref<80x128xf32, #tpu.memory_space<vmem>>, %arg11: memref<!tpu.dma_semaphore, #tpu.memory_space<semaphore_mem>>) attributes {dimension_semantics = [#tpu.dimension_semantics<core_parallel>, #tpu.dimension_semantics<subcore_parallel>], iteration_bounds = array<i64: 2, 16>, scalar_prefetch = 0 : i64, scratch_operands = 6 : i64, tpu.core_type = #tpu.core_type<sc_vector_subcore>, window_params = [{transform_indices = #map}, {transform_indices = #map}, {transform_indices = #map1}, {transform_indices = #map}]} {
    %mul3A = arith.constant 16 : i32
    %mul3A_0 = arith.muli %arg0, %mul3A : i32
    %add3A = arith.addi %mul3A_0, %arg1 : i32
    %mul3A_1 = arith.constant 10000 : i32
    %mul3A_2 = arith.muli %add3A, %mul3A_1 : i32
    %mul3A_3 = arith.constant 16 : i32
    %mul3A_4 = arith.muli %arg0, %mul3A_3 : i32
    %add3A_5 = arith.addi %mul3A_4, %arg1 : i32
    %scan3A = arith.constant 0 : i32
    %scan3A_6 = arith.constant 125 : i32
    %scan3A_7 = arith.addi %scan3A, %scan3A_6 : i32
    %scan3A_8 = arith.constant 1 : i32
    scf.for %scan3A_10 = %scan3A to %scan3A_7 step %scan3A_8  : i32 {
      %mul3A_11 = arith.constant 1 : i32
      %mul3A_12 = arith.muli %scan3A_10, %mul3A_11 : i32
      %add3A_13 = arith.constant 0 : i32
      %add3A_14 = arith.addi %add3A_13, %mul3A_12 : i32
      %mul3A_15 = arith.constant 80 : i32
      %mul3A_16 = arith.muli %add3A_14, %mul3A_15 : i32
      %add3A_17 = arith.addi %mul3A_2, %mul3A_16 : i32
      %mul3A_18 = arith.constant 125 : i32
      %mul3A_19 = arith.muli %add3A_5, %mul3A_18 : i32
      %add3A_20 = arith.addi %mul3A_19, %add3A_14 : i32
      "tpu.region"() ({
        %run_scoped3A = tpu.sem_alloc : memref<!tpu.dma_semaphore, #tpu.memory_space<semaphore_mem>>
        %dma_start3A_41 = arith.constant 0 : i32
        %dma_start3A_42 = arith.constant 0 : i32
        %dma_start3A_43 = tpu.memref_slice %arg4[%add3A_20, %dma_start3A_41, %dma_start3A_42] : memref<4000x6x80xi32, #tpu.memory_space<hbm>> -> memref<1x6x80xi32, #tpu.memory_space<hbm>>
        %dma_start3A_44 = tpu.memref_squeeze %dma_start3A_43 : memref<1x6x80xi32, #tpu.memory_space<hbm>> -> memref<6x80xi32, #tpu.memory_space<hbm>>
        %dma_start3A_45 = arith.constant 0 : i32
        %dma_start3A_46 = arith.constant 0 : i32
        %dma_start3A_47 = tpu.memref_slice %arg4[%add3A_20, %dma_start3A_45, %dma_start3A_46] : memref<4000x6x80xi32, #tpu.memory_space<hbm>> -> memref<1x6x80xi32, #tpu.memory_space<hbm>>
        %dma_start3A_48 = tpu.memref_squeeze %dma_start3A_47 : memref<1x6x80xi32, #tpu.memory_space<hbm>> -> memref<6x80xi32, #tpu.memory_space<hbm>>
        tpu.enqueue_dma source(%dma_start3A_48 : memref<6x80xi32, #tpu.memory_space<hbm>>) target(%arg6 : memref<6x80xi32, #tpu.memory_space<vmem>>) target_semaphore(%run_scoped3A : memref<!tpu.dma_semaphore, #tpu.memory_space<semaphore_mem>>)
        %dma_wait3A_49 = arith.constant 0 : i32
        %dma_wait3A_50 = arith.constant 0 : i32
        %dma_wait3A_51 = tpu.memref_slice %arg4[%add3A_20, %dma_wait3A_49, %dma_wait3A_50] : memref<4000x6x80xi32, #tpu.memory_space<hbm>> -> memref<1x6x80xi32, #tpu.memory_space<hbm>>
        %dma_wait3A_52 = tpu.memref_squeeze %dma_wait3A_51 : memref<1x6x80xi32, #tpu.memory_space<hbm>> -> memref<6x80xi32, #tpu.memory_space<hbm>>
        %dma_wait3A_53 = arith.constant 0 : i32
        %dma_wait3A_54 = arith.constant 0 : i32
        %dma_wait3A_55 = tpu.memref_slice %arg4[%add3A_20, %dma_wait3A_53, %dma_wait3A_54] : memref<4000x6x80xi32, #tpu.memory_space<hbm>> -> memref<1x6x80xi32, #tpu.memory_space<hbm>>
        %dma_wait3A_56 = tpu.memref_squeeze %dma_wait3A_55 : memref<1x6x80xi32, #tpu.memory_space<hbm>> -> memref<6x80xi32, #tpu.memory_space<hbm>>
        tpu.wait_dma2 semaphore(%run_scoped3A : memref<!tpu.dma_semaphore, #tpu.memory_space<semaphore_mem>>) src(%dma_wait3A_56 : memref<6x80xi32, #tpu.memory_space<hbm>>) dst(%arg6 : memref<6x80xi32, #tpu.memory_space<vmem>>)
        tpu.yield
      }) : () -> ()
      %scan3A_21 = arith.constant 0 : i32
      %scan3A_22 = arith.constant 5 : i32
      %scan3A_23 = arith.addi %scan3A_21, %scan3A_22 : i32
      %scan3A_24 = arith.constant 1 : i32
      scf.for %scan3A_41 = %scan3A_21 to %scan3A_23 step %scan3A_24  : i32 {
        %mul3A_42 = arith.constant 1 : i32
        %mul3A_43 = arith.muli %scan3A_41, %mul3A_42 : i32
        %add3A_44 = arith.constant 0 : i32
        %add3A_45 = arith.addi %add3A_44, %mul3A_43 : i32
        %mul3A_46 = arith.constant 16 : i32
        %mul3A_47 = arith.muli %add3A_45, %mul3A_46 : i32
        %get3A = arith.constant 0 : i32
        %get3A_48 = arith.index_cast %get3A : i32 to index
        %get3A_49 = arith.index_cast %mul3A_47 : i32 to index
        %get3A_50 = tpu.vector_load %arg6[%get3A_48, %get3A_49] {strides = array<i32>} : memref<6x80xi32, #tpu.memory_space<vmem>>, vector<1x16xi32>,
        %get3A_51 = vector.shape_cast %get3A_50 : vector<1x16xi32> to vector<16xi32>
        %swap3A = arith.index_cast %mul3A_47 : i32 to index
        %swap3A_52 = tpu.vector_load %arg7[%swap3A] {strides = array<i32>} : memref<80xi32, #tpu.memory_space<vmem>>, vector<16xi32>,
        %swap3A_53 = vector.shape_cast %swap3A_52 : vector<16xi32> to vector<16xi32>
        %swap3A_54 = vector.shape_cast %get3A_51 : vector<16xi32> to vector<16xi32>
        tpu.vector_store %arg7[%swap3A], %swap3A_54 {strides = array<i32>} : memref<80xi32, #tpu.memory_space<vmem>>, vector<16xi32>,
        %get3A_55 = arith.constant 2 : i32
        %get3A_56 = arith.index_cast %get3A_55 : i32 to index
        %get3A_57 = arith.index_cast %mul3A_47 : i32 to index
        %get3A_58 = tpu.vector_load %arg6[%get3A_56, %get3A_57] {strides = array<i32>} : memref<6x80xi32, #tpu.memory_space<vmem>>, vector<1x16xi32>,
        %get3A_59 = vector.shape_cast %get3A_58 : vector<1x16xi32> to vector<16xi32>
        %swap3A_60 = arith.index_cast %mul3A_47 : i32 to index
        %swap3A_61 = tpu.vector_load %arg8[%swap3A_60] {strides = array<i32>} : memref<80xi32, #tpu.memory_space<vmem>>, vector<16xi32>,
        %swap3A_62 = vector.shape_cast %swap3A_61 : vector<16xi32> to vector<16xi32>
        %swap3A_63 = vector.shape_cast %get3A_59 : vector<16xi32> to vector<16xi32>
        tpu.vector_store %arg8[%swap3A_60], %swap3A_63 {strides = array<i32>} : memref<80xi32, #tpu.memory_space<vmem>>, vector<16xi32>,
      }
      %scan3A_25 = arith.constant 5 : i32
      %dma_start3A = arith.constant 0 : i32
      %dma_start3A_26 = arith.constant 0 : i32
      %dma_start3A_27 = tpu.memref_slice %arg2[%dma_start3A, %dma_start3A_26] : memref<10000x128xf32, #tpu.memory_space<hbm>> -> memref<10000x128xf32, #tpu.memory_space<hbm>>
      tpu.enqueue_indirect_dma source(%dma_start3A_27 : memref<10000x128xf32, #tpu.memory_space<hbm>>) target(%arg9 : memref<80x128xf32, #tpu.memory_space<vmem>>) offsets(%arg7 : memref<80xi32, #tpu.memory_space<vmem>>) semaphore(%arg11 : memref<!tpu.dma_semaphore, #tpu.memory_space<semaphore_mem>>)
      %dma_start3A_28 = arith.constant 0 : i32
      %dma_start3A_29 = arith.constant 0 : i32
      %dma_start3A_30 = tpu.memref_slice %arg3[%dma_start3A_28, %dma_start3A_29] : memref<416x128xf32, #tpu.memory_space<hbm>> -> memref<416x128xf32, #tpu.memory_space<hbm>>
      tpu.enqueue_indirect_dma source(%dma_start3A_30 : memref<416x128xf32, #tpu.memory_space<hbm>>) target(%arg10 : memref<80x128xf32, #tpu.memory_space<vmem>>) offsets(%arg8 : memref<80xi32, #tpu.memory_space<vmem>>) semaphore(%arg11 : memref<!tpu.dma_semaphore, #tpu.memory_space<semaphore_mem>>)
      %dma_wait3A = arith.constant 0 : i32
      %dma_wait3A_31 = arith.constant 0 : i32
      %dma_wait3A_32 = tpu.memref_slice %arg2[%dma_wait3A, %dma_wait3A_31] : memref<10000x128xf32, #tpu.memory_space<hbm>> -> memref<10000x128xf32, #tpu.memory_space<hbm>>
      tpu.wait_indirect_dma semaphore(%arg11 : memref<!tpu.dma_semaphore, #tpu.memory_space<semaphore_mem>>) src(%dma_wait3A_32 : memref<10000x128xf32, #tpu.memory_space<hbm>>) dst(%arg9 : memref<80x128xf32, #tpu.memory_space<vmem>>)
      %dma_wait3A_33 = arith.constant 0 : i32
      %dma_wait3A_34 = arith.constant 0 : i32
      %dma_wait3A_35 = tpu.memref_slice %arg3[%dma_wait3A_33, %dma_wait3A_34] : memref<416x128xf32, #tpu.memory_space<hbm>> -> memref<416x128xf32, #tpu.memory_space<hbm>>
      tpu.wait_indirect_dma semaphore(%arg11 : memref<!tpu.dma_semaphore, #tpu.memory_space<semaphore_mem>>) src(%dma_wait3A_35 : memref<416x128xf32, #tpu.memory_space<hbm>>) dst(%arg10 : memref<80x128xf32, #tpu.memory_space<vmem>>)
      %scan3A_36 = arith.constant 0 : i32
      %scan3A_37 = arith.constant 80 : i32
      %scan3A_38 = arith.addi %scan3A_36, %scan3A_37 : i32
      %scan3A_39 = arith.constant 1 : i32
      scf.for %scan3A_41 = %scan3A_36 to %scan3A_38 step %scan3A_39  : i32 {
        %mul3A_42 = arith.constant 1 : i32
        %mul3A_43 = arith.muli %scan3A_41, %mul3A_42 : i32
        %add3A_44 = arith.constant 0 : i32
        %add3A_45 = arith.addi %add3A_44, %mul3A_43 : i32
        %get3A = arith.index_cast %add3A_45 : i32 to index
        %get3A_46 = arith.constant 0 : index
        %get3A_47 = tpu.vector_load %arg9[%get3A, %get3A_46] {strides = array<i32>} : memref<80x128xf32, #tpu.memory_space<vmem>>, vector<1x16xf32>,
        %get3A_48 = vector.shape_cast %get3A_47 : vector<1x16xf32> to vector<16xf32>
        %get3A_49 = arith.index_cast %add3A_45 : i32 to index
        %get3A_50 = arith.constant 0 : index
        %get3A_51 = tpu.vector_load %arg10[%get3A_49, %get3A_50] {strides = array<i32>} : memref<80x128xf32, #tpu.memory_space<vmem>>, vector<1x16xf32>,
        %get3A_52 = vector.shape_cast %get3A_51 : vector<1x16xf32> to vector<16xf32>
        %mul3A_53 = arith.mulf %get3A_48, %get3A_52 : vector<16xf32>
        %swap3A = arith.index_cast %add3A_45 : i32 to index
        %swap3A_54 = arith.constant 0 : index
        %swap3A_55 = tpu.vector_load %arg10[%swap3A, %swap3A_54] {strides = array<i32>} : memref<80x128xf32, #tpu.memory_space<vmem>>, vector<1x16xf32>,
        %swap3A_56 = vector.shape_cast %swap3A_55 : vector<1x16xf32> to vector<16xf32>
        %swap3A_57 = vector.shape_cast %mul3A_53 : vector<16xf32> to vector<1x16xf32>
        tpu.vector_store %arg10[%swap3A, %swap3A_54], %swap3A_57 {strides = array<i32>} : memref<80x128xf32, #tpu.memory_space<vmem>>, vector<1x16xf32>,
        %get3A_58 = arith.index_cast %add3A_45 : i32 to index
        %get3A_59 = arith.constant 16 : index
        %get3A_60 = tpu.vector_load %arg9[%get3A_58, %get3A_59] {strides = array<i32>} : memref<80x128xf32, #tpu.memory_space<vmem>>, vector<1x16xf32>,
        %get3A_61 = vector.shape_cast %get3A_60 : vector<1x16xf32> to vector<16xf32>
        %get3A_62 = arith.index_cast %add3A_45 : i32 to index
        %get3A_63 = arith.constant 16 : index
        %get3A_64 = tpu.vector_load %arg10[%get3A_62, %get3A_63] {strides = array<i32>} : memref<80x128xf32, #tpu.memory_space<vmem>>, vector<1x16xf32>,
        %get3A_65 = vector.shape_cast %get3A_64 : vector<1x16xf32> to vector<16xf32>
        %mul3A_66 = arith.mulf %get3A_61, %get3A_65 : vector<16xf32>
        %swap3A_67 = arith.index_cast %add3A_45 : i32 to index
        %swap3A_68 = arith.constant 16 : index
        %swap3A_69 = tpu.vector_load %arg10[%swap3A_67, %swap3A_68] {strides = array<i32>} : memref<80x128xf32, #tpu.memory_space<vmem>>, vector<1x16xf32>,
        %swap3A_70 = vector.shape_cast %swap3A_69 : vector<1x16xf32> to vector<16xf32>
        %swap3A_71 = vector.shape_cast %mul3A_66 : vector<16xf32> to vector<1x16xf32>
        tpu.vector_store %arg10[%swap3A_67, %swap3A_68], %swap3A_71 {strides = array<i32>} : memref<80x128xf32, #tpu.memory_space<vmem>>, vector<1x16xf32>,
        %get3A_72 = arith.index_cast %add3A_45 : i32 to index
        %get3A_73 = arith.constant 32 : index
        %get3A_74 = tpu.vector_load %arg9[%get3A_72, %get3A_73] {strides = array<i32>} : memref<80x128xf32, #tpu.memory_space<vmem>>, vector<1x16xf32>,
        %get3A_75 = vector.shape_cast %get3A_74 : vector<1x16xf32> to vector<16xf32>
        %get3A_76 = arith.index_cast %add3A_45 : i32 to index
        %get3A_77 = arith.constant 32 : index
        %get3A_78 = tpu.vector_load %arg10[%get3A_76, %get3A_77] {strides = array<i32>} : memref<80x128xf32, #tpu.memory_space<vmem>>, vector<1x16xf32>,
        %get3A_79 = vector.shape_cast %get3A_78 : vector<1x16xf32> to vector<16xf32>
        %mul3A_80 = arith.mulf %get3A_75, %get3A_79 : vector<16xf32>
        %swap3A_81 = arith.index_cast %add3A_45 : i32 to index
        %swap3A_82 = arith.constant 32 : index
        %swap3A_83 = tpu.vector_load %arg10[%swap3A_81, %swap3A_82] {strides = array<i32>} : memref<80x128xf32, #tpu.memory_space<vmem>>, vector<1x16xf32>,
        %swap3A_84 = vector.shape_cast %swap3A_83 : vector<1x16xf32> to vector<16xf32>
        %swap3A_85 = vector.shape_cast %mul3A_80 : vector<16xf32> to vector<1x16xf32>
        tpu.vector_store %arg10[%swap3A_81, %swap3A_82], %swap3A_85 {strides = array<i32>} : memref<80x128xf32, #tpu.memory_space<vmem>>, vector<1x16xf32>,
        %get3A_86 = arith.index_cast %add3A_45 : i32 to index
        %get3A_87 = arith.constant 48 : index
        %get3A_88 = tpu.vector_load %arg9[%get3A_86, %get3A_87] {strides = array<i32>} : memref<80x128xf32, #tpu.memory_space<vmem>>, vector<1x16xf32>,
        %get3A_89 = vector.shape_cast %get3A_88 : vector<1x16xf32> to vector<16xf32>
        %get3A_90 = arith.index_cast %add3A_45 : i32 to index
        %get3A_91 = arith.constant 48 : index
        %get3A_92 = tpu.vector_load %arg10[%get3A_90, %get3A_91] {strides = array<i32>} : memref<80x128xf32, #tpu.memory_space<vmem>>, vector<1x16xf32>,
        %get3A_93 = vector.shape_cast %get3A_92 : vector<1x16xf32> to vector<16xf32>
        %mul3A_94 = arith.mulf %get3A_89, %get3A_93 : vector<16xf32>
        %swap3A_95 = arith.index_cast %add3A_45 : i32 to index
        %swap3A_96 = arith.constant 48 : index
        %swap3A_97 = tpu.vector_load %arg10[%swap3A_95, %swap3A_96] {strides = array<i32>} : memref<80x128xf32, #tpu.memory_space<vmem>>, vector<1x16xf32>,
        %swap3A_98 = vector.shape_cast %swap3A_97 : vector<1x16xf32> to vector<16xf32>
        %swap3A_99 = vector.shape_cast %mul3A_94 : vector<16xf32> to vector<1x16xf32>
        tpu.vector_store %arg10[%swap3A_95, %swap3A_96], %swap3A_99 {strides = array<i32>} : memref<80x128xf32, #tpu.memory_space<vmem>>, vector<1x16xf32>,
        %get3A_100 = arith.index_cast %add3A_45 : i32 to index
        %get3A_101 = arith.constant 64 : index
        %get3A_102 = tpu.vector_load %arg9[%get3A_100, %get3A_101] {strides = array<i32>} : memref<80x128xf32, #tpu.memory_space<vmem>>, vector<1x16xf32>,
        %get3A_103 = vector.shape_cast %get3A_102 : vector<1x16xf32> to vector<16xf32>
        %get3A_104 = arith.index_cast %add3A_45 : i32 to index
        %get3A_105 = arith.constant 64 : index
        %get3A_106 = tpu.vector_load %arg10[%get3A_104, %get3A_105] {strides = array<i32>} : memref<80x128xf32, #tpu.memory_space<vmem>>, vector<1x16xf32>,
        %get3A_107 = vector.shape_cast %get3A_106 : vector<1x16xf32> to vector<16xf32>
        %mul3A_108 = arith.mulf %get3A_103, %get3A_107 : vector<16xf32>
        %swap3A_109 = arith.index_cast %add3A_45 : i32 to index
        %swap3A_110 = arith.constant 64 : index
        %swap3A_111 = tpu.vector_load %arg10[%swap3A_109, %swap3A_110] {strides = array<i32>} : memref<80x128xf32, #tpu.memory_space<vmem>>, vector<1x16xf32>,
        %swap3A_112 = vector.shape_cast %swap3A_111 : vector<1x16xf32> to vector<16xf32>
        %swap3A_113 = vector.shape_cast %mul3A_108 : vector<16xf32> to vector<1x16xf32>
        tpu.vector_store %arg10[%swap3A_109, %swap3A_110], %swap3A_113 {strides = array<i32>} : memref<80x128xf32, #tpu.memory_space<vmem>>, vector<1x16xf32>,
        %get3A_114 = arith.index_cast %add3A_45 : i32 to index
        %get3A_115 = arith.constant 80 : index
        %get3A_116 = tpu.vector_load %arg9[%get3A_114, %get3A_115] {strides = array<i32>} : memref<80x128xf32, #tpu.memory_space<vmem>>, vector<1x16xf32>,
        %get3A_117 = vector.shape_cast %get3A_116 : vector<1x16xf32> to vector<16xf32>
        %get3A_118 = arith.index_cast %add3A_45 : i32 to index
        %get3A_119 = arith.constant 80 : index
        %get3A_120 = tpu.vector_load %arg10[%get3A_118, %get3A_119] {strides = array<i32>} : memref<80x128xf32, #tpu.memory_space<vmem>>, vector<1x16xf32>,
        %get3A_121 = vector.shape_cast %get3A_120 : vector<1x16xf32> to vector<16xf32>
        %mul3A_122 = arith.mulf %get3A_117, %get3A_121 : vector<16xf32>
        %swap3A_123 = arith.index_cast %add3A_45 : i32 to index
        %swap3A_124 = arith.constant 80 : index
        %swap3A_125 = tpu.vector_load %arg10[%swap3A_123, %swap3A_124] {strides = array<i32>} : memref<80x128xf32, #tpu.memory_space<vmem>>, vector<1x16xf32>,
        %swap3A_126 = vector.shape_cast %swap3A_125 : vector<1x16xf32> to vector<16xf32>
        %swap3A_127 = vector.shape_cast %mul3A_122 : vector<16xf32> to vector<1x16xf32>
        tpu.vector_store %arg10[%swap3A_123, %swap3A_124], %swap3A_127 {strides = array<i32>} : memref<80x128xf32, #tpu.memory_space<vmem>>, vector<1x16xf32>,
        %get3A_128 = arith.index_cast %add3A_45 : i32 to index
        %get3A_129 = arith.constant 96 : index
        %get3A_130 = tpu.vector_load %arg9[%get3A_128, %get3A_129] {strides = array<i32>} : memref<80x128xf32, #tpu.memory_space<vmem>>, vector<1x16xf32>,
        %get3A_131 = vector.shape_cast %get3A_130 : vector<1x16xf32> to vector<16xf32>
        %get3A_132 = arith.index_cast %add3A_45 : i32 to index
        %get3A_133 = arith.constant 96 : index
        %get3A_134 = tpu.vector_load %arg10[%get3A_132, %get3A_133] {strides = array<i32>} : memref<80x128xf32, #tpu.memory_space<vmem>>, vector<1x16xf32>,
        %get3A_135 = vector.shape_cast %get3A_134 : vector<1x16xf32> to vector<16xf32>
        %mul3A_136 = arith.mulf %get3A_131, %get3A_135 : vector<16xf32>
        %swap3A_137 = arith.index_cast %add3A_45 : i32 to index
        %swap3A_138 = arith.constant 96 : index
        %swap3A_139 = tpu.vector_load %arg10[%swap3A_137, %swap3A_138] {strides = array<i32>} : memref<80x128xf32, #tpu.memory_space<vmem>>, vector<1x16xf32>,
        %swap3A_140 = vector.shape_cast %swap3A_139 : vector<1x16xf32> to vector<16xf32>
        %swap3A_141 = vector.shape_cast %mul3A_136 : vector<16xf32> to vector<1x16xf32>
        tpu.vector_store %arg10[%swap3A_137, %swap3A_138], %swap3A_141 {strides = array<i32>} : memref<80x128xf32, #tpu.memory_space<vmem>>, vector<1x16xf32>,
        %get3A_142 = arith.index_cast %add3A_45 : i32 to index
        %get3A_143 = arith.constant 112 : index
        %get3A_144 = tpu.vector_load %arg9[%get3A_142, %get3A_143] {strides = array<i32>} : memref<80x128xf32, #tpu.memory_space<vmem>>, vector<1x16xf32>,
        %get3A_145 = vector.shape_cast %get3A_144 : vector<1x16xf32> to vector<16xf32>
        %get3A_146 = arith.index_cast %add3A_45 : i32 to index
        %get3A_147 = arith.constant 112 : index
        %get3A_148 = tpu.vector_load %arg10[%get3A_146, %get3A_147] {strides = array<i32>} : memref<80x128xf32, #tpu.memory_space<vmem>>, vector<1x16xf32>,
        %get3A_149 = vector.shape_cast %get3A_148 : vector<1x16xf32> to vector<16xf32>
        %mul3A_150 = arith.mulf %get3A_145, %get3A_149 : vector<16xf32>
        %swap3A_151 = arith.index_cast %add3A_45 : i32 to index
        %swap3A_152 = arith.constant 112 : index
        %swap3A_153 = tpu.vector_load %arg10[%swap3A_151, %swap3A_152] {strides = array<i32>} : memref<80x128xf32, #tpu.memory_space<vmem>>, vector<1x16xf32>,
        %swap3A_154 = vector.shape_cast %swap3A_153 : vector<1x16xf32> to vector<16xf32>
        %swap3A_155 = vector.shape_cast %mul3A_150 : vector<16xf32> to vector<1x16xf32>
        tpu.vector_store %arg10[%swap3A_151, %swap3A_152], %swap3A_155 {strides = array<i32>} : memref<80x128xf32, #tpu.memory_space<vmem>>, vector<1x16xf32>,
      }
      %scan3A_40 = arith.constant 80 : i32
      "tpu.region"() ({
        %run_scoped3A = tpu.sem_alloc : memref<!tpu.dma_semaphore, #tpu.memory_space<semaphore_mem>>
        %dma_start3A_41 = arith.constant 0 : i32
        %dma_start3A_42 = tpu.memref_slice %arg5[%add3A_17, %dma_start3A_41] : memref<320000x128xf32, #tpu.memory_space<hbm>> -> memref<80x128xf32, #tpu.memory_space<hbm>>
        %dma_start3A_43 = arith.constant 0 : i32
        %dma_start3A_44 = tpu.memref_slice %arg5[%add3A_17, %dma_start3A_43] : memref<320000x128xf32, #tpu.memory_space<hbm>> -> memref<80x128xf32, #tpu.memory_space<hbm>>
        tpu.enqueue_dma source(%arg10 : memref<80x128xf32, #tpu.memory_space<vmem>>) target(%dma_start3A_44 : memref<80x128xf32, #tpu.memory_space<hbm>>) target_semaphore(%run_scoped3A : memref<!tpu.dma_semaphore, #tpu.memory_space<semaphore_mem>>)
        %dma_wait3A_45 = arith.constant 0 : i32
        %dma_wait3A_46 = tpu.memref_slice %arg5[%add3A_17, %dma_wait3A_45] : memref<320000x128xf32, #tpu.memory_space<hbm>> -> memref<80x128xf32, #tpu.memory_space<hbm>>
        %dma_wait3A_47 = arith.constant 0 : i32
        %dma_wait3A_48 = tpu.memref_slice %arg5[%add3A_17, %dma_wait3A_47] : memref<320000x128xf32, #tpu.memory_space<hbm>> -> memref<80x128xf32, #tpu.memory_space<hbm>>
        tpu.wait_dma2 semaphore(%run_scoped3A : memref<!tpu.dma_semaphore, #tpu.memory_space<semaphore_mem>>) src(%arg10 : memref<80x128xf32, #tpu.memory_space<vmem>>) dst(%dma_wait3A_48 : memref<80x128xf32, #tpu.memory_space<hbm>>)
        tpu.yield
      }) : () -> ()
    }
    %scan3A_9 = arith.constant 125 : i32
    return
  }
}

#map = affine_map<(d0, d1) -> (0, 0)>
#map1 = affine_map<(d0, d1) -> (0, 0, 0)>
module attributes {stable_mosaic.version = 14 : i64} {
  func.func @_sce_body(%arg0: i32, %arg1: i32, %arg2: memref<20000x128xf32, #tpu.memory_space<hbm>>, %arg3: memref<320000x128xf32, #tpu.memory_space<hbm>>, %arg4: memref<4000x3x80xi32, #tpu.memory_space<hbm>>, %arg5: memref<20480x128xf32, #tpu.memory_space<hbm>>, %arg6: memref<3x80xi32, #tpu.memory_space<vmem>>, %arg7: memref<80xi32, #tpu.memory_space<vmem>>, %arg8: memref<80xi32, #tpu.memory_space<vmem>>, %arg9: memref<80x128xf32, #tpu.memory_space<vmem>>, %arg10: memref<80x128xf32, #tpu.memory_space<vmem>>, %arg11: memref<10240x128xf32, #tpu.memory_space<vmem_shared>>, %arg12: memref<!tpu.dma_semaphore, #tpu.memory_space<semaphore_mem>>) attributes {dimension_semantics = [#tpu.dimension_semantics<core_parallel>, #tpu.dimension_semantics<subcore_parallel>], iteration_bounds = array<i64: 2, 16>, scalar_prefetch = 0 : i64, scratch_operands = 7 : i64, tpu.core_type = #tpu.core_type<sc_vector_subcore>, window_params = [{transform_indices = #map}, {transform_indices = #map}, {transform_indices = #map1}, {transform_indices = #map}]} {
    %mul3A = arith.constant 16 : i32
    %mul3A_0 = arith.muli %arg0, %mul3A : i32
    %add3A = arith.addi %mul3A_0, %arg1 : i32
    %mul3A_1 = arith.constant 10000 : i32
    %mul3A_2 = arith.muli %add3A, %mul3A_1 : i32
    %mul3A_3 = arith.constant 16 : i32
    %mul3A_4 = arith.muli %arg0, %mul3A_3 : i32
    %add3A_5 = arith.addi %mul3A_4, %arg1 : i32
    %scan3A = arith.constant 0 : i32
    %scan3A_6 = arith.constant 80 : i32
    %scan3A_7 = arith.addi %scan3A, %scan3A_6 : i32
    %scan3A_8 = arith.constant 1 : i32
    scf.for %scan3A_55 = %scan3A to %scan3A_7 step %scan3A_8  : i32 {
      %mul3A_56 = arith.constant 1 : i32
      %mul3A_57 = arith.muli %scan3A_55, %mul3A_56 : i32
      %add3A_58 = arith.constant 0 : i32
      %add3A_59 = arith.addi %add3A_58, %mul3A_57 : i32
      %broadcast_in_dim3A = arith.constant 0.000000e+00 : f32
      %broadcast_in_dim3A_60 = vector.broadcast %broadcast_in_dim3A : f32 to vector<16xf32>
      %swap3A = arith.index_cast %add3A_59 : i32 to index
      %swap3A_61 = arith.constant 0 : index
      %swap3A_62 = tpu.vector_load %arg9[%swap3A, %swap3A_61] {strides = array<i32>} : memref<80x128xf32, #tpu.memory_space<vmem>>, vector<1x16xf32>,
      %swap3A_63 = vector.shape_cast %swap3A_62 : vector<1x16xf32> to vector<16xf32>
      %swap3A_64 = vector.shape_cast %broadcast_in_dim3A_60 : vector<16xf32> to vector<1x16xf32>
      tpu.vector_store %arg9[%swap3A, %swap3A_61], %swap3A_64 {strides = array<i32>} : memref<80x128xf32, #tpu.memory_space<vmem>>, vector<1x16xf32>,
      %broadcast_in_dim3A_65 = arith.constant 0.000000e+00 : f32
      %broadcast_in_dim3A_66 = vector.broadcast %broadcast_in_dim3A_65 : f32 to vector<16xf32>
      %swap3A_67 = arith.index_cast %add3A_59 : i32 to index
      %swap3A_68 = arith.constant 16 : index
      %swap3A_69 = tpu.vector_load %arg9[%swap3A_67, %swap3A_68] {strides = array<i32>} : memref<80x128xf32, #tpu.memory_space<vmem>>, vector<1x16xf32>,
      %swap3A_70 = vector.shape_cast %swap3A_69 : vector<1x16xf32> to vector<16xf32>
      %swap3A_71 = vector.shape_cast %broadcast_in_dim3A_66 : vector<16xf32> to vector<1x16xf32>
      tpu.vector_store %arg9[%swap3A_67, %swap3A_68], %swap3A_71 {strides = array<i32>} : memref<80x128xf32, #tpu.memory_space<vmem>>, vector<1x16xf32>,
      %broadcast_in_dim3A_72 = arith.constant 0.000000e+00 : f32
      %broadcast_in_dim3A_73 = vector.broadcast %broadcast_in_dim3A_72 : f32 to vector<16xf32>
      %swap3A_74 = arith.index_cast %add3A_59 : i32 to index
      %swap3A_75 = arith.constant 32 : index
      %swap3A_76 = tpu.vector_load %arg9[%swap3A_74, %swap3A_75] {strides = array<i32>} : memref<80x128xf32, #tpu.memory_space<vmem>>, vector<1x16xf32>,
      %swap3A_77 = vector.shape_cast %swap3A_76 : vector<1x16xf32> to vector<16xf32>
      %swap3A_78 = vector.shape_cast %broadcast_in_dim3A_73 : vector<16xf32> to vector<1x16xf32>
      tpu.vector_store %arg9[%swap3A_74, %swap3A_75], %swap3A_78 {strides = array<i32>} : memref<80x128xf32, #tpu.memory_space<vmem>>, vector<1x16xf32>,
      %broadcast_in_dim3A_79 = arith.constant 0.000000e+00 : f32
      %broadcast_in_dim3A_80 = vector.broadcast %broadcast_in_dim3A_79 : f32 to vector<16xf32>
      %swap3A_81 = arith.index_cast %add3A_59 : i32 to index
      %swap3A_82 = arith.constant 48 : index
      %swap3A_83 = tpu.vector_load %arg9[%swap3A_81, %swap3A_82] {strides = array<i32>} : memref<80x128xf32, #tpu.memory_space<vmem>>, vector<1x16xf32>,
      %swap3A_84 = vector.shape_cast %swap3A_83 : vector<1x16xf32> to vector<16xf32>
      %swap3A_85 = vector.shape_cast %broadcast_in_dim3A_80 : vector<16xf32> to vector<1x16xf32>
      tpu.vector_store %arg9[%swap3A_81, %swap3A_82], %swap3A_85 {strides = array<i32>} : memref<80x128xf32, #tpu.memory_space<vmem>>, vector<1x16xf32>,
      %broadcast_in_dim3A_86 = arith.constant 0.000000e+00 : f32
      %broadcast_in_dim3A_87 = vector.broadcast %broadcast_in_dim3A_86 : f32 to vector<16xf32>
      %swap3A_88 = arith.index_cast %add3A_59 : i32 to index
      %swap3A_89 = arith.constant 64 : index
      %swap3A_90 = tpu.vector_load %arg9[%swap3A_88, %swap3A_89] {strides = array<i32>} : memref<80x128xf32, #tpu.memory_space<vmem>>, vector<1x16xf32>,
      %swap3A_91 = vector.shape_cast %swap3A_90 : vector<1x16xf32> to vector<16xf32>
      %swap3A_92 = vector.shape_cast %broadcast_in_dim3A_87 : vector<16xf32> to vector<1x16xf32>
      tpu.vector_store %arg9[%swap3A_88, %swap3A_89], %swap3A_92 {strides = array<i32>} : memref<80x128xf32, #tpu.memory_space<vmem>>, vector<1x16xf32>,
      %broadcast_in_dim3A_93 = arith.constant 0.000000e+00 : f32
      %broadcast_in_dim3A_94 = vector.broadcast %broadcast_in_dim3A_93 : f32 to vector<16xf32>
      %swap3A_95 = arith.index_cast %add3A_59 : i32 to index
      %swap3A_96 = arith.constant 80 : index
      %swap3A_97 = tpu.vector_load %arg9[%swap3A_95, %swap3A_96] {strides = array<i32>} : memref<80x128xf32, #tpu.memory_space<vmem>>, vector<1x16xf32>,
      %swap3A_98 = vector.shape_cast %swap3A_97 : vector<1x16xf32> to vector<16xf32>
      %swap3A_99 = vector.shape_cast %broadcast_in_dim3A_94 : vector<16xf32> to vector<1x16xf32>
      tpu.vector_store %arg9[%swap3A_95, %swap3A_96], %swap3A_99 {strides = array<i32>} : memref<80x128xf32, #tpu.memory_space<vmem>>, vector<1x16xf32>,
      %broadcast_in_dim3A_100 = arith.constant 0.000000e+00 : f32
      %broadcast_in_dim3A_101 = vector.broadcast %broadcast_in_dim3A_100 : f32 to vector<16xf32>
      %swap3A_102 = arith.index_cast %add3A_59 : i32 to index
      %swap3A_103 = arith.constant 96 : index
      %swap3A_104 = tpu.vector_load %arg9[%swap3A_102, %swap3A_103] {strides = array<i32>} : memref<80x128xf32, #tpu.memory_space<vmem>>, vector<1x16xf32>,
      %swap3A_105 = vector.shape_cast %swap3A_104 : vector<1x16xf32> to vector<16xf32>
      %swap3A_106 = vector.shape_cast %broadcast_in_dim3A_101 : vector<16xf32> to vector<1x16xf32>
      tpu.vector_store %arg9[%swap3A_102, %swap3A_103], %swap3A_106 {strides = array<i32>} : memref<80x128xf32, #tpu.memory_space<vmem>>, vector<1x16xf32>,
      %broadcast_in_dim3A_107 = arith.constant 0.000000e+00 : f32
      %broadcast_in_dim3A_108 = vector.broadcast %broadcast_in_dim3A_107 : f32 to vector<16xf32>
      %swap3A_109 = arith.index_cast %add3A_59 : i32 to index
      %swap3A_110 = arith.constant 112 : index
      %swap3A_111 = tpu.vector_load %arg9[%swap3A_109, %swap3A_110] {strides = array<i32>} : memref<80x128xf32, #tpu.memory_space<vmem>>, vector<1x16xf32>,
      %swap3A_112 = vector.shape_cast %swap3A_111 : vector<1x16xf32> to vector<16xf32>
      %swap3A_113 = vector.shape_cast %broadcast_in_dim3A_108 : vector<16xf32> to vector<1x16xf32>
      tpu.vector_store %arg9[%swap3A_109, %swap3A_110], %swap3A_113 {strides = array<i32>} : memref<80x128xf32, #tpu.memory_space<vmem>>, vector<1x16xf32>,
    }
    %scan3A_9 = arith.constant 80 : i32
    %mul3A_10 = arith.constant 640 : i32
    %mul3A_11 = arith.muli %arg1, %mul3A_10 : i32
    %add3A_12 = arith.constant 0 : i32
    %add3A_13 = arith.addi %mul3A_11, %add3A_12 : i32
    "tpu.region"() ({
      %run_scoped3A = tpu.sem_alloc : memref<!tpu.dma_semaphore, #tpu.memory_space<semaphore_mem>>
      %dma_start3A = arith.constant 0 : i32
      %dma_start3A_55 = tpu.memref_slice %arg11[%add3A_13, %dma_start3A] : memref<10240x128xf32, #tpu.memory_space<vmem_shared>> -> memref<80x128xf32, #tpu.memory_space<vmem_shared>>
      %dma_start3A_56 = arith.constant 0 : i32
      %dma_start3A_57 = tpu.memref_slice %arg11[%add3A_13, %dma_start3A_56] : memref<10240x128xf32, #tpu.memory_space<vmem_shared>> -> memref<80x128xf32, #tpu.memory_space<vmem_shared>>
      tpu.enqueue_dma source(%arg9 : memref<80x128xf32, #tpu.memory_space<vmem>>) target(%dma_start3A_57 : memref<80x128xf32, #tpu.memory_space<vmem_shared>>) target_semaphore(%run_scoped3A : memref<!tpu.dma_semaphore, #tpu.memory_space<semaphore_mem>>)
      %dma_wait3A = arith.constant 0 : i32
      %dma_wait3A_58 = tpu.memref_slice %arg11[%add3A_13, %dma_wait3A] : memref<10240x128xf32, #tpu.memory_space<vmem_shared>> -> memref<80x128xf32, #tpu.memory_space<vmem_shared>>
      %dma_wait3A_59 = arith.constant 0 : i32
      %dma_wait3A_60 = tpu.memref_slice %arg11[%add3A_13, %dma_wait3A_59] : memref<10240x128xf32, #tpu.memory_space<vmem_shared>> -> memref<80x128xf32, #tpu.memory_space<vmem_shared>>
      tpu.wait_dma2 semaphore(%run_scoped3A : memref<!tpu.dma_semaphore, #tpu.memory_space<semaphore_mem>>) src(%arg9 : memref<80x128xf32, #tpu.memory_space<vmem>>) dst(%dma_wait3A_60 : memref<80x128xf32, #tpu.memory_space<vmem_shared>>)
      tpu.yield
    }) : () -> ()
    %mul3A_14 = arith.constant 640 : i32
    %mul3A_15 = arith.muli %arg1, %mul3A_14 : i32
    %add3A_16 = arith.constant 80 : i32
    %add3A_17 = arith.addi %mul3A_15, %add3A_16 : i32
    "tpu.region"() ({
      %run_scoped3A = tpu.sem_alloc : memref<!tpu.dma_semaphore, #tpu.memory_space<semaphore_mem>>
      %dma_start3A = arith.constant 0 : i32
      %dma_start3A_55 = tpu.memref_slice %arg11[%add3A_17, %dma_start3A] : memref<10240x128xf32, #tpu.memory_space<vmem_shared>> -> memref<80x128xf32, #tpu.memory_space<vmem_shared>>
      %dma_start3A_56 = arith.constant 0 : i32
      %dma_start3A_57 = tpu.memref_slice %arg11[%add3A_17, %dma_start3A_56] : memref<10240x128xf32, #tpu.memory_space<vmem_shared>> -> memref<80x128xf32, #tpu.memory_space<vmem_shared>>
      tpu.enqueue_dma source(%arg9 : memref<80x128xf32, #tpu.memory_space<vmem>>) target(%dma_start3A_57 : memref<80x128xf32, #tpu.memory_space<vmem_shared>>) target_semaphore(%run_scoped3A : memref<!tpu.dma_semaphore, #tpu.memory_space<semaphore_mem>>)
      %dma_wait3A = arith.constant 0 : i32
      %dma_wait3A_58 = tpu.memref_slice %arg11[%add3A_17, %dma_wait3A] : memref<10240x128xf32, #tpu.memory_space<vmem_shared>> -> memref<80x128xf32, #tpu.memory_space<vmem_shared>>
      %dma_wait3A_59 = arith.constant 0 : i32
      %dma_wait3A_60 = tpu.memref_slice %arg11[%add3A_17, %dma_wait3A_59] : memref<10240x128xf32, #tpu.memory_space<vmem_shared>> -> memref<80x128xf32, #tpu.memory_space<vmem_shared>>
      tpu.wait_dma2 semaphore(%run_scoped3A : memref<!tpu.dma_semaphore, #tpu.memory_space<semaphore_mem>>) src(%arg9 : memref<80x128xf32, #tpu.memory_space<vmem>>) dst(%dma_wait3A_60 : memref<80x128xf32, #tpu.memory_space<vmem_shared>>)
      tpu.yield
    }) : () -> ()
    %mul3A_18 = arith.constant 640 : i32
    %mul3A_19 = arith.muli %arg1, %mul3A_18 : i32
    %add3A_20 = arith.constant 160 : i32
    %add3A_21 = arith.addi %mul3A_19, %add3A_20 : i32
    "tpu.region"() ({
      %run_scoped3A = tpu.sem_alloc : memref<!tpu.dma_semaphore, #tpu.memory_space<semaphore_mem>>
      %dma_start3A = arith.constant 0 : i32
      %dma_start3A_55 = tpu.memref_slice %arg11[%add3A_21, %dma_start3A] : memref<10240x128xf32, #tpu.memory_space<vmem_shared>> -> memref<80x128xf32, #tpu.memory_space<vmem_shared>>
      %dma_start3A_56 = arith.constant 0 : i32
      %dma_start3A_57 = tpu.memref_slice %arg11[%add3A_21, %dma_start3A_56] : memref<10240x128xf32, #tpu.memory_space<vmem_shared>> -> memref<80x128xf32, #tpu.memory_space<vmem_shared>>
      tpu.enqueue_dma source(%arg9 : memref<80x128xf32, #tpu.memory_space<vmem>>) target(%dma_start3A_57 : memref<80x128xf32, #tpu.memory_space<vmem_shared>>) target_semaphore(%run_scoped3A : memref<!tpu.dma_semaphore, #tpu.memory_space<semaphore_mem>>)
      %dma_wait3A = arith.constant 0 : i32
      %dma_wait3A_58 = tpu.memref_slice %arg11[%add3A_21, %dma_wait3A] : memref<10240x128xf32, #tpu.memory_space<vmem_shared>> -> memref<80x128xf32, #tpu.memory_space<vmem_shared>>
      %dma_wait3A_59 = arith.constant 0 : i32
      %dma_wait3A_60 = tpu.memref_slice %arg11[%add3A_21, %dma_wait3A_59] : memref<10240x128xf32, #tpu.memory_space<vmem_shared>> -> memref<80x128xf32, #tpu.memory_space<vmem_shared>>
      tpu.wait_dma2 semaphore(%run_scoped3A : memref<!tpu.dma_semaphore, #tpu.memory_space<semaphore_mem>>) src(%arg9 : memref<80x128xf32, #tpu.memory_space<vmem>>) dst(%dma_wait3A_60 : memref<80x128xf32, #tpu.memory_space<vmem_shared>>)
      tpu.yield
    }) : () -> ()
    %mul3A_22 = arith.constant 640 : i32
    %mul3A_23 = arith.muli %arg1, %mul3A_22 : i32
    %add3A_24 = arith.constant 240 : i32
    %add3A_25 = arith.addi %mul3A_23, %add3A_24 : i32
    "tpu.region"() ({
      %run_scoped3A = tpu.sem_alloc : memref<!tpu.dma_semaphore, #tpu.memory_space<semaphore_mem>>
      %dma_start3A = arith.constant 0 : i32
      %dma_start3A_55 = tpu.memref_slice %arg11[%add3A_25, %dma_start3A] : memref<10240x128xf32, #tpu.memory_space<vmem_shared>> -> memref<80x128xf32, #tpu.memory_space<vmem_shared>>
      %dma_start3A_56 = arith.constant 0 : i32
      %dma_start3A_57 = tpu.memref_slice %arg11[%add3A_25, %dma_start3A_56] : memref<10240x128xf32, #tpu.memory_space<vmem_shared>> -> memref<80x128xf32, #tpu.memory_space<vmem_shared>>
      tpu.enqueue_dma source(%arg9 : memref<80x128xf32, #tpu.memory_space<vmem>>) target(%dma_start3A_57 : memref<80x128xf32, #tpu.memory_space<vmem_shared>>) target_semaphore(%run_scoped3A : memref<!tpu.dma_semaphore, #tpu.memory_space<semaphore_mem>>)
      %dma_wait3A = arith.constant 0 : i32
      %dma_wait3A_58 = tpu.memref_slice %arg11[%add3A_25, %dma_wait3A] : memref<10240x128xf32, #tpu.memory_space<vmem_shared>> -> memref<80x128xf32, #tpu.memory_space<vmem_shared>>
      %dma_wait3A_59 = arith.constant 0 : i32
      %dma_wait3A_60 = tpu.memref_slice %arg11[%add3A_25, %dma_wait3A_59] : memref<10240x128xf32, #tpu.memory_space<vmem_shared>> -> memref<80x128xf32, #tpu.memory_space<vmem_shared>>
      tpu.wait_dma2 semaphore(%run_scoped3A : memref<!tpu.dma_semaphore, #tpu.memory_space<semaphore_mem>>) src(%arg9 : memref<80x128xf32, #tpu.memory_space<vmem>>) dst(%dma_wait3A_60 : memref<80x128xf32, #tpu.memory_space<vmem_shared>>)
      tpu.yield
    }) : () -> ()
    %mul3A_26 = arith.constant 640 : i32
    %mul3A_27 = arith.muli %arg1, %mul3A_26 : i32
    %add3A_28 = arith.constant 320 : i32
    %add3A_29 = arith.addi %mul3A_27, %add3A_28 : i32
    "tpu.region"() ({
      %run_scoped3A = tpu.sem_alloc : memref<!tpu.dma_semaphore, #tpu.memory_space<semaphore_mem>>
      %dma_start3A = arith.constant 0 : i32
      %dma_start3A_55 = tpu.memref_slice %arg11[%add3A_29, %dma_start3A] : memref<10240x128xf32, #tpu.memory_space<vmem_shared>> -> memref<80x128xf32, #tpu.memory_space<vmem_shared>>
      %dma_start3A_56 = arith.constant 0 : i32
      %dma_start3A_57 = tpu.memref_slice %arg11[%add3A_29, %dma_start3A_56] : memref<10240x128xf32, #tpu.memory_space<vmem_shared>> -> memref<80x128xf32, #tpu.memory_space<vmem_shared>>
      tpu.enqueue_dma source(%arg9 : memref<80x128xf32, #tpu.memory_space<vmem>>) target(%dma_start3A_57 : memref<80x128xf32, #tpu.memory_space<vmem_shared>>) target_semaphore(%run_scoped3A : memref<!tpu.dma_semaphore, #tpu.memory_space<semaphore_mem>>)
      %dma_wait3A = arith.constant 0 : i32
      %dma_wait3A_58 = tpu.memref_slice %arg11[%add3A_29, %dma_wait3A] : memref<10240x128xf32, #tpu.memory_space<vmem_shared>> -> memref<80x128xf32, #tpu.memory_space<vmem_shared>>
      %dma_wait3A_59 = arith.constant 0 : i32
      %dma_wait3A_60 = tpu.memref_slice %arg11[%add3A_29, %dma_wait3A_59] : memref<10240x128xf32, #tpu.memory_space<vmem_shared>> -> memref<80x128xf32, #tpu.memory_space<vmem_shared>>
      tpu.wait_dma2 semaphore(%run_scoped3A : memref<!tpu.dma_semaphore, #tpu.memory_space<semaphore_mem>>) src(%arg9 : memref<80x128xf32, #tpu.memory_space<vmem>>) dst(%dma_wait3A_60 : memref<80x128xf32, #tpu.memory_space<vmem_shared>>)
      tpu.yield
    }) : () -> ()
    %mul3A_30 = arith.constant 640 : i32
    %mul3A_31 = arith.muli %arg1, %mul3A_30 : i32
    %add3A_32 = arith.constant 400 : i32
    %add3A_33 = arith.addi %mul3A_31, %add3A_32 : i32
    "tpu.region"() ({
      %run_scoped3A = tpu.sem_alloc : memref<!tpu.dma_semaphore, #tpu.memory_space<semaphore_mem>>
      %dma_start3A = arith.constant 0 : i32
      %dma_start3A_55 = tpu.memref_slice %arg11[%add3A_33, %dma_start3A] : memref<10240x128xf32, #tpu.memory_space<vmem_shared>> -> memref<80x128xf32, #tpu.memory_space<vmem_shared>>
      %dma_start3A_56 = arith.constant 0 : i32
      %dma_start3A_57 = tpu.memref_slice %arg11[%add3A_33, %dma_start3A_56] : memref<10240x128xf32, #tpu.memory_space<vmem_shared>> -> memref<80x128xf32, #tpu.memory_space<vmem_shared>>
      tpu.enqueue_dma source(%arg9 : memref<80x128xf32, #tpu.memory_space<vmem>>) target(%dma_start3A_57 : memref<80x128xf32, #tpu.memory_space<vmem_shared>>) target_semaphore(%run_scoped3A : memref<!tpu.dma_semaphore, #tpu.memory_space<semaphore_mem>>)
      %dma_wait3A = arith.constant 0 : i32
      %dma_wait3A_58 = tpu.memref_slice %arg11[%add3A_33, %dma_wait3A] : memref<10240x128xf32, #tpu.memory_space<vmem_shared>> -> memref<80x128xf32, #tpu.memory_space<vmem_shared>>
      %dma_wait3A_59 = arith.constant 0 : i32
      %dma_wait3A_60 = tpu.memref_slice %arg11[%add3A_33, %dma_wait3A_59] : memref<10240x128xf32, #tpu.memory_space<vmem_shared>> -> memref<80x128xf32, #tpu.memory_space<vmem_shared>>
      tpu.wait_dma2 semaphore(%run_scoped3A : memref<!tpu.dma_semaphore, #tpu.memory_space<semaphore_mem>>) src(%arg9 : memref<80x128xf32, #tpu.memory_space<vmem>>) dst(%dma_wait3A_60 : memref<80x128xf32, #tpu.memory_space<vmem_shared>>)
      tpu.yield
    }) : () -> ()
    %mul3A_34 = arith.constant 640 : i32
    %mul3A_35 = arith.muli %arg1, %mul3A_34 : i32
    %add3A_36 = arith.constant 480 : i32
    %add3A_37 = arith.addi %mul3A_35, %add3A_36 : i32
    "tpu.region"() ({
      %run_scoped3A = tpu.sem_alloc : memref<!tpu.dma_semaphore, #tpu.memory_space<semaphore_mem>>
      %dma_start3A = arith.constant 0 : i32
      %dma_start3A_55 = tpu.memref_slice %arg11[%add3A_37, %dma_start3A] : memref<10240x128xf32, #tpu.memory_space<vmem_shared>> -> memref<80x128xf32, #tpu.memory_space<vmem_shared>>
      %dma_start3A_56 = arith.constant 0 : i32
      %dma_start3A_57 = tpu.memref_slice %arg11[%add3A_37, %dma_start3A_56] : memref<10240x128xf32, #tpu.memory_space<vmem_shared>> -> memref<80x128xf32, #tpu.memory_space<vmem_shared>>
      tpu.enqueue_dma source(%arg9 : memref<80x128xf32, #tpu.memory_space<vmem>>) target(%dma_start3A_57 : memref<80x128xf32, #tpu.memory_space<vmem_shared>>) target_semaphore(%run_scoped3A : memref<!tpu.dma_semaphore, #tpu.memory_space<semaphore_mem>>)
      %dma_wait3A = arith.constant 0 : i32
      %dma_wait3A_58 = tpu.memref_slice %arg11[%add3A_37, %dma_wait3A] : memref<10240x128xf32, #tpu.memory_space<vmem_shared>> -> memref<80x128xf32, #tpu.memory_space<vmem_shared>>
      %dma_wait3A_59 = arith.constant 0 : i32
      %dma_wait3A_60 = tpu.memref_slice %arg11[%add3A_37, %dma_wait3A_59] : memref<10240x128xf32, #tpu.memory_space<vmem_shared>> -> memref<80x128xf32, #tpu.memory_space<vmem_shared>>
      tpu.wait_dma2 semaphore(%run_scoped3A : memref<!tpu.dma_semaphore, #tpu.memory_space<semaphore_mem>>) src(%arg9 : memref<80x128xf32, #tpu.memory_space<vmem>>) dst(%dma_wait3A_60 : memref<80x128xf32, #tpu.memory_space<vmem_shared>>)
      tpu.yield
    }) : () -> ()
    %mul3A_38 = arith.constant 640 : i32
    %mul3A_39 = arith.muli %arg1, %mul3A_38 : i32
    %add3A_40 = arith.constant 560 : i32
    %add3A_41 = arith.addi %mul3A_39, %add3A_40 : i32
    "tpu.region"() ({
      %run_scoped3A = tpu.sem_alloc : memref<!tpu.dma_semaphore, #tpu.memory_space<semaphore_mem>>
      %dma_start3A = arith.constant 0 : i32
      %dma_start3A_55 = tpu.memref_slice %arg11[%add3A_41, %dma_start3A] : memref<10240x128xf32, #tpu.memory_space<vmem_shared>> -> memref<80x128xf32, #tpu.memory_space<vmem_shared>>
      %dma_start3A_56 = arith.constant 0 : i32
      %dma_start3A_57 = tpu.memref_slice %arg11[%add3A_41, %dma_start3A_56] : memref<10240x128xf32, #tpu.memory_space<vmem_shared>> -> memref<80x128xf32, #tpu.memory_space<vmem_shared>>
      tpu.enqueue_dma source(%arg9 : memref<80x128xf32, #tpu.memory_space<vmem>>) target(%dma_start3A_57 : memref<80x128xf32, #tpu.memory_space<vmem_shared>>) target_semaphore(%run_scoped3A : memref<!tpu.dma_semaphore, #tpu.memory_space<semaphore_mem>>)
      %dma_wait3A = arith.constant 0 : i32
      %dma_wait3A_58 = tpu.memref_slice %arg11[%add3A_41, %dma_wait3A] : memref<10240x128xf32, #tpu.memory_space<vmem_shared>> -> memref<80x128xf32, #tpu.memory_space<vmem_shared>>
      %dma_wait3A_59 = arith.constant 0 : i32
      %dma_wait3A_60 = tpu.memref_slice %arg11[%add3A_41, %dma_wait3A_59] : memref<10240x128xf32, #tpu.memory_space<vmem_shared>> -> memref<80x128xf32, #tpu.memory_space<vmem_shared>>
      tpu.wait_dma2 semaphore(%run_scoped3A : memref<!tpu.dma_semaphore, #tpu.memory_space<semaphore_mem>>) src(%arg9 : memref<80x128xf32, #tpu.memory_space<vmem>>) dst(%dma_wait3A_60 : memref<80x128xf32, #tpu.memory_space<vmem_shared>>)
      tpu.yield
    }) : () -> ()
    %barrier3A = arith.constant 0 : index
    tpu.barrier barrier_id(%barrier3A)
    %scan3A_42 = arith.constant 0 : i32
    %scan3A_43 = arith.constant 125 : i32
    %scan3A_44 = arith.addi %scan3A_42, %scan3A_43 : i32
    %scan3A_45 = arith.constant 1 : i32
    scf.for %scan3A_55 = %scan3A_42 to %scan3A_44 step %scan3A_45  : i32 {
      %mul3A_56 = arith.constant 1 : i32
      %mul3A_57 = arith.muli %scan3A_55, %mul3A_56 : i32
      %add3A_58 = arith.constant 0 : i32
      %add3A_59 = arith.addi %add3A_58, %mul3A_57 : i32
      %mul3A_60 = arith.constant 80 : i32
      %mul3A_61 = arith.muli %add3A_59, %mul3A_60 : i32
      %add3A_62 = arith.addi %mul3A_2, %mul3A_61 : i32
      %mul3A_63 = arith.constant 125 : i32
      %mul3A_64 = arith.muli %add3A_5, %mul3A_63 : i32
      %add3A_65 = arith.addi %mul3A_64, %add3A_59 : i32
      "tpu.region"() ({
        %run_scoped3A = tpu.sem_alloc : memref<!tpu.dma_semaphore, #tpu.memory_space<semaphore_mem>>
        %dma_start3A_80 = arith.constant 0 : i32
        %dma_start3A_81 = arith.constant 0 : i32
        %dma_start3A_82 = tpu.memref_slice %arg4[%add3A_65, %dma_start3A_80, %dma_start3A_81] : memref<4000x3x80xi32, #tpu.memory_space<hbm>> -> memref<1x3x80xi32, #tpu.memory_space<hbm>>
        %dma_start3A_83 = tpu.memref_squeeze %dma_start3A_82 : memref<1x3x80xi32, #tpu.memory_space<hbm>> -> memref<3x80xi32, #tpu.memory_space<hbm>>
        %dma_start3A_84 = arith.constant 0 : i32
        %dma_start3A_85 = arith.constant 0 : i32
        %dma_start3A_86 = tpu.memref_slice %arg4[%add3A_65, %dma_start3A_84, %dma_start3A_85] : memref<4000x3x80xi32, #tpu.memory_space<hbm>> -> memref<1x3x80xi32, #tpu.memory_space<hbm>>
        %dma_start3A_87 = tpu.memref_squeeze %dma_start3A_86 : memref<1x3x80xi32, #tpu.memory_space<hbm>> -> memref<3x80xi32, #tpu.memory_space<hbm>>
        tpu.enqueue_dma source(%dma_start3A_87 : memref<3x80xi32, #tpu.memory_space<hbm>>) target(%arg6 : memref<3x80xi32, #tpu.memory_space<vmem>>) target_semaphore(%run_scoped3A : memref<!tpu.dma_semaphore, #tpu.memory_space<semaphore_mem>>)
        %dma_wait3A_88 = arith.constant 0 : i32
        %dma_wait3A_89 = arith.constant 0 : i32
        %dma_wait3A_90 = tpu.memref_slice %arg4[%add3A_65, %dma_wait3A_88, %dma_wait3A_89] : memref<4000x3x80xi32, #tpu.memory_space<hbm>> -> memref<1x3x80xi32, #tpu.memory_space<hbm>>
        %dma_wait3A_91 = tpu.memref_squeeze %dma_wait3A_90 : memref<1x3x80xi32, #tpu.memory_space<hbm>> -> memref<3x80xi32, #tpu.memory_space<hbm>>
        %dma_wait3A_92 = arith.constant 0 : i32
        %dma_wait3A_93 = arith.constant 0 : i32
        %dma_wait3A_94 = tpu.memref_slice %arg4[%add3A_65, %dma_wait3A_92, %dma_wait3A_93] : memref<4000x3x80xi32, #tpu.memory_space<hbm>> -> memref<1x3x80xi32, #tpu.memory_space<hbm>>
        %dma_wait3A_95 = tpu.memref_squeeze %dma_wait3A_94 : memref<1x3x80xi32, #tpu.memory_space<hbm>> -> memref<3x80xi32, #tpu.memory_space<hbm>>
        tpu.wait_dma2 semaphore(%run_scoped3A : memref<!tpu.dma_semaphore, #tpu.memory_space<semaphore_mem>>) src(%dma_wait3A_95 : memref<3x80xi32, #tpu.memory_space<hbm>>) dst(%arg6 : memref<3x80xi32, #tpu.memory_space<vmem>>)
        tpu.yield
      }) : () -> ()
      %scan3A_66 = arith.constant 0 : i32
      %scan3A_67 = arith.constant 5 : i32
      %scan3A_68 = arith.addi %scan3A_66, %scan3A_67 : i32
      %scan3A_69 = arith.constant 1 : i32
      scf.for %scan3A_80 = %scan3A_66 to %scan3A_68 step %scan3A_69  : i32 {
        %mul3A_81 = arith.constant 1 : i32
        %mul3A_82 = arith.muli %scan3A_80, %mul3A_81 : i32
        %add3A_83 = arith.constant 0 : i32
        %add3A_84 = arith.addi %add3A_83, %mul3A_82 : i32
        %mul3A_85 = arith.constant 16 : i32
        %mul3A_86 = arith.muli %add3A_84, %mul3A_85 : i32
        %get3A = arith.constant 0 : i32
        %get3A_87 = arith.index_cast %get3A : i32 to index
        %get3A_88 = arith.index_cast %mul3A_86 : i32 to index
        %get3A_89 = tpu.vector_load %arg6[%get3A_87, %get3A_88] {strides = array<i32>} : memref<3x80xi32, #tpu.memory_space<vmem>>, vector<1x16xi32>,
        %get3A_90 = vector.shape_cast %get3A_89 : vector<1x16xi32> to vector<16xi32>
        %mul3A_91 = arith.constant 10000 : i32
        %mul3A_92 = arith.muli %arg0, %mul3A_91 : i32
        %add3A_93 = vector.broadcast %mul3A_92 : i32 to vector<16xi32>
        %add3A_94 = arith.addi %get3A_90, %add3A_93 : vector<16xi32>
        %swap3A = arith.index_cast %mul3A_86 : i32 to index
        %swap3A_95 = tpu.vector_load %arg7[%swap3A] {strides = array<i32>} : memref<80xi32, #tpu.memory_space<vmem>>, vector<16xi32>,
        %swap3A_96 = vector.shape_cast %swap3A_95 : vector<16xi32> to vector<16xi32>
        %swap3A_97 = vector.shape_cast %add3A_94 : vector<16xi32> to vector<16xi32>
        tpu.vector_store %arg7[%swap3A], %swap3A_97 {strides = array<i32>} : memref<80xi32, #tpu.memory_space<vmem>>, vector<16xi32>,
        %get3A_98 = arith.constant 2 : i32
        %get3A_99 = arith.index_cast %get3A_98 : i32 to index
        %get3A_100 = arith.index_cast %mul3A_86 : i32 to index
        %get3A_101 = tpu.vector_load %arg6[%get3A_99, %get3A_100] {strides = array<i32>} : memref<3x80xi32, #tpu.memory_space<vmem>>, vector<1x16xi32>,
        %get3A_102 = vector.shape_cast %get3A_101 : vector<1x16xi32> to vector<16xi32>
        %swap3A_103 = arith.index_cast %mul3A_86 : i32 to index
        %swap3A_104 = tpu.vector_load %arg8[%swap3A_103] {strides = array<i32>} : memref<80xi32, #tpu.memory_space<vmem>>, vector<16xi32>,
        %swap3A_105 = vector.shape_cast %swap3A_104 : vector<16xi32> to vector<16xi32>
        %swap3A_106 = vector.shape_cast %get3A_102 : vector<16xi32> to vector<16xi32>
        tpu.vector_store %arg8[%swap3A_103], %swap3A_106 {strides = array<i32>} : memref<80xi32, #tpu.memory_space<vmem>>, vector<16xi32>,
      }
      %scan3A_70 = arith.constant 5 : i32
      %dma_start3A = arith.constant 0 : i32
      %dma_start3A_71 = arith.constant 0 : i32
      %dma_start3A_72 = tpu.memref_slice %arg2[%dma_start3A, %dma_start3A_71] : memref<20000x128xf32, #tpu.memory_space<hbm>> -> memref<20000x128xf32, #tpu.memory_space<hbm>>
      tpu.enqueue_indirect_dma source(%dma_start3A_72 : memref<20000x128xf32, #tpu.memory_space<hbm>>) target(%arg9 : memref<80x128xf32, #tpu.memory_space<vmem>>) offsets(%arg7 : memref<80xi32, #tpu.memory_space<vmem>>) semaphore(%arg12 : memref<!tpu.dma_semaphore, #tpu.memory_space<semaphore_mem>>)
      "tpu.region"() ({
        %run_scoped3A = tpu.sem_alloc : memref<!tpu.dma_semaphore, #tpu.memory_space<semaphore_mem>>
        %dma_start3A_80 = arith.constant 0 : i32
        %dma_start3A_81 = tpu.memref_slice %arg3[%add3A_62, %dma_start3A_80] : memref<320000x128xf32, #tpu.memory_space<hbm>> -> memref<80x128xf32, #tpu.memory_space<hbm>>
        %dma_start3A_82 = arith.constant 0 : i32
        %dma_start3A_83 = tpu.memref_slice %arg3[%add3A_62, %dma_start3A_82] : memref<320000x128xf32, #tpu.memory_space<hbm>> -> memref<80x128xf32, #tpu.memory_space<hbm>>
        tpu.enqueue_dma source(%dma_start3A_83 : memref<80x128xf32, #tpu.memory_space<hbm>>) target(%arg10 : memref<80x128xf32, #tpu.memory_space<vmem>>) target_semaphore(%run_scoped3A : memref<!tpu.dma_semaphore, #tpu.memory_space<semaphore_mem>>)
        %dma_wait3A_84 = arith.constant 0 : i32
        %dma_wait3A_85 = tpu.memref_slice %arg3[%add3A_62, %dma_wait3A_84] : memref<320000x128xf32, #tpu.memory_space<hbm>> -> memref<80x128xf32, #tpu.memory_space<hbm>>
        %dma_wait3A_86 = arith.constant 0 : i32
        %dma_wait3A_87 = tpu.memref_slice %arg3[%add3A_62, %dma_wait3A_86] : memref<320000x128xf32, #tpu.memory_space<hbm>> -> memref<80x128xf32, #tpu.memory_space<hbm>>
        tpu.wait_dma2 semaphore(%run_scoped3A : memref<!tpu.dma_semaphore, #tpu.memory_space<semaphore_mem>>) src(%dma_wait3A_87 : memref<80x128xf32, #tpu.memory_space<hbm>>) dst(%arg10 : memref<80x128xf32, #tpu.memory_space<vmem>>)
        tpu.yield
      }) : () -> ()
      %dma_wait3A = arith.constant 0 : i32
      %dma_wait3A_73 = arith.constant 0 : i32
      %dma_wait3A_74 = tpu.memref_slice %arg2[%dma_wait3A, %dma_wait3A_73] : memref<20000x128xf32, #tpu.memory_space<hbm>> -> memref<20000x128xf32, #tpu.memory_space<hbm>>
      tpu.wait_indirect_dma semaphore(%arg12 : memref<!tpu.dma_semaphore, #tpu.memory_space<semaphore_mem>>) src(%dma_wait3A_74 : memref<20000x128xf32, #tpu.memory_space<hbm>>) dst(%arg9 : memref<80x128xf32, #tpu.memory_space<vmem>>)
      %scan3A_75 = arith.constant 0 : i32
      %scan3A_76 = arith.constant 80 : i32
      %scan3A_77 = arith.addi %scan3A_75, %scan3A_76 : i32
      %scan3A_78 = arith.constant 1 : i32
      scf.for %scan3A_80 = %scan3A_75 to %scan3A_77 step %scan3A_78  : i32 {
        %mul3A_81 = arith.constant 1 : i32
        %mul3A_82 = arith.muli %scan3A_80, %mul3A_81 : i32
        %add3A_83 = arith.constant 0 : i32
        %add3A_84 = arith.addi %add3A_83, %mul3A_82 : i32
        %get3A = arith.index_cast %add3A_84 : i32 to index
        %get3A_85 = arith.constant 0 : index
        %get3A_86 = tpu.vector_load %arg10[%get3A, %get3A_85] {strides = array<i32>} : memref<80x128xf32, #tpu.memory_space<vmem>>, vector<1x16xf32>,
        %get3A_87 = vector.shape_cast %get3A_86 : vector<1x16xf32> to vector<16xf32>
        %get3A_88 = arith.index_cast %add3A_84 : i32 to index
        %get3A_89 = arith.constant 0 : index
        %get3A_90 = tpu.vector_load %arg9[%get3A_88, %get3A_89] {strides = array<i32>} : memref<80x128xf32, #tpu.memory_space<vmem>>, vector<1x16xf32>,
        %get3A_91 = vector.shape_cast %get3A_90 : vector<1x16xf32> to vector<16xf32>
        %mul3A_92 = arith.mulf %get3A_87, %get3A_91 : vector<16xf32>
        %swap3A = arith.index_cast %add3A_84 : i32 to index
        %swap3A_93 = arith.constant 0 : index
        %swap3A_94 = tpu.vector_load %arg10[%swap3A, %swap3A_93] {strides = array<i32>} : memref<80x128xf32, #tpu.memory_space<vmem>>, vector<1x16xf32>,
        %swap3A_95 = vector.shape_cast %swap3A_94 : vector<1x16xf32> to vector<16xf32>
        %swap3A_96 = vector.shape_cast %mul3A_92 : vector<16xf32> to vector<1x16xf32>
        tpu.vector_store %arg10[%swap3A, %swap3A_93], %swap3A_96 {strides = array<i32>} : memref<80x128xf32, #tpu.memory_space<vmem>>, vector<1x16xf32>,
        %get3A_97 = arith.index_cast %add3A_84 : i32 to index
        %get3A_98 = arith.constant 16 : index
        %get3A_99 = tpu.vector_load %arg10[%get3A_97, %get3A_98] {strides = array<i32>} : memref<80x128xf32, #tpu.memory_space<vmem>>, vector<1x16xf32>,
        %get3A_100 = vector.shape_cast %get3A_99 : vector<1x16xf32> to vector<16xf32>
        %get3A_101 = arith.index_cast %add3A_84 : i32 to index
        %get3A_102 = arith.constant 16 : index
        %get3A_103 = tpu.vector_load %arg9[%get3A_101, %get3A_102] {strides = array<i32>} : memref<80x128xf32, #tpu.memory_space<vmem>>, vector<1x16xf32>,
        %get3A_104 = vector.shape_cast %get3A_103 : vector<1x16xf32> to vector<16xf32>
        %mul3A_105 = arith.mulf %get3A_100, %get3A_104 : vector<16xf32>
        %swap3A_106 = arith.index_cast %add3A_84 : i32 to index
        %swap3A_107 = arith.constant 16 : index
        %swap3A_108 = tpu.vector_load %arg10[%swap3A_106, %swap3A_107] {strides = array<i32>} : memref<80x128xf32, #tpu.memory_space<vmem>>, vector<1x16xf32>,
        %swap3A_109 = vector.shape_cast %swap3A_108 : vector<1x16xf32> to vector<16xf32>
        %swap3A_110 = vector.shape_cast %mul3A_105 : vector<16xf32> to vector<1x16xf32>
        tpu.vector_store %arg10[%swap3A_106, %swap3A_107], %swap3A_110 {strides = array<i32>} : memref<80x128xf32, #tpu.memory_space<vmem>>, vector<1x16xf32>,
        %get3A_111 = arith.index_cast %add3A_84 : i32 to index
        %get3A_112 = arith.constant 32 : index
        %get3A_113 = tpu.vector_load %arg10[%get3A_111, %get3A_112] {strides = array<i32>} : memref<80x128xf32, #tpu.memory_space<vmem>>, vector<1x16xf32>,
        %get3A_114 = vector.shape_cast %get3A_113 : vector<1x16xf32> to vector<16xf32>
        %get3A_115 = arith.index_cast %add3A_84 : i32 to index
        %get3A_116 = arith.constant 32 : index
        %get3A_117 = tpu.vector_load %arg9[%get3A_115, %get3A_116] {strides = array<i32>} : memref<80x128xf32, #tpu.memory_space<vmem>>, vector<1x16xf32>,
        %get3A_118 = vector.shape_cast %get3A_117 : vector<1x16xf32> to vector<16xf32>
        %mul3A_119 = arith.mulf %get3A_114, %get3A_118 : vector<16xf32>
        %swap3A_120 = arith.index_cast %add3A_84 : i32 to index
        %swap3A_121 = arith.constant 32 : index
        %swap3A_122 = tpu.vector_load %arg10[%swap3A_120, %swap3A_121] {strides = array<i32>} : memref<80x128xf32, #tpu.memory_space<vmem>>, vector<1x16xf32>,
        %swap3A_123 = vector.shape_cast %swap3A_122 : vector<1x16xf32> to vector<16xf32>
        %swap3A_124 = vector.shape_cast %mul3A_119 : vector<16xf32> to vector<1x16xf32>
        tpu.vector_store %arg10[%swap3A_120, %swap3A_121], %swap3A_124 {strides = array<i32>} : memref<80x128xf32, #tpu.memory_space<vmem>>, vector<1x16xf32>,
        %get3A_125 = arith.index_cast %add3A_84 : i32 to index
        %get3A_126 = arith.constant 48 : index
        %get3A_127 = tpu.vector_load %arg10[%get3A_125, %get3A_126] {strides = array<i32>} : memref<80x128xf32, #tpu.memory_space<vmem>>, vector<1x16xf32>,
        %get3A_128 = vector.shape_cast %get3A_127 : vector<1x16xf32> to vector<16xf32>
        %get3A_129 = arith.index_cast %add3A_84 : i32 to index
        %get3A_130 = arith.constant 48 : index
        %get3A_131 = tpu.vector_load %arg9[%get3A_129, %get3A_130] {strides = array<i32>} : memref<80x128xf32, #tpu.memory_space<vmem>>, vector<1x16xf32>,
        %get3A_132 = vector.shape_cast %get3A_131 : vector<1x16xf32> to vector<16xf32>
        %mul3A_133 = arith.mulf %get3A_128, %get3A_132 : vector<16xf32>
        %swap3A_134 = arith.index_cast %add3A_84 : i32 to index
        %swap3A_135 = arith.constant 48 : index
        %swap3A_136 = tpu.vector_load %arg10[%swap3A_134, %swap3A_135] {strides = array<i32>} : memref<80x128xf32, #tpu.memory_space<vmem>>, vector<1x16xf32>,
        %swap3A_137 = vector.shape_cast %swap3A_136 : vector<1x16xf32> to vector<16xf32>
        %swap3A_138 = vector.shape_cast %mul3A_133 : vector<16xf32> to vector<1x16xf32>
        tpu.vector_store %arg10[%swap3A_134, %swap3A_135], %swap3A_138 {strides = array<i32>} : memref<80x128xf32, #tpu.memory_space<vmem>>, vector<1x16xf32>,
        %get3A_139 = arith.index_cast %add3A_84 : i32 to index
        %get3A_140 = arith.constant 64 : index
        %get3A_141 = tpu.vector_load %arg10[%get3A_139, %get3A_140] {strides = array<i32>} : memref<80x128xf32, #tpu.memory_space<vmem>>, vector<1x16xf32>,
        %get3A_142 = vector.shape_cast %get3A_141 : vector<1x16xf32> to vector<16xf32>
        %get3A_143 = arith.index_cast %add3A_84 : i32 to index
        %get3A_144 = arith.constant 64 : index
        %get3A_145 = tpu.vector_load %arg9[%get3A_143, %get3A_144] {strides = array<i32>} : memref<80x128xf32, #tpu.memory_space<vmem>>, vector<1x16xf32>,
        %get3A_146 = vector.shape_cast %get3A_145 : vector<1x16xf32> to vector<16xf32>
        %mul3A_147 = arith.mulf %get3A_142, %get3A_146 : vector<16xf32>
        %swap3A_148 = arith.index_cast %add3A_84 : i32 to index
        %swap3A_149 = arith.constant 64 : index
        %swap3A_150 = tpu.vector_load %arg10[%swap3A_148, %swap3A_149] {strides = array<i32>} : memref<80x128xf32, #tpu.memory_space<vmem>>, vector<1x16xf32>,
        %swap3A_151 = vector.shape_cast %swap3A_150 : vector<1x16xf32> to vector<16xf32>
        %swap3A_152 = vector.shape_cast %mul3A_147 : vector<16xf32> to vector<1x16xf32>
        tpu.vector_store %arg10[%swap3A_148, %swap3A_149], %swap3A_152 {strides = array<i32>} : memref<80x128xf32, #tpu.memory_space<vmem>>, vector<1x16xf32>,
        %get3A_153 = arith.index_cast %add3A_84 : i32 to index
        %get3A_154 = arith.constant 80 : index
        %get3A_155 = tpu.vector_load %arg10[%get3A_153, %get3A_154] {strides = array<i32>} : memref<80x128xf32, #tpu.memory_space<vmem>>, vector<1x16xf32>,
        %get3A_156 = vector.shape_cast %get3A_155 : vector<1x16xf32> to vector<16xf32>
        %get3A_157 = arith.index_cast %add3A_84 : i32 to index
        %get3A_158 = arith.constant 80 : index
        %get3A_159 = tpu.vector_load %arg9[%get3A_157, %get3A_158] {strides = array<i32>} : memref<80x128xf32, #tpu.memory_space<vmem>>, vector<1x16xf32>,
        %get3A_160 = vector.shape_cast %get3A_159 : vector<1x16xf32> to vector<16xf32>
        %mul3A_161 = arith.mulf %get3A_156, %get3A_160 : vector<16xf32>
        %swap3A_162 = arith.index_cast %add3A_84 : i32 to index
        %swap3A_163 = arith.constant 80 : index
        %swap3A_164 = tpu.vector_load %arg10[%swap3A_162, %swap3A_163] {strides = array<i32>} : memref<80x128xf32, #tpu.memory_space<vmem>>, vector<1x16xf32>,
        %swap3A_165 = vector.shape_cast %swap3A_164 : vector<1x16xf32> to vector<16xf32>
        %swap3A_166 = vector.shape_cast %mul3A_161 : vector<16xf32> to vector<1x16xf32>
        tpu.vector_store %arg10[%swap3A_162, %swap3A_163], %swap3A_166 {strides = array<i32>} : memref<80x128xf32, #tpu.memory_space<vmem>>, vector<1x16xf32>,
        %get3A_167 = arith.index_cast %add3A_84 : i32 to index
        %get3A_168 = arith.constant 96 : index
        %get3A_169 = tpu.vector_load %arg10[%get3A_167, %get3A_168] {strides = array<i32>} : memref<80x128xf32, #tpu.memory_space<vmem>>, vector<1x16xf32>,
        %get3A_170 = vector.shape_cast %get3A_169 : vector<1x16xf32> to vector<16xf32>
        %get3A_171 = arith.index_cast %add3A_84 : i32 to index
        %get3A_172 = arith.constant 96 : index
        %get3A_173 = tpu.vector_load %arg9[%get3A_171, %get3A_172] {strides = array<i32>} : memref<80x128xf32, #tpu.memory_space<vmem>>, vector<1x16xf32>,
        %get3A_174 = vector.shape_cast %get3A_173 : vector<1x16xf32> to vector<16xf32>
        %mul3A_175 = arith.mulf %get3A_170, %get3A_174 : vector<16xf32>
        %swap3A_176 = arith.index_cast %add3A_84 : i32 to index
        %swap3A_177 = arith.constant 96 : index
        %swap3A_178 = tpu.vector_load %arg10[%swap3A_176, %swap3A_177] {strides = array<i32>} : memref<80x128xf32, #tpu.memory_space<vmem>>, vector<1x16xf32>,
        %swap3A_179 = vector.shape_cast %swap3A_178 : vector<1x16xf32> to vector<16xf32>
        %swap3A_180 = vector.shape_cast %mul3A_175 : vector<16xf32> to vector<1x16xf32>
        tpu.vector_store %arg10[%swap3A_176, %swap3A_177], %swap3A_180 {strides = array<i32>} : memref<80x128xf32, #tpu.memory_space<vmem>>, vector<1x16xf32>,
        %get3A_181 = arith.index_cast %add3A_84 : i32 to index
        %get3A_182 = arith.constant 112 : index
        %get3A_183 = tpu.vector_load %arg10[%get3A_181, %get3A_182] {strides = array<i32>} : memref<80x128xf32, #tpu.memory_space<vmem>>, vector<1x16xf32>,
        %get3A_184 = vector.shape_cast %get3A_183 : vector<1x16xf32> to vector<16xf32>
        %get3A_185 = arith.index_cast %add3A_84 : i32 to index
        %get3A_186 = arith.constant 112 : index
        %get3A_187 = tpu.vector_load %arg9[%get3A_185, %get3A_186] {strides = array<i32>} : memref<80x128xf32, #tpu.memory_space<vmem>>, vector<1x16xf32>,
        %get3A_188 = vector.shape_cast %get3A_187 : vector<1x16xf32> to vector<16xf32>
        %mul3A_189 = arith.mulf %get3A_184, %get3A_188 : vector<16xf32>
        %swap3A_190 = arith.index_cast %add3A_84 : i32 to index
        %swap3A_191 = arith.constant 112 : index
        %swap3A_192 = tpu.vector_load %arg10[%swap3A_190, %swap3A_191] {strides = array<i32>} : memref<80x128xf32, #tpu.memory_space<vmem>>, vector<1x16xf32>,
        %swap3A_193 = vector.shape_cast %swap3A_192 : vector<1x16xf32> to vector<16xf32>
        %swap3A_194 = vector.shape_cast %mul3A_189 : vector<16xf32> to vector<1x16xf32>
        tpu.vector_store %arg10[%swap3A_190, %swap3A_191], %swap3A_194 {strides = array<i32>} : memref<80x128xf32, #tpu.memory_space<vmem>>, vector<1x16xf32>,
      }
      %scan3A_79 = arith.constant 80 : i32
      "tpu.region"() ({
        %run_scoped3A = tpu.sem_alloc : memref<!tpu.dma_semaphore, #tpu.memory_space<semaphore_mem>>
        %dma_start3A_80 = arith.constant 0 : i32
        %dma_start3A_81 = arith.constant 0 : i32
        %dma_start3A_82 = tpu.memref_slice %arg11[%dma_start3A_80, %dma_start3A_81] : memref<10240x128xf32, #tpu.memory_space<vmem_shared>> -> memref<10240x128xf32, #tpu.memory_space<vmem_shared>>
        tpu.enqueue_indirect_dma source(%arg10 : memref<80x128xf32, #tpu.memory_space<vmem>>) target(%dma_start3A_82 : memref<10240x128xf32, #tpu.memory_space<vmem_shared>>) offsets(%arg8 : memref<80xi32, #tpu.memory_space<vmem>>) semaphore(%run_scoped3A : memref<!tpu.dma_semaphore, #tpu.memory_space<semaphore_mem>>) {add = true}
        %dma_wait3A_83 = arith.constant 0 : i32
        %dma_wait3A_84 = arith.constant 0 : i32
        %dma_wait3A_85 = tpu.memref_slice %arg11[%dma_wait3A_83, %dma_wait3A_84] : memref<10240x128xf32, #tpu.memory_space<vmem_shared>> -> memref<10240x128xf32, #tpu.memory_space<vmem_shared>>
        tpu.wait_indirect_dma semaphore(%run_scoped3A : memref<!tpu.dma_semaphore, #tpu.memory_space<semaphore_mem>>) src(%arg10 : memref<80x128xf32, #tpu.memory_space<vmem>>) dst(%dma_wait3A_85 : memref<10240x128xf32, #tpu.memory_space<vmem_shared>>)
        tpu.yield
      }) : () -> ()
    }
    %scan3A_46 = arith.constant 125 : i32
    %barrier3A_47 = arith.constant 0 : index
    tpu.barrier barrier_id(%barrier3A_47)
    %mul3A_48 = arith.constant 640 : i32
    %mul3A_49 = arith.muli %arg1, %mul3A_48 : i32
    %mul3A_50 = arith.constant 10240 : i32
    %mul3A_51 = arith.muli %arg0, %mul3A_50 : i32
    %mul3A_52 = arith.constant 640 : i32
    %mul3A_53 = arith.muli %arg1, %mul3A_52 : i32
    %add3A_54 = arith.addi %mul3A_51, %mul3A_53 : i32
    "tpu.region"() ({
      %run_scoped3A = tpu.sem_alloc : memref<!tpu.dma_semaphore, #tpu.memory_space<semaphore_mem>>
      %dma_start3A = arith.constant 0 : i32
      %dma_start3A_55 = tpu.memref_slice %arg5[%add3A_54, %dma_start3A] : memref<20480x128xf32, #tpu.memory_space<hbm>> -> memref<640x128xf32, #tpu.memory_space<hbm>>
      %dma_start3A_56 = arith.constant 0 : i32
      %dma_start3A_57 = tpu.memref_slice %arg11[%mul3A_49, %dma_start3A_56] : memref<10240x128xf32, #tpu.memory_space<vmem_shared>> -> memref<640x128xf32, #tpu.memory_space<vmem_shared>>
      tpu.enqueue_dma source(%dma_start3A_57 : memref<640x128xf32, #tpu.memory_space<vmem_shared>>) target(%dma_start3A_55 : memref<640x128xf32, #tpu.memory_space<hbm>>) target_semaphore(%run_scoped3A : memref<!tpu.dma_semaphore, #tpu.memory_space<semaphore_mem>>)
      %dma_wait3A = arith.constant 0 : i32
      %dma_wait3A_58 = tpu.memref_slice %arg5[%add3A_54, %dma_wait3A] : memref<20480x128xf32, #tpu.memory_space<hbm>> -> memref<640x128xf32, #tpu.memory_space<hbm>>
      %dma_wait3A_59 = arith.constant 0 : i32
      %dma_wait3A_60 = tpu.memref_slice %arg11[%mul3A_49, %dma_wait3A_59] : memref<10240x128xf32, #tpu.memory_space<vmem_shared>> -> memref<640x128xf32, #tpu.memory_space<vmem_shared>>
      tpu.wait_dma2 semaphore(%run_scoped3A : memref<!tpu.dma_semaphore, #tpu.memory_space<semaphore_mem>>) src(%dma_wait3A_60 : memref<640x128xf32, #tpu.memory_space<vmem_shared>>) dst(%dma_wait3A_58 : memref<640x128xf32, #tpu.memory_space<hbm>>)
      tpu.yield
    }) : () -> ()
    return
  }
}

#map = affine_map<(d0, d1) -> (0, 0)>
#map1 = affine_map<(d0, d1) -> (0, 0, 0)>
module attributes {stable_mosaic.version = 14 : i64} {
  func.func @_scb_body(%arg0: i32, %arg1: i32, %arg2: memref<10000x128xf32, #tpu.memory_space<hbm>>, %arg3: memref<416x128xf32, #tpu.memory_space<hbm>>, %arg4: memref<4000x6x80xi32, #tpu.memory_space<hbm>>, %arg5: memref<320000x128xf32, #tpu.memory_space<hbm>>, %arg6: memref<320000x128xf32, #tpu.memory_space<hbm>>, %arg7: memref<6x80xi32, #tpu.memory_space<vmem>>, %arg8: memref<80xi32, #tpu.memory_space<vmem>>, %arg9: memref<80xi32, #tpu.memory_space<vmem>>, %arg10: memref<80x128xf32, #tpu.memory_space<vmem>>, %arg11: memref<80x128xf32, #tpu.memory_space<vmem>>, %arg12: memref<80x128xf32, #tpu.memory_space<vmem>>, %arg13: memref<!tpu.dma_semaphore, #tpu.memory_space<semaphore_mem>>) attributes {dimension_semantics = [#tpu.dimension_semantics<core_parallel>, #tpu.dimension_semantics<subcore_parallel>], iteration_bounds = array<i64: 2, 16>, scalar_prefetch = 0 : i64, scratch_operands = 7 : i64, tpu.core_type = #tpu.core_type<sc_vector_subcore>, window_params = [{transform_indices = #map}, {transform_indices = #map}, {transform_indices = #map1}, {transform_indices = #map}, {transform_indices = #map}]} {
    %mul3A = arith.constant 16 : i32
    %mul3A_0 = arith.muli %arg0, %mul3A : i32
    %add3A = arith.addi %mul3A_0, %arg1 : i32
    %mul3A_1 = arith.constant 10000 : i32
    %mul3A_2 = arith.muli %add3A, %mul3A_1 : i32
    %mul3A_3 = arith.constant 16 : i32
    %mul3A_4 = arith.muli %arg0, %mul3A_3 : i32
    %add3A_5 = arith.addi %mul3A_4, %arg1 : i32
    %scan3A = arith.constant 0 : i32
    %scan3A_6 = arith.constant 125 : i32
    %scan3A_7 = arith.addi %scan3A, %scan3A_6 : i32
    %scan3A_8 = arith.constant 1 : i32
    scf.for %scan3A_10 = %scan3A to %scan3A_7 step %scan3A_8  : i32 {
      %mul3A_11 = arith.constant 1 : i32
      %mul3A_12 = arith.muli %scan3A_10, %mul3A_11 : i32
      %add3A_13 = arith.constant 0 : i32
      %add3A_14 = arith.addi %add3A_13, %mul3A_12 : i32
      %mul3A_15 = arith.constant 80 : i32
      %mul3A_16 = arith.muli %add3A_14, %mul3A_15 : i32
      %add3A_17 = arith.addi %mul3A_2, %mul3A_16 : i32
      %mul3A_18 = arith.constant 125 : i32
      %mul3A_19 = arith.muli %add3A_5, %mul3A_18 : i32
      %add3A_20 = arith.addi %mul3A_19, %add3A_14 : i32
      "tpu.region"() ({
        %run_scoped3A = tpu.sem_alloc : memref<!tpu.dma_semaphore, #tpu.memory_space<semaphore_mem>>
        %dma_start3A_41 = arith.constant 0 : i32
        %dma_start3A_42 = arith.constant 0 : i32
        %dma_start3A_43 = tpu.memref_slice %arg4[%add3A_20, %dma_start3A_41, %dma_start3A_42] : memref<4000x6x80xi32, #tpu.memory_space<hbm>> -> memref<1x6x80xi32, #tpu.memory_space<hbm>>
        %dma_start3A_44 = tpu.memref_squeeze %dma_start3A_43 : memref<1x6x80xi32, #tpu.memory_space<hbm>> -> memref<6x80xi32, #tpu.memory_space<hbm>>
        %dma_start3A_45 = arith.constant 0 : i32
        %dma_start3A_46 = arith.constant 0 : i32
        %dma_start3A_47 = tpu.memref_slice %arg4[%add3A_20, %dma_start3A_45, %dma_start3A_46] : memref<4000x6x80xi32, #tpu.memory_space<hbm>> -> memref<1x6x80xi32, #tpu.memory_space<hbm>>
        %dma_start3A_48 = tpu.memref_squeeze %dma_start3A_47 : memref<1x6x80xi32, #tpu.memory_space<hbm>> -> memref<6x80xi32, #tpu.memory_space<hbm>>
        tpu.enqueue_dma source(%dma_start3A_48 : memref<6x80xi32, #tpu.memory_space<hbm>>) target(%arg7 : memref<6x80xi32, #tpu.memory_space<vmem>>) target_semaphore(%run_scoped3A : memref<!tpu.dma_semaphore, #tpu.memory_space<semaphore_mem>>)
        %dma_wait3A_49 = arith.constant 0 : i32
        %dma_wait3A_50 = arith.constant 0 : i32
        %dma_wait3A_51 = tpu.memref_slice %arg4[%add3A_20, %dma_wait3A_49, %dma_wait3A_50] : memref<4000x6x80xi32, #tpu.memory_space<hbm>> -> memref<1x6x80xi32, #tpu.memory_space<hbm>>
        %dma_wait3A_52 = tpu.memref_squeeze %dma_wait3A_51 : memref<1x6x80xi32, #tpu.memory_space<hbm>> -> memref<6x80xi32, #tpu.memory_space<hbm>>
        %dma_wait3A_53 = arith.constant 0 : i32
        %dma_wait3A_54 = arith.constant 0 : i32
        %dma_wait3A_55 = tpu.memref_slice %arg4[%add3A_20, %dma_wait3A_53, %dma_wait3A_54] : memref<4000x6x80xi32, #tpu.memory_space<hbm>> -> memref<1x6x80xi32, #tpu.memory_space<hbm>>
        %dma_wait3A_56 = tpu.memref_squeeze %dma_wait3A_55 : memref<1x6x80xi32, #tpu.memory_space<hbm>> -> memref<6x80xi32, #tpu.memory_space<hbm>>
        tpu.wait_dma2 semaphore(%run_scoped3A : memref<!tpu.dma_semaphore, #tpu.memory_space<semaphore_mem>>) src(%dma_wait3A_56 : memref<6x80xi32, #tpu.memory_space<hbm>>) dst(%arg7 : memref<6x80xi32, #tpu.memory_space<vmem>>)
        tpu.yield
      }) : () -> ()
      %scan3A_21 = arith.constant 0 : i32
      %scan3A_22 = arith.constant 5 : i32
      %scan3A_23 = arith.addi %scan3A_21, %scan3A_22 : i32
      %scan3A_24 = arith.constant 1 : i32
      scf.for %scan3A_41 = %scan3A_21 to %scan3A_23 step %scan3A_24  : i32 {
        %mul3A_42 = arith.constant 1 : i32
        %mul3A_43 = arith.muli %scan3A_41, %mul3A_42 : i32
        %add3A_44 = arith.constant 0 : i32
        %add3A_45 = arith.addi %add3A_44, %mul3A_43 : i32
        %mul3A_46 = arith.constant 16 : i32
        %mul3A_47 = arith.muli %add3A_45, %mul3A_46 : i32
        %get3A = arith.constant 1 : i32
        %get3A_48 = arith.index_cast %get3A : i32 to index
        %get3A_49 = arith.index_cast %mul3A_47 : i32 to index
        %get3A_50 = tpu.vector_load %arg7[%get3A_48, %get3A_49] {strides = array<i32>} : memref<6x80xi32, #tpu.memory_space<vmem>>, vector<1x16xi32>,
        %get3A_51 = vector.shape_cast %get3A_50 : vector<1x16xi32> to vector<16xi32>
        %swap3A = arith.index_cast %mul3A_47 : i32 to index
        %swap3A_52 = tpu.vector_load %arg8[%swap3A] {strides = array<i32>} : memref<80xi32, #tpu.memory_space<vmem>>, vector<16xi32>,
        %swap3A_53 = vector.shape_cast %swap3A_52 : vector<16xi32> to vector<16xi32>
        %swap3A_54 = vector.shape_cast %get3A_51 : vector<16xi32> to vector<16xi32>
        tpu.vector_store %arg8[%swap3A], %swap3A_54 {strides = array<i32>} : memref<80xi32, #tpu.memory_space<vmem>>, vector<16xi32>,
        %get3A_55 = arith.constant 3 : i32
        %get3A_56 = arith.index_cast %get3A_55 : i32 to index
        %get3A_57 = arith.index_cast %mul3A_47 : i32 to index
        %get3A_58 = tpu.vector_load %arg7[%get3A_56, %get3A_57] {strides = array<i32>} : memref<6x80xi32, #tpu.memory_space<vmem>>, vector<1x16xi32>,
        %get3A_59 = vector.shape_cast %get3A_58 : vector<1x16xi32> to vector<16xi32>
        %swap3A_60 = arith.index_cast %mul3A_47 : i32 to index
        %swap3A_61 = tpu.vector_load %arg9[%swap3A_60] {strides = array<i32>} : memref<80xi32, #tpu.memory_space<vmem>>, vector<16xi32>,
        %swap3A_62 = vector.shape_cast %swap3A_61 : vector<16xi32> to vector<16xi32>
        %swap3A_63 = vector.shape_cast %get3A_59 : vector<16xi32> to vector<16xi32>
        tpu.vector_store %arg9[%swap3A_60], %swap3A_63 {strides = array<i32>} : memref<80xi32, #tpu.memory_space<vmem>>, vector<16xi32>,
      }
      %scan3A_25 = arith.constant 5 : i32
      %dma_start3A = arith.constant 0 : i32
      %dma_start3A_26 = arith.constant 0 : i32
      %dma_start3A_27 = tpu.memref_slice %arg2[%dma_start3A, %dma_start3A_26] : memref<10000x128xf32, #tpu.memory_space<hbm>> -> memref<10000x128xf32, #tpu.memory_space<hbm>>
      tpu.enqueue_indirect_dma source(%dma_start3A_27 : memref<10000x128xf32, #tpu.memory_space<hbm>>) target(%arg10 : memref<80x128xf32, #tpu.memory_space<vmem>>) offsets(%arg8 : memref<80xi32, #tpu.memory_space<vmem>>) semaphore(%arg13 : memref<!tpu.dma_semaphore, #tpu.memory_space<semaphore_mem>>)
      %dma_start3A_28 = arith.constant 0 : i32
      %dma_start3A_29 = arith.constant 0 : i32
      %dma_start3A_30 = tpu.memref_slice %arg3[%dma_start3A_28, %dma_start3A_29] : memref<416x128xf32, #tpu.memory_space<hbm>> -> memref<416x128xf32, #tpu.memory_space<hbm>>
      tpu.enqueue_indirect_dma source(%dma_start3A_30 : memref<416x128xf32, #tpu.memory_space<hbm>>) target(%arg11 : memref<80x128xf32, #tpu.memory_space<vmem>>) offsets(%arg9 : memref<80xi32, #tpu.memory_space<vmem>>) semaphore(%arg13 : memref<!tpu.dma_semaphore, #tpu.memory_space<semaphore_mem>>)
      "tpu.region"() ({
        %run_scoped3A = tpu.sem_alloc : memref<!tpu.dma_semaphore, #tpu.memory_space<semaphore_mem>>
        %dma_start3A_41 = arith.constant 0 : i32
        %dma_start3A_42 = tpu.memref_slice %arg5[%add3A_17, %dma_start3A_41] : memref<320000x128xf32, #tpu.memory_space<hbm>> -> memref<80x128xf32, #tpu.memory_space<hbm>>
        %dma_start3A_43 = arith.constant 0 : i32
        %dma_start3A_44 = tpu.memref_slice %arg5[%add3A_17, %dma_start3A_43] : memref<320000x128xf32, #tpu.memory_space<hbm>> -> memref<80x128xf32, #tpu.memory_space<hbm>>
        tpu.enqueue_dma source(%dma_start3A_44 : memref<80x128xf32, #tpu.memory_space<hbm>>) target(%arg12 : memref<80x128xf32, #tpu.memory_space<vmem>>) target_semaphore(%run_scoped3A : memref<!tpu.dma_semaphore, #tpu.memory_space<semaphore_mem>>)
        %dma_wait3A_45 = arith.constant 0 : i32
        %dma_wait3A_46 = tpu.memref_slice %arg5[%add3A_17, %dma_wait3A_45] : memref<320000x128xf32, #tpu.memory_space<hbm>> -> memref<80x128xf32, #tpu.memory_space<hbm>>
        %dma_wait3A_47 = arith.constant 0 : i32
        %dma_wait3A_48 = tpu.memref_slice %arg5[%add3A_17, %dma_wait3A_47] : memref<320000x128xf32, #tpu.memory_space<hbm>> -> memref<80x128xf32, #tpu.memory_space<hbm>>
        tpu.wait_dma2 semaphore(%run_scoped3A : memref<!tpu.dma_semaphore, #tpu.memory_space<semaphore_mem>>) src(%dma_wait3A_48 : memref<80x128xf32, #tpu.memory_space<hbm>>) dst(%arg12 : memref<80x128xf32, #tpu.memory_space<vmem>>)
        tpu.yield
      }) : () -> ()
      %dma_wait3A = arith.constant 0 : i32
      %dma_wait3A_31 = arith.constant 0 : i32
      %dma_wait3A_32 = tpu.memref_slice %arg2[%dma_wait3A, %dma_wait3A_31] : memref<10000x128xf32, #tpu.memory_space<hbm>> -> memref<10000x128xf32, #tpu.memory_space<hbm>>
      tpu.wait_indirect_dma semaphore(%arg13 : memref<!tpu.dma_semaphore, #tpu.memory_space<semaphore_mem>>) src(%dma_wait3A_32 : memref<10000x128xf32, #tpu.memory_space<hbm>>) dst(%arg10 : memref<80x128xf32, #tpu.memory_space<vmem>>)
      %dma_wait3A_33 = arith.constant 0 : i32
      %dma_wait3A_34 = arith.constant 0 : i32
      %dma_wait3A_35 = tpu.memref_slice %arg3[%dma_wait3A_33, %dma_wait3A_34] : memref<416x128xf32, #tpu.memory_space<hbm>> -> memref<416x128xf32, #tpu.memory_space<hbm>>
      tpu.wait_indirect_dma semaphore(%arg13 : memref<!tpu.dma_semaphore, #tpu.memory_space<semaphore_mem>>) src(%dma_wait3A_35 : memref<416x128xf32, #tpu.memory_space<hbm>>) dst(%arg11 : memref<80x128xf32, #tpu.memory_space<vmem>>)
      %scan3A_36 = arith.constant 0 : i32
      %scan3A_37 = arith.constant 80 : i32
      %scan3A_38 = arith.addi %scan3A_36, %scan3A_37 : i32
      %scan3A_39 = arith.constant 1 : i32
      scf.for %scan3A_41 = %scan3A_36 to %scan3A_38 step %scan3A_39  : i32 {
        %mul3A_42 = arith.constant 1 : i32
        %mul3A_43 = arith.muli %scan3A_41, %mul3A_42 : i32
        %add3A_44 = arith.constant 0 : i32
        %add3A_45 = arith.addi %add3A_44, %mul3A_43 : i32
        %get3A = arith.index_cast %add3A_45 : i32 to index
        %get3A_46 = arith.constant 0 : index
        %get3A_47 = tpu.vector_load %arg10[%get3A, %get3A_46] {strides = array<i32>} : memref<80x128xf32, #tpu.memory_space<vmem>>, vector<1x16xf32>,
        %get3A_48 = vector.shape_cast %get3A_47 : vector<1x16xf32> to vector<16xf32>
        %get3A_49 = arith.index_cast %add3A_45 : i32 to index
        %get3A_50 = arith.constant 0 : index
        %get3A_51 = tpu.vector_load %arg11[%get3A_49, %get3A_50] {strides = array<i32>} : memref<80x128xf32, #tpu.memory_space<vmem>>, vector<1x16xf32>,
        %get3A_52 = vector.shape_cast %get3A_51 : vector<1x16xf32> to vector<16xf32>
        %mul3A_53 = arith.mulf %get3A_48, %get3A_52 : vector<16xf32>
        %get3A_54 = arith.index_cast %add3A_45 : i32 to index
        %get3A_55 = arith.constant 0 : index
        %get3A_56 = tpu.vector_load %arg12[%get3A_54, %get3A_55] {strides = array<i32>} : memref<80x128xf32, #tpu.memory_space<vmem>>, vector<1x16xf32>,
        %get3A_57 = vector.shape_cast %get3A_56 : vector<1x16xf32> to vector<16xf32>
        %add3A_58 = arith.addf %mul3A_53, %get3A_57 : vector<16xf32>
        %swap3A = arith.index_cast %add3A_45 : i32 to index
        %swap3A_59 = arith.constant 0 : index
        %swap3A_60 = tpu.vector_load %arg11[%swap3A, %swap3A_59] {strides = array<i32>} : memref<80x128xf32, #tpu.memory_space<vmem>>, vector<1x16xf32>,
        %swap3A_61 = vector.shape_cast %swap3A_60 : vector<1x16xf32> to vector<16xf32>
        %swap3A_62 = vector.shape_cast %add3A_58 : vector<16xf32> to vector<1x16xf32>
        tpu.vector_store %arg11[%swap3A, %swap3A_59], %swap3A_62 {strides = array<i32>} : memref<80x128xf32, #tpu.memory_space<vmem>>, vector<1x16xf32>,
        %get3A_63 = arith.index_cast %add3A_45 : i32 to index
        %get3A_64 = arith.constant 16 : index
        %get3A_65 = tpu.vector_load %arg10[%get3A_63, %get3A_64] {strides = array<i32>} : memref<80x128xf32, #tpu.memory_space<vmem>>, vector<1x16xf32>,
        %get3A_66 = vector.shape_cast %get3A_65 : vector<1x16xf32> to vector<16xf32>
        %get3A_67 = arith.index_cast %add3A_45 : i32 to index
        %get3A_68 = arith.constant 16 : index
        %get3A_69 = tpu.vector_load %arg11[%get3A_67, %get3A_68] {strides = array<i32>} : memref<80x128xf32, #tpu.memory_space<vmem>>, vector<1x16xf32>,
        %get3A_70 = vector.shape_cast %get3A_69 : vector<1x16xf32> to vector<16xf32>
        %mul3A_71 = arith.mulf %get3A_66, %get3A_70 : vector<16xf32>
        %get3A_72 = arith.index_cast %add3A_45 : i32 to index
        %get3A_73 = arith.constant 16 : index
        %get3A_74 = tpu.vector_load %arg12[%get3A_72, %get3A_73] {strides = array<i32>} : memref<80x128xf32, #tpu.memory_space<vmem>>, vector<1x16xf32>,
        %get3A_75 = vector.shape_cast %get3A_74 : vector<1x16xf32> to vector<16xf32>
        %add3A_76 = arith.addf %mul3A_71, %get3A_75 : vector<16xf32>
        %swap3A_77 = arith.index_cast %add3A_45 : i32 to index
        %swap3A_78 = arith.constant 16 : index
        %swap3A_79 = tpu.vector_load %arg11[%swap3A_77, %swap3A_78] {strides = array<i32>} : memref<80x128xf32, #tpu.memory_space<vmem>>, vector<1x16xf32>,
        %swap3A_80 = vector.shape_cast %swap3A_79 : vector<1x16xf32> to vector<16xf32>
        %swap3A_81 = vector.shape_cast %add3A_76 : vector<16xf32> to vector<1x16xf32>
        tpu.vector_store %arg11[%swap3A_77, %swap3A_78], %swap3A_81 {strides = array<i32>} : memref<80x128xf32, #tpu.memory_space<vmem>>, vector<1x16xf32>,
        %get3A_82 = arith.index_cast %add3A_45 : i32 to index
        %get3A_83 = arith.constant 32 : index
        %get3A_84 = tpu.vector_load %arg10[%get3A_82, %get3A_83] {strides = array<i32>} : memref<80x128xf32, #tpu.memory_space<vmem>>, vector<1x16xf32>,
        %get3A_85 = vector.shape_cast %get3A_84 : vector<1x16xf32> to vector<16xf32>
        %get3A_86 = arith.index_cast %add3A_45 : i32 to index
        %get3A_87 = arith.constant 32 : index
        %get3A_88 = tpu.vector_load %arg11[%get3A_86, %get3A_87] {strides = array<i32>} : memref<80x128xf32, #tpu.memory_space<vmem>>, vector<1x16xf32>,
        %get3A_89 = vector.shape_cast %get3A_88 : vector<1x16xf32> to vector<16xf32>
        %mul3A_90 = arith.mulf %get3A_85, %get3A_89 : vector<16xf32>
        %get3A_91 = arith.index_cast %add3A_45 : i32 to index
        %get3A_92 = arith.constant 32 : index
        %get3A_93 = tpu.vector_load %arg12[%get3A_91, %get3A_92] {strides = array<i32>} : memref<80x128xf32, #tpu.memory_space<vmem>>, vector<1x16xf32>,
        %get3A_94 = vector.shape_cast %get3A_93 : vector<1x16xf32> to vector<16xf32>
        %add3A_95 = arith.addf %mul3A_90, %get3A_94 : vector<16xf32>
        %swap3A_96 = arith.index_cast %add3A_45 : i32 to index
        %swap3A_97 = arith.constant 32 : index
        %swap3A_98 = tpu.vector_load %arg11[%swap3A_96, %swap3A_97] {strides = array<i32>} : memref<80x128xf32, #tpu.memory_space<vmem>>, vector<1x16xf32>,
        %swap3A_99 = vector.shape_cast %swap3A_98 : vector<1x16xf32> to vector<16xf32>
        %swap3A_100 = vector.shape_cast %add3A_95 : vector<16xf32> to vector<1x16xf32>
        tpu.vector_store %arg11[%swap3A_96, %swap3A_97], %swap3A_100 {strides = array<i32>} : memref<80x128xf32, #tpu.memory_space<vmem>>, vector<1x16xf32>,
        %get3A_101 = arith.index_cast %add3A_45 : i32 to index
        %get3A_102 = arith.constant 48 : index
        %get3A_103 = tpu.vector_load %arg10[%get3A_101, %get3A_102] {strides = array<i32>} : memref<80x128xf32, #tpu.memory_space<vmem>>, vector<1x16xf32>,
        %get3A_104 = vector.shape_cast %get3A_103 : vector<1x16xf32> to vector<16xf32>
        %get3A_105 = arith.index_cast %add3A_45 : i32 to index
        %get3A_106 = arith.constant 48 : index
        %get3A_107 = tpu.vector_load %arg11[%get3A_105, %get3A_106] {strides = array<i32>} : memref<80x128xf32, #tpu.memory_space<vmem>>, vector<1x16xf32>,
        %get3A_108 = vector.shape_cast %get3A_107 : vector<1x16xf32> to vector<16xf32>
        %mul3A_109 = arith.mulf %get3A_104, %get3A_108 : vector<16xf32>
        %get3A_110 = arith.index_cast %add3A_45 : i32 to index
        %get3A_111 = arith.constant 48 : index
        %get3A_112 = tpu.vector_load %arg12[%get3A_110, %get3A_111] {strides = array<i32>} : memref<80x128xf32, #tpu.memory_space<vmem>>, vector<1x16xf32>,
        %get3A_113 = vector.shape_cast %get3A_112 : vector<1x16xf32> to vector<16xf32>
        %add3A_114 = arith.addf %mul3A_109, %get3A_113 : vector<16xf32>
        %swap3A_115 = arith.index_cast %add3A_45 : i32 to index
        %swap3A_116 = arith.constant 48 : index
        %swap3A_117 = tpu.vector_load %arg11[%swap3A_115, %swap3A_116] {strides = array<i32>} : memref<80x128xf32, #tpu.memory_space<vmem>>, vector<1x16xf32>,
        %swap3A_118 = vector.shape_cast %swap3A_117 : vector<1x16xf32> to vector<16xf32>
        %swap3A_119 = vector.shape_cast %add3A_114 : vector<16xf32> to vector<1x16xf32>
        tpu.vector_store %arg11[%swap3A_115, %swap3A_116], %swap3A_119 {strides = array<i32>} : memref<80x128xf32, #tpu.memory_space<vmem>>, vector<1x16xf32>,
        %get3A_120 = arith.index_cast %add3A_45 : i32 to index
        %get3A_121 = arith.constant 64 : index
        %get3A_122 = tpu.vector_load %arg10[%get3A_120, %get3A_121] {strides = array<i32>} : memref<80x128xf32, #tpu.memory_space<vmem>>, vector<1x16xf32>,
        %get3A_123 = vector.shape_cast %get3A_122 : vector<1x16xf32> to vector<16xf32>
        %get3A_124 = arith.index_cast %add3A_45 : i32 to index
        %get3A_125 = arith.constant 64 : index
        %get3A_126 = tpu.vector_load %arg11[%get3A_124, %get3A_125] {strides = array<i32>} : memref<80x128xf32, #tpu.memory_space<vmem>>, vector<1x16xf32>,
        %get3A_127 = vector.shape_cast %get3A_126 : vector<1x16xf32> to vector<16xf32>
        %mul3A_128 = arith.mulf %get3A_123, %get3A_127 : vector<16xf32>
        %get3A_129 = arith.index_cast %add3A_45 : i32 to index
        %get3A_130 = arith.constant 64 : index
        %get3A_131 = tpu.vector_load %arg12[%get3A_129, %get3A_130] {strides = array<i32>} : memref<80x128xf32, #tpu.memory_space<vmem>>, vector<1x16xf32>,
        %get3A_132 = vector.shape_cast %get3A_131 : vector<1x16xf32> to vector<16xf32>
        %add3A_133 = arith.addf %mul3A_128, %get3A_132 : vector<16xf32>
        %swap3A_134 = arith.index_cast %add3A_45 : i32 to index
        %swap3A_135 = arith.constant 64 : index
        %swap3A_136 = tpu.vector_load %arg11[%swap3A_134, %swap3A_135] {strides = array<i32>} : memref<80x128xf32, #tpu.memory_space<vmem>>, vector<1x16xf32>,
        %swap3A_137 = vector.shape_cast %swap3A_136 : vector<1x16xf32> to vector<16xf32>
        %swap3A_138 = vector.shape_cast %add3A_133 : vector<16xf32> to vector<1x16xf32>
        tpu.vector_store %arg11[%swap3A_134, %swap3A_135], %swap3A_138 {strides = array<i32>} : memref<80x128xf32, #tpu.memory_space<vmem>>, vector<1x16xf32>,
        %get3A_139 = arith.index_cast %add3A_45 : i32 to index
        %get3A_140 = arith.constant 80 : index
        %get3A_141 = tpu.vector_load %arg10[%get3A_139, %get3A_140] {strides = array<i32>} : memref<80x128xf32, #tpu.memory_space<vmem>>, vector<1x16xf32>,
        %get3A_142 = vector.shape_cast %get3A_141 : vector<1x16xf32> to vector<16xf32>
        %get3A_143 = arith.index_cast %add3A_45 : i32 to index
        %get3A_144 = arith.constant 80 : index
        %get3A_145 = tpu.vector_load %arg11[%get3A_143, %get3A_144] {strides = array<i32>} : memref<80x128xf32, #tpu.memory_space<vmem>>, vector<1x16xf32>,
        %get3A_146 = vector.shape_cast %get3A_145 : vector<1x16xf32> to vector<16xf32>
        %mul3A_147 = arith.mulf %get3A_142, %get3A_146 : vector<16xf32>
        %get3A_148 = arith.index_cast %add3A_45 : i32 to index
        %get3A_149 = arith.constant 80 : index
        %get3A_150 = tpu.vector_load %arg12[%get3A_148, %get3A_149] {strides = array<i32>} : memref<80x128xf32, #tpu.memory_space<vmem>>, vector<1x16xf32>,
        %get3A_151 = vector.shape_cast %get3A_150 : vector<1x16xf32> to vector<16xf32>
        %add3A_152 = arith.addf %mul3A_147, %get3A_151 : vector<16xf32>
        %swap3A_153 = arith.index_cast %add3A_45 : i32 to index
        %swap3A_154 = arith.constant 80 : index
        %swap3A_155 = tpu.vector_load %arg11[%swap3A_153, %swap3A_154] {strides = array<i32>} : memref<80x128xf32, #tpu.memory_space<vmem>>, vector<1x16xf32>,
        %swap3A_156 = vector.shape_cast %swap3A_155 : vector<1x16xf32> to vector<16xf32>
        %swap3A_157 = vector.shape_cast %add3A_152 : vector<16xf32> to vector<1x16xf32>
        tpu.vector_store %arg11[%swap3A_153, %swap3A_154], %swap3A_157 {strides = array<i32>} : memref<80x128xf32, #tpu.memory_space<vmem>>, vector<1x16xf32>,
        %get3A_158 = arith.index_cast %add3A_45 : i32 to index
        %get3A_159 = arith.constant 96 : index
        %get3A_160 = tpu.vector_load %arg10[%get3A_158, %get3A_159] {strides = array<i32>} : memref<80x128xf32, #tpu.memory_space<vmem>>, vector<1x16xf32>,
        %get3A_161 = vector.shape_cast %get3A_160 : vector<1x16xf32> to vector<16xf32>
        %get3A_162 = arith.index_cast %add3A_45 : i32 to index
        %get3A_163 = arith.constant 96 : index
        %get3A_164 = tpu.vector_load %arg11[%get3A_162, %get3A_163] {strides = array<i32>} : memref<80x128xf32, #tpu.memory_space<vmem>>, vector<1x16xf32>,
        %get3A_165 = vector.shape_cast %get3A_164 : vector<1x16xf32> to vector<16xf32>
        %mul3A_166 = arith.mulf %get3A_161, %get3A_165 : vector<16xf32>
        %get3A_167 = arith.index_cast %add3A_45 : i32 to index
        %get3A_168 = arith.constant 96 : index
        %get3A_169 = tpu.vector_load %arg12[%get3A_167, %get3A_168] {strides = array<i32>} : memref<80x128xf32, #tpu.memory_space<vmem>>, vector<1x16xf32>,
        %get3A_170 = vector.shape_cast %get3A_169 : vector<1x16xf32> to vector<16xf32>
        %add3A_171 = arith.addf %mul3A_166, %get3A_170 : vector<16xf32>
        %swap3A_172 = arith.index_cast %add3A_45 : i32 to index
        %swap3A_173 = arith.constant 96 : index
        %swap3A_174 = tpu.vector_load %arg11[%swap3A_172, %swap3A_173] {strides = array<i32>} : memref<80x128xf32, #tpu.memory_space<vmem>>, vector<1x16xf32>,
        %swap3A_175 = vector.shape_cast %swap3A_174 : vector<1x16xf32> to vector<16xf32>
        %swap3A_176 = vector.shape_cast %add3A_171 : vector<16xf32> to vector<1x16xf32>
        tpu.vector_store %arg11[%swap3A_172, %swap3A_173], %swap3A_176 {strides = array<i32>} : memref<80x128xf32, #tpu.memory_space<vmem>>, vector<1x16xf32>,
        %get3A_177 = arith.index_cast %add3A_45 : i32 to index
        %get3A_178 = arith.constant 112 : index
        %get3A_179 = tpu.vector_load %arg10[%get3A_177, %get3A_178] {strides = array<i32>} : memref<80x128xf32, #tpu.memory_space<vmem>>, vector<1x16xf32>,
        %get3A_180 = vector.shape_cast %get3A_179 : vector<1x16xf32> to vector<16xf32>
        %get3A_181 = arith.index_cast %add3A_45 : i32 to index
        %get3A_182 = arith.constant 112 : index
        %get3A_183 = tpu.vector_load %arg11[%get3A_181, %get3A_182] {strides = array<i32>} : memref<80x128xf32, #tpu.memory_space<vmem>>, vector<1x16xf32>,
        %get3A_184 = vector.shape_cast %get3A_183 : vector<1x16xf32> to vector<16xf32>
        %mul3A_185 = arith.mulf %get3A_180, %get3A_184 : vector<16xf32>
        %get3A_186 = arith.index_cast %add3A_45 : i32 to index
        %get3A_187 = arith.constant 112 : index
        %get3A_188 = tpu.vector_load %arg12[%get3A_186, %get3A_187] {strides = array<i32>} : memref<80x128xf32, #tpu.memory_space<vmem>>, vector<1x16xf32>,
        %get3A_189 = vector.shape_cast %get3A_188 : vector<1x16xf32> to vector<16xf32>
        %add3A_190 = arith.addf %mul3A_185, %get3A_189 : vector<16xf32>
        %swap3A_191 = arith.index_cast %add3A_45 : i32 to index
        %swap3A_192 = arith.constant 112 : index
        %swap3A_193 = tpu.vector_load %arg11[%swap3A_191, %swap3A_192] {strides = array<i32>} : memref<80x128xf32, #tpu.memory_space<vmem>>, vector<1x16xf32>,
        %swap3A_194 = vector.shape_cast %swap3A_193 : vector<1x16xf32> to vector<16xf32>
        %swap3A_195 = vector.shape_cast %add3A_190 : vector<16xf32> to vector<1x16xf32>
        tpu.vector_store %arg11[%swap3A_191, %swap3A_192], %swap3A_195 {strides = array<i32>} : memref<80x128xf32, #tpu.memory_space<vmem>>, vector<1x16xf32>,
      }
      %scan3A_40 = arith.constant 80 : i32
      "tpu.region"() ({
        %run_scoped3A = tpu.sem_alloc : memref<!tpu.dma_semaphore, #tpu.memory_space<semaphore_mem>>
        %dma_start3A_41 = arith.constant 0 : i32
        %dma_start3A_42 = tpu.memref_slice %arg6[%add3A_17, %dma_start3A_41] : memref<320000x128xf32, #tpu.memory_space<hbm>> -> memref<80x128xf32, #tpu.memory_space<hbm>>
        %dma_start3A_43 = arith.constant 0 : i32
        %dma_start3A_44 = tpu.memref_slice %arg6[%add3A_17, %dma_start3A_43] : memref<320000x128xf32, #tpu.memory_space<hbm>> -> memref<80x128xf32, #tpu.memory_space<hbm>>
        tpu.enqueue_dma source(%arg11 : memref<80x128xf32, #tpu.memory_space<vmem>>) target(%dma_start3A_44 : memref<80x128xf32, #tpu.memory_space<hbm>>) target_semaphore(%run_scoped3A : memref<!tpu.dma_semaphore, #tpu.memory_space<semaphore_mem>>)
        %dma_wait3A_45 = arith.constant 0 : i32
        %dma_wait3A_46 = tpu.memref_slice %arg6[%add3A_17, %dma_wait3A_45] : memref<320000x128xf32, #tpu.memory_space<hbm>> -> memref<80x128xf32, #tpu.memory_space<hbm>>
        %dma_wait3A_47 = arith.constant 0 : i32
        %dma_wait3A_48 = tpu.memref_slice %arg6[%add3A_17, %dma_wait3A_47] : memref<320000x128xf32, #tpu.memory_space<hbm>> -> memref<80x128xf32, #tpu.memory_space<hbm>>
        tpu.wait_dma2 semaphore(%run_scoped3A : memref<!tpu.dma_semaphore, #tpu.memory_space<semaphore_mem>>) src(%arg11 : memref<80x128xf32, #tpu.memory_space<vmem>>) dst(%dma_wait3A_48 : memref<80x128xf32, #tpu.memory_space<hbm>>)
        tpu.yield
      }) : () -> ()
    }
    %scan3A_9 = arith.constant 125 : i32
    return
  }
}

#map = affine_map<(d0, d1) -> (0, 0)>
#map1 = affine_map<(d0, d1) -> (0, 0, 0)>
module attributes {stable_mosaic.version = 14 : i64} {
  func.func @_scc_body(%arg0: i32, %arg1: i32, %arg2: memref<416x128xf32, #tpu.memory_space<hbm>>, %arg3: memref<4000x6x80xi32, #tpu.memory_space<hbm>>, %arg4: memref<320000x128xf32, #tpu.memory_space<hbm>>, %arg5: memref<6x80xi32, #tpu.memory_space<vmem>>, %arg6: memref<80xi32, #tpu.memory_space<vmem>>, %arg7: memref<80x128xf32, #tpu.memory_space<vmem>>, %arg8: memref<!tpu.dma_semaphore, #tpu.memory_space<semaphore_mem>>) attributes {dimension_semantics = [#tpu.dimension_semantics<core_parallel>, #tpu.dimension_semantics<subcore_parallel>], iteration_bounds = array<i64: 2, 16>, scalar_prefetch = 0 : i64, scratch_operands = 4 : i64, tpu.core_type = #tpu.core_type<sc_vector_subcore>, window_params = [{transform_indices = #map}, {transform_indices = #map1}, {transform_indices = #map}]} {
    %mul3A = arith.constant 16 : i32
    %mul3A_0 = arith.muli %arg0, %mul3A : i32
    %add3A = arith.addi %mul3A_0, %arg1 : i32
    %mul3A_1 = arith.constant 10000 : i32
    %mul3A_2 = arith.muli %add3A, %mul3A_1 : i32
    %mul3A_3 = arith.constant 16 : i32
    %mul3A_4 = arith.muli %arg0, %mul3A_3 : i32
    %add3A_5 = arith.addi %mul3A_4, %arg1 : i32
    %scan3A = arith.constant 0 : i32
    %scan3A_6 = arith.constant 125 : i32
    %scan3A_7 = arith.addi %scan3A, %scan3A_6 : i32
    %scan3A_8 = arith.constant 1 : i32
    scf.for %scan3A_10 = %scan3A to %scan3A_7 step %scan3A_8  : i32 {
      %mul3A_11 = arith.constant 1 : i32
      %mul3A_12 = arith.muli %scan3A_10, %mul3A_11 : i32
      %add3A_13 = arith.constant 0 : i32
      %add3A_14 = arith.addi %add3A_13, %mul3A_12 : i32
      %mul3A_15 = arith.constant 80 : i32
      %mul3A_16 = arith.muli %add3A_14, %mul3A_15 : i32
      %add3A_17 = arith.addi %mul3A_2, %mul3A_16 : i32
      %mul3A_18 = arith.constant 125 : i32
      %mul3A_19 = arith.muli %add3A_5, %mul3A_18 : i32
      %add3A_20 = arith.addi %mul3A_19, %add3A_14 : i32
      "tpu.region"() ({
        %run_scoped3A = tpu.sem_alloc : memref<!tpu.dma_semaphore, #tpu.memory_space<semaphore_mem>>
        %dma_start3A_30 = arith.constant 0 : i32
        %dma_start3A_31 = arith.constant 0 : i32
        %dma_start3A_32 = tpu.memref_slice %arg3[%add3A_20, %dma_start3A_30, %dma_start3A_31] : memref<4000x6x80xi32, #tpu.memory_space<hbm>> -> memref<1x6x80xi32, #tpu.memory_space<hbm>>
        %dma_start3A_33 = tpu.memref_squeeze %dma_start3A_32 : memref<1x6x80xi32, #tpu.memory_space<hbm>> -> memref<6x80xi32, #tpu.memory_space<hbm>>
        %dma_start3A_34 = arith.constant 0 : i32
        %dma_start3A_35 = arith.constant 0 : i32
        %dma_start3A_36 = tpu.memref_slice %arg3[%add3A_20, %dma_start3A_34, %dma_start3A_35] : memref<4000x6x80xi32, #tpu.memory_space<hbm>> -> memref<1x6x80xi32, #tpu.memory_space<hbm>>
        %dma_start3A_37 = tpu.memref_squeeze %dma_start3A_36 : memref<1x6x80xi32, #tpu.memory_space<hbm>> -> memref<6x80xi32, #tpu.memory_space<hbm>>
        tpu.enqueue_dma source(%dma_start3A_37 : memref<6x80xi32, #tpu.memory_space<hbm>>) target(%arg5 : memref<6x80xi32, #tpu.memory_space<vmem>>) target_semaphore(%run_scoped3A : memref<!tpu.dma_semaphore, #tpu.memory_space<semaphore_mem>>)
        %dma_wait3A_38 = arith.constant 0 : i32
        %dma_wait3A_39 = arith.constant 0 : i32
        %dma_wait3A_40 = tpu.memref_slice %arg3[%add3A_20, %dma_wait3A_38, %dma_wait3A_39] : memref<4000x6x80xi32, #tpu.memory_space<hbm>> -> memref<1x6x80xi32, #tpu.memory_space<hbm>>
        %dma_wait3A_41 = tpu.memref_squeeze %dma_wait3A_40 : memref<1x6x80xi32, #tpu.memory_space<hbm>> -> memref<6x80xi32, #tpu.memory_space<hbm>>
        %dma_wait3A_42 = arith.constant 0 : i32
        %dma_wait3A_43 = arith.constant 0 : i32
        %dma_wait3A_44 = tpu.memref_slice %arg3[%add3A_20, %dma_wait3A_42, %dma_wait3A_43] : memref<4000x6x80xi32, #tpu.memory_space<hbm>> -> memref<1x6x80xi32, #tpu.memory_space<hbm>>
        %dma_wait3A_45 = tpu.memref_squeeze %dma_wait3A_44 : memref<1x6x80xi32, #tpu.memory_space<hbm>> -> memref<6x80xi32, #tpu.memory_space<hbm>>
        tpu.wait_dma2 semaphore(%run_scoped3A : memref<!tpu.dma_semaphore, #tpu.memory_space<semaphore_mem>>) src(%dma_wait3A_45 : memref<6x80xi32, #tpu.memory_space<hbm>>) dst(%arg5 : memref<6x80xi32, #tpu.memory_space<vmem>>)
        tpu.yield
      }) : () -> ()
      %scan3A_21 = arith.constant 0 : i32
      %scan3A_22 = arith.constant 5 : i32
      %scan3A_23 = arith.addi %scan3A_21, %scan3A_22 : i32
      %scan3A_24 = arith.constant 1 : i32
      scf.for %scan3A_30 = %scan3A_21 to %scan3A_23 step %scan3A_24  : i32 {
        %mul3A_31 = arith.constant 1 : i32
        %mul3A_32 = arith.muli %scan3A_30, %mul3A_31 : i32
        %add3A_33 = arith.constant 0 : i32
        %add3A_34 = arith.addi %add3A_33, %mul3A_32 : i32
        %mul3A_35 = arith.constant 16 : i32
        %mul3A_36 = arith.muli %add3A_34, %mul3A_35 : i32
        %get3A = arith.constant 5 : i32
        %get3A_37 = arith.index_cast %get3A : i32 to index
        %get3A_38 = arith.index_cast %mul3A_36 : i32 to index
        %get3A_39 = tpu.vector_load %arg5[%get3A_37, %get3A_38] {strides = array<i32>} : memref<6x80xi32, #tpu.memory_space<vmem>>, vector<1x16xi32>,
        %get3A_40 = vector.shape_cast %get3A_39 : vector<1x16xi32> to vector<16xi32>
        %swap3A = arith.index_cast %mul3A_36 : i32 to index
        %swap3A_41 = tpu.vector_load %arg6[%swap3A] {strides = array<i32>} : memref<80xi32, #tpu.memory_space<vmem>>, vector<16xi32>,
        %swap3A_42 = vector.shape_cast %swap3A_41 : vector<16xi32> to vector<16xi32>
        %swap3A_43 = vector.shape_cast %get3A_40 : vector<16xi32> to vector<16xi32>
        tpu.vector_store %arg6[%swap3A], %swap3A_43 {strides = array<i32>} : memref<80xi32, #tpu.memory_space<vmem>>, vector<16xi32>,
      }
      %scan3A_25 = arith.constant 5 : i32
      %dma_start3A = arith.constant 0 : i32
      %dma_start3A_26 = arith.constant 0 : i32
      %dma_start3A_27 = tpu.memref_slice %arg2[%dma_start3A, %dma_start3A_26] : memref<416x128xf32, #tpu.memory_space<hbm>> -> memref<416x128xf32, #tpu.memory_space<hbm>>
      tpu.enqueue_indirect_dma source(%dma_start3A_27 : memref<416x128xf32, #tpu.memory_space<hbm>>) target(%arg7 : memref<80x128xf32, #tpu.memory_space<vmem>>) offsets(%arg6 : memref<80xi32, #tpu.memory_space<vmem>>) semaphore(%arg8 : memref<!tpu.dma_semaphore, #tpu.memory_space<semaphore_mem>>)
      %dma_wait3A = arith.constant 0 : i32
      %dma_wait3A_28 = arith.constant 0 : i32
      %dma_wait3A_29 = tpu.memref_slice %arg2[%dma_wait3A, %dma_wait3A_28] : memref<416x128xf32, #tpu.memory_space<hbm>> -> memref<416x128xf32, #tpu.memory_space<hbm>>
      tpu.wait_indirect_dma semaphore(%arg8 : memref<!tpu.dma_semaphore, #tpu.memory_space<semaphore_mem>>) src(%dma_wait3A_29 : memref<416x128xf32, #tpu.memory_space<hbm>>) dst(%arg7 : memref<80x128xf32, #tpu.memory_space<vmem>>)
      "tpu.region"() ({
        %run_scoped3A = tpu.sem_alloc : memref<!tpu.dma_semaphore, #tpu.memory_space<semaphore_mem>>
        %dma_start3A_30 = arith.constant 0 : i32
        %dma_start3A_31 = tpu.memref_slice %arg4[%add3A_17, %dma_start3A_30] : memref<320000x128xf32, #tpu.memory_space<hbm>> -> memref<80x128xf32, #tpu.memory_space<hbm>>
        %dma_start3A_32 = arith.constant 0 : i32
        %dma_start3A_33 = tpu.memref_slice %arg4[%add3A_17, %dma_start3A_32] : memref<320000x128xf32, #tpu.memory_space<hbm>> -> memref<80x128xf32, #tpu.memory_space<hbm>>
        tpu.enqueue_dma source(%arg7 : memref<80x128xf32, #tpu.memory_space<vmem>>) target(%dma_start3A_33 : memref<80x128xf32, #tpu.memory_space<hbm>>) target_semaphore(%run_scoped3A : memref<!tpu.dma_semaphore, #tpu.memory_space<semaphore_mem>>)
        %dma_wait3A_34 = arith.constant 0 : i32
        %dma_wait3A_35 = tpu.memref_slice %arg4[%add3A_17, %dma_wait3A_34] : memref<320000x128xf32, #tpu.memory_space<hbm>> -> memref<80x128xf32, #tpu.memory_space<hbm>>
        %dma_wait3A_36 = arith.constant 0 : i32
        %dma_wait3A_37 = tpu.memref_slice %arg4[%add3A_17, %dma_wait3A_36] : memref<320000x128xf32, #tpu.memory_space<hbm>> -> memref<80x128xf32, #tpu.memory_space<hbm>>
        tpu.wait_dma2 semaphore(%run_scoped3A : memref<!tpu.dma_semaphore, #tpu.memory_space<semaphore_mem>>) src(%arg7 : memref<80x128xf32, #tpu.memory_space<vmem>>) dst(%dma_wait3A_37 : memref<80x128xf32, #tpu.memory_space<hbm>>)
        tpu.yield
      }) : () -> ()
    }
    %scan3A_9 = arith.constant 125 : i32
    return
  }
}

module attributes {stable_mosaic.version = 14 : i64} {
  func.func @_dinv_body(%arg0: memref<20480x16xf32, #tpu.memory_space<vmem>>, %arg1: memref<10000x128xf32, #tpu.memory_space<vmem>>, %arg2: memref<20480xf32, #tpu.memory_space<vmem>>, %arg3: memref<20000x128xf32, #tpu.memory_space<vmem>>) attributes {dimension_semantics = [], scalar_prefetch = 0 : i64, scratch_operands = 0 : i64, tpu.core_type = #tpu.core_type<tc>} {
    %get3A = arith.constant 0 : index
    %get3A_0 = arith.constant 0 : index
    %get3A_1 = vector.load %arg0[%get3A, %get3A_0] : memref<20480x16xf32, #tpu.memory_space<vmem>>, vector<20480x16xf32>
    %slice3A = vector.extract_strided_slice %get3A_1 {offsets = [0, 0], sizes = [20480, 1], strides = [1, 1]} : vector<20480x16xf32> to vector<20480x1xf32>
    %squeeze3A = vector.shape_cast %slice3A : vector<20480x1xf32> to vector<20480xf32>
    %gt3A = arith.constant 0.000000e+00 : f32
    %gt3A_2 = vector.broadcast %gt3A : f32 to vector<20480xf32>
    %gt3A_3 = arith.cmpf ogt, %squeeze3A, %gt3A_2 : vector<20480xf32>
    %max3A = arith.constant 1.000000e-30 : f32
    %max3A_4 = vector.broadcast %max3A : f32 to vector<20480xf32>
    %max3A_5 = arith.maximumf %squeeze3A, %max3A_4 : vector<20480xf32>
    %rsqrt3A = math.rsqrt %max3A_5 : vector<20480xf32>
    %jit3A = arith.constant 0.000000e+00 : f32
    %broadcast_in_dim3A = vector.broadcast %jit3A : f32 to vector<20480xf32>
    %select_n3A = arith.select %gt3A_3, %rsqrt3A, %broadcast_in_dim3A : vector<20480xi1>, vector<20480xf32>
    %swap3A = arith.constant 0 : index
    %swap3A_6 = vector.load %arg2[%swap3A] : memref<20480xf32, #tpu.memory_space<vmem>>, vector<20480xf32>
    tpu.vector_store %arg2[%swap3A], %select_n3A {strides = array<i32>} : memref<20480xf32, #tpu.memory_space<vmem>>, vector<20480xf32>,
    %get3A_7 = arith.constant 0 : index
    %get3A_8 = arith.constant 0 : index
    %get3A_9 = vector.load %arg1[%get3A_7, %get3A_8] : memref<10000x128xf32, #tpu.memory_space<vmem>>, vector<10000x128xf32>
    %slice3A_10 = vector.extract_strided_slice %select_n3A {offsets = [0], sizes = [10000], strides = [1]} : vector<20480xf32> to vector<10000xf32>
    %mul3A = arith.constant 5.000000e-01 : f32
    %mul3A_11 = vector.broadcast %mul3A : f32 to vector<10000xf32>
    %mul3A_12 = arith.mulf %mul3A_11, %slice3A_10 : vector<10000xf32>
    %broadcast_in_dim3A_13 = vector.shape_cast %mul3A_12 : vector<10000xf32> to vector<10000x1xf32>
    %mul3A_14 = vector.broadcast %broadcast_in_dim3A_13 : vector<10000x1xf32> to vector<10000x128xf32>
    %mul3A_15 = arith.mulf %get3A_9, %mul3A_14 : vector<10000x128xf32>
    %swap3A_16 = arith.constant 0 : index
    %swap3A_17 = arith.constant 0 : index
    %swap3A_18 = vector.load %arg3[%swap3A_16, %swap3A_17] : memref<20000x128xf32, #tpu.memory_space<vmem>>, vector<10000x128xf32>
    tpu.vector_store %arg3[%swap3A_16, %swap3A_17], %mul3A_15 {strides = array<i32>} : memref<20000x128xf32, #tpu.memory_space<vmem>>, vector<10000x128xf32>,
    %slice3A_19 = vector.extract_strided_slice %select_n3A {offsets = [10240], sizes = [10000], strides = [1]} : vector<20480xf32> to vector<10000xf32>
    %mul3A_20 = arith.constant 5.000000e-01 : f32
    %mul3A_21 = vector.broadcast %mul3A_20 : f32 to vector<10000xf32>
    %mul3A_22 = arith.mulf %mul3A_21, %slice3A_19 : vector<10000xf32>
    %broadcast_in_dim3A_23 = vector.shape_cast %mul3A_22 : vector<10000xf32> to vector<10000x1xf32>
    %mul3A_24 = vector.broadcast %broadcast_in_dim3A_23 : vector<10000x1xf32> to vector<10000x128xf32>
    %mul3A_25 = arith.mulf %get3A_9, %mul3A_24 : vector<10000x128xf32>
    %swap3A_26 = arith.constant 10000 : index
    %swap3A_27 = arith.constant 0 : index
    %swap3A_28 = vector.load %arg3[%swap3A_26, %swap3A_27] : memref<20000x128xf32, #tpu.memory_space<vmem>>, vector<10000x128xf32>
    tpu.vector_store %arg3[%swap3A_26, %swap3A_27], %mul3A_25 {strides = array<i32>} : memref<20000x128xf32, #tpu.memory_space<vmem>>, vector<10000x128xf32>,
    return
  }
}

module attributes {stable_mosaic.version = 14 : i64} {
  func.func @_mm_body(%arg0: i32, %arg1: memref<3200x128xf32, #tpu.memory_space<vmem>>, %arg2: memref<128x128xf32, #tpu.memory_space<vmem>>, %arg3: memref<3200x128xf32, #tpu.memory_space<vmem>>, %arg4: memref<3200x128xf32, #tpu.memory_space<vmem>>) attributes {dimension_semantics = [#tpu.dimension_semantics<arbitrary>], iteration_bounds = array<i64: 100>, scalar_prefetch = 0 : i64, scratch_operands = 0 : i64, tpu.core_type = #tpu.core_type<tc>, window_params = [{transform_indices = @transform_0, window_bounds = array<i64: 3200, 128>}, {pipeline_mode = #tpu.pipeline_mode<synchronous>, transform_indices = @transform_1, window_bounds = array<i64: 128, 128>}, {transform_indices = @transform_2, window_bounds = array<i64: 3200, 128>}, {transform_indices = @transform_3, window_bounds = array<i64: 3200, 128>}]} {
    %get3A = arith.constant 0 : index
    %get3A_0 = arith.constant 0 : index
    %get3A_1 = vector.load %arg1[%get3A, %get3A_0] : memref<3200x128xf32, #tpu.memory_space<vmem>>, vector<3200x128xf32>
    %get3A_2 = arith.constant 0 : index
    %get3A_3 = arith.constant 0 : index
    %get3A_4 = vector.load %arg2[%get3A_2, %get3A_3] : memref<128x128xf32, #tpu.memory_space<vmem>>, vector<128x128xf32>
    %dot_general3A = arith.constant dense<0.000000e+00> : vector<3200x128xf32>
    %dot_general3A_5 = tpu.matmul %get3A_1, %get3A_4, %dot_general3A {dimension_numbers = #tpu.dot_dimension_numbers<[1], [0], [0], [1], [0, 0, 1, 1], [], []>, transpose_lhs_hint = false} : vector<3200x128xf32>, vector<128x128xf32>, vector<3200x128xf32> -> vector<3200x128xf32>
    %get3A_6 = arith.constant 0 : index
    %get3A_7 = arith.constant 0 : index
    %get3A_8 = vector.load %arg3[%get3A_6, %get3A_7] : memref<3200x128xf32, #tpu.memory_space<vmem>>, vector<3200x128xf32>
    %add3A = arith.addf %dot_general3A_5, %get3A_8 : vector<3200x128xf32>
    %swap3A = arith.constant 0 : index
    %swap3A_9 = arith.constant 0 : index
    %swap3A_10 = vector.load %arg4[%swap3A, %swap3A_9] : memref<3200x128xf32, #tpu.memory_space<vmem>>, vector<3200x128xf32>
    tpu.vector_store %arg4[%swap3A, %swap3A_9], %add3A {strides = array<i32>} : memref<3200x128xf32, #tpu.memory_space<vmem>>, vector<3200x128xf32>,
    return
  }
  func.func @transform_0(%arg0: i32) -> (i32, i32) {
    %c0_i32 = arith.constant 0 : i32
    %c0_i32_0 = arith.constant 0 : i32
    return %arg0, %c0_i32 : i32, i32
  }
  func.func @transform_1(%arg0: i32) -> (i32, i32) {
    %c0_i32 = arith.constant 0 : i32
    %c0_i32_0 = arith.constant 0 : i32
    %c0_i32_1 = arith.constant 0 : i32
    return %c0_i32, %c0_i32_0 : i32, i32
  }
  func.func @transform_2(%arg0: i32) -> (i32, i32) {
    %c0_i32 = arith.constant 0 : i32
    %c0_i32_0 = arith.constant 0 : i32
    return %arg0, %c0_i32 : i32, i32
  }
  func.func @transform_3(%arg0: i32) -> (i32, i32) {
    %c0_i32 = arith.constant 0 : i32
    %c0_i32_0 = arith.constant 0 : i32
    return %arg0, %c0_i32 : i32, i32
  }
}

module attributes {stable_mosaic.version = 14 : i64} {
  func.func @_final_body(%arg0: memref<10000x128xf32, #tpu.memory_space<vmem>>, %arg1: memref<10000x128xf32, #tpu.memory_space<vmem>>, %arg2: memref<10000x1xf32, #tpu.memory_space<vmem>>, %arg3: memref<10000x1xf32, #tpu.memory_space<vmem>>, %arg4: memref<10000x128xf32, #tpu.memory_space<vmem>>, %arg5: memref<1x128xf32, #tpu.memory_space<vmem>>, %arg6: memref<128x128xf32, #tpu.memory_space<vmem>>, %arg7: memref<128x128xf32, #tpu.memory_space<vmem>>, %arg8: memref<128x128xf32, #tpu.memory_space<vmem>>, %arg9: memref<401x128xf32, #tpu.memory_space<vmem>>, %arg10: memref<128x128xf32, #tpu.memory_space<vmem>>, %arg11: memref<1x128xf32, #tpu.memory_space<vmem>>, %arg12: memref<1x128xf32, #tpu.memory_space<vmem>>, %arg13: memref<1x128xf32, #tpu.memory_space<vmem>>, %arg14: memref<10000x128xf32, #tpu.memory_space<vmem>>, %arg15: memref<401x128xf32, #tpu.memory_space<vmem>>) attributes {dimension_semantics = [], scalar_prefetch = 0 : i64, scratch_operands = 0 : i64, tpu.core_type = #tpu.core_type<tc>} {
    %get3A = arith.constant 0 : index
    %get3A_0 = arith.constant 0 : index
    %get3A_1 = vector.load %arg4[%get3A, %get3A_0] : memref<10000x128xf32, #tpu.memory_space<vmem>>, vector<10000x128xf32>
    %get3A_2 = arith.constant 0 : index
    %get3A_3 = arith.constant 0 : index
    %get3A_4 = vector.load %arg5[%get3A_2, %get3A_3] : memref<1x128xf32, #tpu.memory_space<vmem>>, vector<1x128xf32>
    %mul3A = vector.broadcast %get3A_4 : vector<1x128xf32> to vector<10000x128xf32>
    %mul3A_5 = arith.mulf %get3A_1, %mul3A : vector<10000x128xf32>
    %get3A_6 = arith.constant 0 : index
    %get3A_7 = arith.constant 0 : index
    %get3A_8 = vector.load %arg6[%get3A_6, %get3A_7] : memref<128x128xf32, #tpu.memory_space<vmem>>, vector<128x128xf32>
    %dot_general3A = arith.constant dense<0.000000e+00> : vector<10000x128xf32>
    %dot_general3A_9 = tpu.matmul %mul3A_5, %get3A_8, %dot_general3A {dimension_numbers = #tpu.dot_dimension_numbers<[1], [0], [0], [1], [0, 0, 1, 1], [], []>, transpose_lhs_hint = false} : vector<10000x128xf32>, vector<128x128xf32>, vector<10000x128xf32> -> vector<10000x128xf32>
    %get3A_10 = arith.constant 0 : index
    %get3A_11 = arith.constant 0 : index
    %get3A_12 = vector.load %arg2[%get3A_10, %get3A_11] : memref<10000x1xf32, #tpu.memory_space<vmem>>, vector<10000x1xf32>
    %get3A_13 = arith.constant 0 : index
    %get3A_14 = arith.constant 0 : index
    %get3A_15 = vector.load %arg0[%get3A_13, %get3A_14] : memref<10000x128xf32, #tpu.memory_space<vmem>>, vector<10000x128xf32>
    %mul3A_16 = vector.broadcast %get3A_12 : vector<10000x1xf32> to vector<10000x128xf32>
    %mul3A_17 = arith.mulf %mul3A_16, %get3A_15 : vector<10000x128xf32>
    %get3A_18 = arith.constant 0 : index
    %get3A_19 = arith.constant 0 : index
    %get3A_20 = vector.load %arg7[%get3A_18, %get3A_19] : memref<128x128xf32, #tpu.memory_space<vmem>>, vector<128x128xf32>
    %dot_general3A_21 = arith.constant dense<0.000000e+00> : vector<10000x128xf32>
    %dot_general3A_22 = tpu.matmul %mul3A_17, %get3A_20, %dot_general3A_21 {dimension_numbers = #tpu.dot_dimension_numbers<[1], [0], [0], [1], [0, 0, 1, 1], [], []>, transpose_lhs_hint = false} : vector<10000x128xf32>, vector<128x128xf32>, vector<10000x128xf32> -> vector<10000x128xf32>
    %get3A_23 = arith.constant 0 : index
    %get3A_24 = arith.constant 0 : index
    %get3A_25 = vector.load %arg3[%get3A_23, %get3A_24] : memref<10000x1xf32, #tpu.memory_space<vmem>>, vector<10000x1xf32>
    %get3A_26 = arith.constant 0 : index
    %get3A_27 = arith.constant 0 : index
    %get3A_28 = vector.load %arg1[%get3A_26, %get3A_27] : memref<10000x128xf32, #tpu.memory_space<vmem>>, vector<10000x128xf32>
    %mul3A_29 = vector.broadcast %get3A_25 : vector<10000x1xf32> to vector<10000x128xf32>
    %mul3A_30 = arith.mulf %mul3A_29, %get3A_28 : vector<10000x128xf32>
    %get3A_31 = arith.constant 0 : index
    %get3A_32 = arith.constant 0 : index
    %get3A_33 = vector.load %arg8[%get3A_31, %get3A_32] : memref<128x128xf32, #tpu.memory_space<vmem>>, vector<128x128xf32>
    %dot_general3A_34 = arith.constant dense<0.000000e+00> : vector<10000x128xf32>
    %dot_general3A_35 = tpu.matmul %mul3A_30, %get3A_33, %dot_general3A_34 {dimension_numbers = #tpu.dot_dimension_numbers<[1], [0], [0], [1], [0, 0, 1, 1], [], []>, transpose_lhs_hint = false} : vector<10000x128xf32>, vector<128x128xf32>, vector<10000x128xf32> -> vector<10000x128xf32>
    %add3A = arith.addf %dot_general3A_22, %dot_general3A_35 : vector<10000x128xf32>
    %add3A_36 = arith.addf %add3A, %dot_general3A_9 : vector<10000x128xf32>
    %mul3A_37 = arith.constant 0.333333343 : f32
    %mul3A_38 = vector.broadcast %mul3A_37 : f32 to vector<10000x128xf32>
    %mul3A_39 = arith.mulf %add3A_36, %mul3A_38 : vector<10000x128xf32>
    %get3A_40 = arith.constant 0 : index
    %get3A_41 = arith.constant 0 : index
    %get3A_42 = vector.load %arg11[%get3A_40, %get3A_41] : memref<1x128xf32, #tpu.memory_space<vmem>>, vector<1x128xf32>
    %add3A_43 = vector.broadcast %get3A_42 : vector<1x128xf32> to vector<10000x128xf32>
    %add3A_44 = arith.addf %mul3A_39, %add3A_43 : vector<10000x128xf32>
    %reduce_sum3A = arith.constant dense<0.000000e+00> : vector<128xf32>
    %reduce_sum3A_45 = vector.multi_reduction <add>, %add3A_44, %reduce_sum3A [0] : vector<10000x128xf32> to vector<128xf32>
    %broadcast_in_dim3A = vector.shape_cast %reduce_sum3A_45 : vector<128xf32> to vector<1x128xf32>
    %div3A = arith.constant 1.000000e+04 : f32
    %div3A_46 = vector.broadcast %div3A : f32 to vector<1x128xf32>
    %div3A_47 = arith.divf %broadcast_in_dim3A, %div3A_46 : vector<1x128xf32>
    %sub3A = vector.broadcast %div3A_47 : vector<1x128xf32> to vector<10000x128xf32>
    %sub3A_48 = arith.subf %add3A_44, %sub3A : vector<10000x128xf32>
    %integer_pow3A = arith.mulf %sub3A_48, %sub3A_48 : vector<10000x128xf32>
    %reduce_sum3A_49 = arith.constant dense<0.000000e+00> : vector<128xf32>
    %reduce_sum3A_50 = vector.multi_reduction <add>, %integer_pow3A, %reduce_sum3A_49 [0] : vector<10000x128xf32> to vector<128xf32>
    %broadcast_in_dim3A_51 = vector.shape_cast %reduce_sum3A_50 : vector<128xf32> to vector<1x128xf32>
    %div3A_52 = arith.constant 1.000000e+04 : f32
    %div3A_53 = vector.broadcast %div3A_52 : f32 to vector<1x128xf32>
    %div3A_54 = arith.divf %broadcast_in_dim3A_51, %div3A_53 : vector<1x128xf32>
    %get3A_55 = arith.constant 0 : index
    %get3A_56 = arith.constant 0 : index
    %get3A_57 = vector.load %arg12[%get3A_55, %get3A_56] : memref<1x128xf32, #tpu.memory_space<vmem>>, vector<1x128xf32>
    %sub3A_58 = vector.broadcast %div3A_47 : vector<1x128xf32> to vector<10000x128xf32>
    %sub3A_59 = arith.subf %add3A_44, %sub3A_58 : vector<10000x128xf32>
    %mul3A_60 = vector.broadcast %get3A_57 : vector<1x128xf32> to vector<10000x128xf32>
    %mul3A_61 = arith.mulf %mul3A_60, %sub3A_59 : vector<10000x128xf32>
    %add3A_62 = arith.constant 9.99999974E-6 : f32
    %add3A_63 = vector.broadcast %add3A_62 : f32 to vector<1x128xf32>
    %add3A_64 = arith.addf %div3A_54, %add3A_63 : vector<1x128xf32>
    %rsqrt3A = math.rsqrt %add3A_64 : vector<1x128xf32>
    %mul3A_65 = vector.broadcast %rsqrt3A : vector<1x128xf32> to vector<10000x128xf32>
    %mul3A_66 = arith.mulf %mul3A_61, %mul3A_65 : vector<10000x128xf32>
    %get3A_67 = arith.constant 0 : index
    %get3A_68 = arith.constant 0 : index
    %get3A_69 = vector.load %arg13[%get3A_67, %get3A_68] : memref<1x128xf32, #tpu.memory_space<vmem>>, vector<1x128xf32>
    %add3A_70 = vector.broadcast %get3A_69 : vector<1x128xf32> to vector<10000x128xf32>
    %add3A_71 = arith.addf %mul3A_66, %add3A_70 : vector<10000x128xf32>
    %tanh3A = math.tanh %add3A_71 : vector<10000x128xf32>
    %swap3A = arith.constant 0 : index
    %swap3A_72 = arith.constant 0 : index
    %swap3A_73 = vector.load %arg14[%swap3A, %swap3A_72] : memref<10000x128xf32, #tpu.memory_space<vmem>>, vector<10000x128xf32>
    tpu.vector_store %arg14[%swap3A, %swap3A_72], %tanh3A {strides = array<i32>} : memref<10000x128xf32, #tpu.memory_space<vmem>>, vector<10000x128xf32>,
    %get3A_74 = arith.constant 0 : index
    %get3A_75 = arith.constant 0 : index
    %get3A_76 = vector.load %arg9[%get3A_74, %get3A_75] : memref<401x128xf32, #tpu.memory_space<vmem>>, vector<401x128xf32>
    %get3A_77 = arith.constant 0 : index
    %get3A_78 = arith.constant 0 : index
    %get3A_79 = vector.load %arg10[%get3A_77, %get3A_78] : memref<128x128xf32, #tpu.memory_space<vmem>>, vector<128x128xf32>
    %dot_general3A_80 = arith.constant dense<0.000000e+00> : vector<401x128xf32>
    %dot_general3A_81 = tpu.matmul %get3A_76, %get3A_79, %dot_general3A_80 {dimension_numbers = #tpu.dot_dimension_numbers<[1], [0], [0], [1], [0, 0, 1, 1], [], []>, transpose_lhs_hint = false} : vector<401x128xf32>, vector<128x128xf32>, vector<401x128xf32> -> vector<401x128xf32>
    %swap3A_82 = arith.constant 0 : index
    %swap3A_83 = arith.constant 0 : index
    %swap3A_84 = vector.load %arg15[%swap3A_82, %swap3A_83] : memref<401x128xf32, #tpu.memory_space<vmem>>, vector<401x128xf32>
    tpu.vector_store %arg15[%swap3A_82, %swap3A_83], %dot_general3A_81 {strides = array<i32>} : memref<401x128xf32, #tpu.memory_space<vmem>>, vector<401x128xf32>,
    return
  }
}

</mosaic_0001>

<sc_bundles>
// kernel: kernel.12.cloned.1.call-start
scs
__scs_entry_jumppad:
0x0: {  	(pc) =	sbr.rel $0x88, $3  }
0x1: {  	(tag) =	ssettag $0x0;
	lr =	simm.s32 $0x1  }
0x2: {  	[smem:$0x3F92] =	sst lr;
	_ =	strace $0xD0000000  }
0x3: {  	_ = 	snop  }
0x4: {  	_ = 	snop  }
0x5: {  	_ = 	snop  }
0x6: {  	_ = 	snop  }
0x7: {  	_ = 	snop  }
__scs_overlays_trampoline_lowered:
0x8: {  	[smem:$0x3FA1] =	sst s0  }
0x9: {  	[smem:$0x3FA2] =	sst s1  }
0xa: {  	[smem:$0x3FA3] =	sst s2  }
0xb: {  	[smem:$0x3FA4] =	sst s3  }
0xc: {  	[smem:$0x3FA5] =	sst s4  }
0xd: {  	[smem:$0x3FA6] =	sst s5  }
0xe: {  	[smem:$0x3FA7] =	sst s6  }
0xf: {  	[smem:$0x3FA8] =	sst s7  }
0x10: {  	[smem:$0x3FA9] =	sst s8  }
0x11: {  	[smem:$0x3FAA] =	sst s9;
	s0 =	simm.s32 @!p0 $0x0  }
0x12: {  	s1 =	sld [smem:$0x3F90];
	s0 =	simm.s32 @p0 $0x1  }
0x13: {  	[smem:$0x3FAB] =	sst s0;
	s0 =	simm.s32 @!p1 $0x0  }
0x14: {  	s2 =	sld [smem:$0x3F8F];
	s0 =	simm.s32 @p1 $0x1  }
0x15: {  	[smem:$0x3FAC] =	sst s0;
	s0 =	simm.s32 @!p2 $0x0  }
0x16: {  	s3 =	sld [smem:$0x3FDB];
	s0 =	simm.s32 @p2 $0x1  }
0x17: {  	s4 =	simm.s32 $0x1BF5;
	[smem:$0x3FAE] =	sst s0  }
0x18: {  	s0 =	sld [smem:$0x3F91];
	_ =	swait.ge [sflag:s4], $0x0  }
0x19: {  	s7 =	sld [smem:$0x3F92]  }
0x1a: {  	s8 =	sadd.s32 $0xFFFFE003, lr  }
0x1b: {  	s9 =	sadd.s32 $0xFFFFFEF7, lr;
	s5 =	simm.s32 $0xFFFFFFFF;
	p2 =	slt.u32 s8, $0xFFFFF086  }
0x1c: {  	p1 =	slt.u32 s9, $0xF7A;
	s5 =	simm.s32 @!p2 $0x0  }
0x1d: {  	s5 =	simm.s32 @p1 $0x1;
	p0 =	seq.s32 s7, s2  }
0x1e: {  	s7 =	smul.u32 @!p0 $0xF7A, s2;
	p2 =	seq.s32 @!p0 s5, $0x0  }
0x1f: {  	s9 =	smul.u32 $0xF7A, s1;
	s8 =	simm.s32 @!p0 $0x1BF5;
	p2 =	por !p2, p0  }
0x20: {  	[sflag:s8] =	ssyncset.s32 @!p0 $0xFFFFF086;
	s6 =	sadd.s32 @!p0 s3, s7;
	s7 =	simm.s32 @!p0 $0x108  }
0x21: {  	s3 =	sadd.s32 s3, s9;
	s6 =	sadd.s32 @!p0 $0x88, s6;
	s7 =	simm.s32 @p2 $0x1082  }
0x22: {  	[simem:s7], [sflag:s8] =	dma.local @!p0 [hbm:s6], $0xF7A  }
0x23: {  	s9 =	sor.u32 $0xD0000000, s2;
	s6 =	simm.s32 $0x108;
	_ =	swait.ge @!p0 [sflag:s8], $0x0  }
0x24: {  	s3 =	sadd.s32 $0x88, s3;
	s6 =	simm.s32 @!p1 $0x1082;
	[sflag:s4] =	ssyncset.s32 $0xFFFFF086  }
0x25: {  	[simem:s6], [sflag:s4] =	dma.local [hbm:s3], $0xF7A  }
0x26: {  	[smem:$0x3F92] =	sst s1;
	(tag) =	ssettag s2;
	_ =	strace s9  }
0x27: {  	s1 =	sld [smem:$0x3FA2]  }
0x28: {  	s2 =	sld [smem:$0x3FA3]  }
0x29: {  	s4 =	sld [smem:$0x3FA5]  }
0x2a: {  	p0 =	seq.s32 s5, $0x0;
	s5 =	sld [smem:$0x3FA6]  }
0x2b: {  	s6 =	sld [smem:$0x3FA7]  }
0x2c: {  	s7 =	sld [smem:$0x3FA8]  }
0x2d: {  	s3 =	simm.s32 $0x108;
	s8 =	sld [smem:$0x3FA9]  }
0x2e: {  	s3 =	simm.s32 @!p0 $0x1082;
	s9 =	sld [smem:$0x3FAA]  }
0x2f: {  	lr =	sadd.s32 s0, s3;
	s0 =	sld [smem:$0x3FA1]  }
0x30: {  	s3 =	sld [smem:$0x3FA4]  }
0x31: {  	[smem:$0x3FAD] =	sst s10  }
0x32: {  	s10 =	sld [smem:$0x3FAB];
	_ =	sdelay $0x3  }
0x33: {  	p0 =	seq.s32 s10, $0x1;
	s10 =	sld [smem:$0x3FAD];
	_ =	sdelay $0x3  }
0x34: {  	[smem:$0x3FAD] =	sst s10  }
0x35: {  	s10 =	sld [smem:$0x3FAC];
	_ =	sdelay $0x3  }
0x36: {  	p1 =	seq.s32 s10, $0x1;
	s10 =	sld [smem:$0x3FAD];
	_ =	sdelay $0x3  }
0x37: {  	[smem:$0x3FAD] =	sst s10  }
0x38: {  	s10 =	sld [smem:$0x3FAE]  }
0x39: {  	_ = 	snop;
	(pc) =	sbr.ind lr, $3  }
0x3a: {  	_ = 	snop  }
0x3b: {  	_ = 	snop  }
0x3c: {  	p2 =	seq.s32 s10, $0x1;
	s10 =	sld [smem:$0x3FAD]  }
0x3d: {  	_ =	shalt  }
0x3e: {  	_ =	shalt  }
0x3f: {  	_ =	shalt  }
0x40: {  	_ =	shalt  }
0x41: {  	_ =	shalt  }
0x42: {  	_ =	shalt  }
0x43: {  	_ =	shalt  }
0x44: {  	_ =	shalt  }
0x45: {  	_ =	shalt  }
0x46: {  	_ =	shalt  }
0x47: {  	_ =	shalt  }
0x48: {  	_ =	shalt  }
0x49: {  	_ =	shalt  }
0x4a: {  	_ =	shalt  }
0x4b: {  	_ =	shalt  }
0x4c: {  	_ =	shalt  }
0x4d: {  	_ =	shalt  }
0x4e: {  	_ =	shalt  }
0x4f: {  	_ =	shalt  }
0x50: {  	_ =	shalt  }
0x51: {  	_ =	shalt  }
0x52: {  	_ =	shalt  }
0x53: {  	_ =	shalt  }
0x54: {  	_ =	shalt  }
0x55: {  	_ =	shalt  }
0x56: {  	_ =	shalt  }
0x57: {  	_ =	shalt  }
0x58: {  	_ =	shalt  }
0x59: {  	_ =	shalt  }
0x5a: {  	_ =	shalt  }
0x5b: {  	_ =	shalt  }
0x5c: {  	_ =	shalt  }
0x5d: {  	_ =	shalt  }
0x5e: {  	_ =	shalt  }
0x5f: {  	_ =	shalt  }
0x60: {  	_ =	shalt  }
0x61: {  	_ =	shalt  }
0x62: {  	_ =	shalt  }
0x63: {  	_ =	shalt  }
0x64: {  	_ =	shalt  }
0x65: {  	_ =	shalt  }
0x66: {  	_ =	shalt  }
0x67: {  	_ =	shalt  }
0x68: {  	_ =	shalt  }
0x69: {  	_ =	shalt  }
0x6a: {  	_ =	shalt  }
0x6b: {  	_ =	shalt  }
0x6c: {  	_ =	shalt  }
0x6d: {  	_ =	shalt  }
0x6e: {  	_ =	shalt  }
0x6f: {  	_ =	shalt  }
0x70: {  	_ =	shalt  }
0x71: {  	_ =	shalt  }
0x72: {  	_ =	shalt  }
0x73: {  	_ =	shalt  }
0x74: {  	_ =	shalt  }
0x75: {  	_ =	shalt  }
0x76: {  	_ =	shalt  }
0x77: {  	_ =	shalt  }
0x78: {  	_ =	shalt  }
0x79: {  	_ =	shalt  }
0x7a: {  	_ =	shalt  }
0x7b: {  	_ =	shalt  }
0x7c: {  	_ =	shalt  }
0x7d: {  	_ =	shalt  }
0x7e: {  	_ =	shalt  }
0x7f: {  	_ =	shalt  }
0x80: {  	_ =	shalt  }
0x81: {  	_ =	shalt  }
0x82: {  	_ =	shalt  }
0x83: {  	_ =	shalt  }
0x84: {  	_ =	shalt  }
0x85: {  	_ =	shalt  }
0x86: {  	_ =	shalt  }
0x87: {  	_ =	shalt  }
.Lfunc_end0:
.L_simem_size_0:
called_computation.2_lowered:
.L_overlay_start_0:
0x88: {  	s2 =	sld [smem:$0x3FD9]  }
0x89: {  	s3 =	sld [smem:$0x3FFE];
	_ =	sdelay $0x1  }
0x8a: {  	s1 =	srdreg.scid  }
0x8b: {  	s0 =	sand.u32 $0x1, s1  }
0x8c: {  	s17 =	sshll.u32 s0, $0xA;
	s2 =	sadd.s32 s3, s2  }
0x8d: {  	s2 =	sadd.s32 s2, s17  }
0x8e: {  	[smem:$0x3FB9] =	sst s2  }
0x8f: {  	_ = 	snop  }
0x90: {  	s18 =	sld [smem:$0x3FC9];
	(tm) =	ssettm $0x1  }
0x91: {  	s19 =	sld [smem:$0x3FFB];
	_ =	sdelay $0x3  }
0x92: {  	_ =	strace s19  }
0x93: {  	s2 =	sld [smem:$0x3FFC];
	_ =	sdelay $0x3  }
0x94: {  	_ =	strace s2  }
0x95: {  	s2 =	sld [smem:$0x3FFD];
	_ =	sdelay $0x3  }
0x96: {  	_ =	strace s2  }
0x97: {  	_ =	strace $0x8FFFFFFF  }
0x98: {  	s20 =	sld [smem:$0x3FDB];
	_ =	sdelay $0x1  }
0x99: {  	s4 =	simm.s32 $_scs_section_size  }
0x9a: {  	s5 =	simm.s32 $_size__tile_overlayer_lowered;
	s6 =	simm.s32 $_tile_overlayer_lowered  }
0x9b: {  	s7 =	simm.s32 $0x1BFF;
	s21 =	sshll.u32 s6, $0x1;
	s4 =	sadd.s32 s4, s20  }
0x9c: {  	s22 =	simm.s32 $0x0;
	s5 =	sshll.u32 s5, $0x1;
	s6 =	sadd.s32 s21, s4  }
0x9d: {  	[timem:s22], [sflag:s7] =	dma.local [hbm:s6], s5  }
0x9e: {  	_ =	swait.ge [sflag:s7], s5  }
0x9f: {  	s5 =	ssub.s32 $0x0, s5;
	[sflag:s7] =	ssyncset.done $0x0  }
0xa0: {  	[sflag:s7] =	ssyncadd.s32 s5;
	_ =	sdelay $0x1  }
0xa1: {  	s23 =	simm.s32 $0x1B8B  }
0xa2: {  	_ =	swait.ge [sflag:s23], $0x1  }
0xa3: {  	[sflag:s23] =	ssyncset.done $0x0  }
0xa4: {  	[sflag:s23] =	ssyncadd.s32 $0xFFFFFFFF  }
0xa5: {  	s5 =	sld [smem:$0x0]  }
0xa6: {  	s6 =	sand.u32 $0xFFFFFFFE, s1  }
0xa7: {  	p0 =	sne.s32 s1, s6  }
0xa8: {  	s6 =	sshll.u32 @p0 s6, $0xE  }
0xa9: {  	s6 =	sadd.s32 @p0 $0x11B8D, s6;
	s7 =	sshll.u32 @p0 s5, $0x11  }
0xaa: {  	s6 =	sor.u32 @p0 s7, s6  }
0xab: {  	[sflag:s6] =	ssyncadd.remote.s32 @p0 $0x1;
	_ =	sdelay $0x1  }
0xac: {  	s6 =	simm.s32 @p0 $0x1B8D  }
0xad: {  	_ =	swait.eq @p0 [sflag:s6], $0x1  }
0xae: {  	[sflag:s6] =	ssyncadd.s32 @p0 $0xFFFFFFFF  }
0xaf: {  	s7 =	sshll.u32 @!p0 s1, $0xE  }
0xb0: {  	s7 =	sor.u32 @!p0 $0x4000, s7;
	s6 =	simm.s32 @!p0 $0x1B8D  }
0xb1: {  	s5 =	sshll.u32 @!p0 s5, $0x11;
	s7 =	sadd.s32 @!p0 $0x11B8D, s7;
	_ =	swait.eq @!p0 [sflag:s6], $0x1  }
0xb2: {  	s5 =	sor.u32 @!p0 s5, s7;
	[sflag:s6] =	ssyncadd.s32 @!p0 $0xFFFFFFFF  }
0xb3: {  	s25 =	simm.s32 $0x1B8E;
	s24 =	sld [smem:$0x3FFE];
	[sflag:s5] =	ssyncadd.remote.s32 @!p0 $0x1  }
0xb4: {  	s26 =	simm.s32 $execute0_lowered;
	[smem:$0x3FD2] =	sst s25  }
0xb5: {  	s6 =	sshll.u32 s26, $0x1;
	_ =	strace $0x8000004F;
	[dreg:$0x1] =	wrdreg $0xFFFFFFFF  }
0xb6: {  	s28 =	simm.s32 $_size_execute0_lowered;
	s4 =	sadd.s32 s4, s6;
	[dreg:$0x0] =	wrdreg $0x0  }
0xb7: {  	s6 =	sshll.u32 s28, $0x1;
	[dreg:$0x2] =	wrdreg s4  }
0xb8: {  	[dreg:$0x3] =	wrdreg s6  }
0xb9: {  	[dreg:$0x4] =	wrdreg $0xC0  }
0xba: {  	_ =	task [dreg:s22], $0x5FFFF  }
0xbb: {  	[dreg:$0x1] =	wrdreg $0xFFFFFFFF  }
0xbc: {  	[dreg:$0x0] =	wrdreg $0x60  }
0xbd: {  	[dreg:$0x2] =	wrdreg s18  }
0xbe: {  	[dreg:$0x3] =	wrdreg s24  }
0xbf: {  	[dreg:$0x4] =	wrdreg $0xB  }
0xc0: {  	_ =	task.clear_ibuf [dreg:s22], $0x5FFFF;
	_ =	strace $0x9000004F  }
0xc1: {  	s29 =	simm.s32 $0xB;
	_ =	strace $0x80000051  }
0xc2: {  	_ =	swait.ge [sflag:s29], $0x1  }
0xc3: {  	[sflag:s29] =	ssyncadd.s32 $0xFFFFFFFF  }
0xc4: {  	_ =	strace $0x90000051  }
0xc5: {  	_ =	sfence  }
0xc6: {  	s30 =	sld [smem:$0x0];
	_ =	sdelay $0x2  }
0xc7: {  	s31 =	sshll.u32 s1, $0xD;
	s1 =	sshrl.u32 s1, $0x2  }
0xc8: {  	s4 =	sand.u32 $0x4000, s31;
	s1 =	sadd.s32 s1, s30  }
0xc9: {  	s0 =	sor.u32 s4, s0;
	s1 =	sshll.u32 s1, $0x11  }
0xca: {  	s0 =	sor.u32 s1, s0  }
0xcb: {  	s0 =	sadd.s32 $0x8F2B, s0  }
0xcc: {  	[sflag:s0] =	ssyncadd.remote.s32 $0x1  }
0xcd: {  	_ =	sfence.sel $0xFFFF  }
0xce: {  	[dreg:$0x0] =	wrdreg $0xFFFFFFFF;
	(pc) =	sbr.abs _section_cstart, $3  }
0xcf: {  	[dreg:$0x1] =	wrdreg $0xFFFFFFFF  }
0xd0: {  	_ =	task.clear_ibuf [dreg:s22], $0x2FFFF;
	_ =	strace $0x9FFFFFFF  }
0xd1: {  	(tm) =	ssettm $0x7FFFFFFF  }
tec
execute0_lowered:
.L_overlay_start_1:
0x0: {  	(tag) =	ssettag $0x1  }
0x1: {  	s1 =	rddreg [dreg:$0x0]  }
0x2: {  	s8 =	rddreg [dreg:$0x1]  }
0x3: {  	s0 =	rddreg [dreg:$0x2]  }
0x4: {  	s2 =	simm.s32 $0x0;
	s3 =	srdreg.scid;
	s12 =	simm.s32 $0x50  }
0x5: {  	s13 =	simm.s32 $0x400;
	s14 =	simm.s32 $0x500;
	s15 =	simm.s32 $0x480  }
0x6: {  	s16 =	simm.s32 $0x2D00;
	s17 =	simm.s32 $0x5500;
	s18 =	simm.s32 $0x1  }
0x7: {  	s19 =	simm.s32 $0x0;
	[smem:$0x7FF] =	sst s2;
	s4 =	sadd.s32 $0x1CE00, s8  }
0x8: {  	s5 =	sand.u32 $0x1, s3;
	s3 =	stileid.u32;
	_ =	strace $0x80000050  }
0x9: {  	s7 =	ssub.s32 $0x2, s5;
	s6 =	sshll.u32 s5, $0x4;
	s5 =	sadd.s32 $0x1E800, s8  }
0xa: {  	s9 =	sshrl.u32 s7, $0x1;
	s10 =	sor.u32 s3, s6;
	s6 =	sadd.s32 $0x9B800, s8  }
0xb: {  	s8 =	sadd.s32 $0xA73400, s8;
	s11 =	ssub.s32 s7, s9;
	s7 =	smul.u32 $0x2710, s10  }
0xc: {  	s9 =	smul.u32 $0x7D, s10;
	s10 =	smax.u32 s11, $0x1;
	s11 =	simm.s32 $0x2  }
.LBB2_1:
0xd: {  	s20 =	simm.s32 $0x0  }
.LBB2_2:
0xe: {  	s21 =	sadd.s32 s9, s20  }
0xf: {  	s21 =	sshll.u32 s21, $0x7  }
0x10: {  	s22 =	simm.s32 $0x0;
	s21 =	sadd.s32 s5, s21  }
0x11: {  	[tilespmem:s22], [sflag:$0x2] =	stream.linear.gather [hbm4b:s21+s22], $0x300, $0x38;
	[tilespmem:$0x7D00] =	vst v63  }
0x12: {  	_ =	swait.ge [sflag:s11], $0x300  }
0x13: {  	[sflag:s11] =	ssyncset.done $0x0  }
0x14: {  	[sflag:s11] =	ssyncadd.s32 $0xFFFFFD00  }
0x15: {  	v0 =	vld [tilespmem:$0x80]  }
0x16: {  	v1 =	vld [tilespmem:$0x180]  }
0x17: {  	v2 =	vld [tilespmem:$0x90]  }
0x18: {  	v3 =	vld [tilespmem:$0x190]  }
0x19: {  	v4 =	vld [tilespmem:$0xA0]  }
0x1a: {  	[tilespmem:$0x400] =	vst v0;
	v0 =	vld [tilespmem:$0x1A0]  }
0x1b: {  	[tilespmem:$0x480] =	vst v1;
	v1 =	vld [tilespmem:$0xB0]  }
0x1c: {  	[tilespmem:$0x410] =	vst v2;
	v2 =	vld [tilespmem:$0x1B0]  }
0x1d: {  	[tilespmem:$0x490] =	vst v3;
	v3 =	vld [tilespmem:$0xC0]  }
0x1e: {  	[tilespmem:$0x420] =	vst v4;
	v4 =	vld [tilespmem:$0x1C0]  }
0x1f: {  	[tilespmem:$0x4A0] =	vst v0  }
0x20: {  	[tilespmem:$0x430] =	vst v1  }
0x21: {  	s31 =	smul.u32 $0x50, s20;
	[tilespmem:$0x4B0] =	vst v2  }
0x22: {  	[tilespmem:$0x440] =	vst v3  }
0x23: {  	s21 =	sadd.s32 s7, s31;
	[tilespmem:$0x4C0] =	vst v4  }
0x24: {  	[tilespmem:s14], [sflag:$0x1] =	stream.indirect.gather [hbm4b:s1+s12], $0x80, s13, s12, $0xb8;
	[tilespmem:$0x7D00] =	vst v63  }
0x25: {  	s21 =	sshll.u32 s21, $0x4  }
0x26: {  	[tilespmem:s16], [sflag:$0x1] =	stream.indirect.gather [hbm4b:s4+s12], $0x80, s15, s12, $0xb8;
	[tilespmem:$0x7D00] =	vst v63  }
0x27: {  	s23 =	sadd.s32 s6, s21  }
0x28: {  	[tilespmem:s17], [sflag:$0x2] =	stream.linear.gather [hbm4b:s23+s22], $0x2800, $0x38;
	[tilespmem:$0x7D00] =	vst v63  }
0x29: {  	_ =	swait.ge [sflag:s11], $0x2800  }
0x2a: {  	[sflag:s11] =	ssyncset.done $0x0  }
0x2b: {  	[sflag:s11] =	ssyncadd.s32 $0xFFFFD800  }
0x2c: {  	_ =	swait.ge [sflag:s18], $0x2800  }
0x2d: {  	[sflag:s18] =	ssyncset.done $0x0  }
0x2e: {  	[sflag:s18] =	ssyncadd.s32 $0xFFFFD800  }
0x2f: {  	_ =	swait.ge [sflag:s18], $0x2800  }
0x30: {  	[sflag:s18] =	ssyncset.done $0x0  }
0x31: {  	s22 =	simm.s32 $0x0;
	[sflag:s18] =	ssyncadd.s32 $0xFFFFD800  }
0x32: {  	v5 =	vld [tilespmem:s22+$0x5500]  }
0x33: {  	v4 =	vld [tilespmem:s22+$0x5510]  }
0x34: {  	v3 =	vld [tilespmem:s22+$0x5520]  }
0x35: {  	v2 =	vld [tilespmem:s22+$0x5530]  }
0x36: {  	v1 =	vld [tilespmem:s22+$0x5540]  }
0x37: {  	v0 =	vld [tilespmem:s22+$0x5550]  }
0x38: {  	v12 =	vld [tilespmem:s22+$0x500]  }
0x39: {  	v17 =	vld [tilespmem:s22+$0x510]  }
0x3a: {  	v11 =	vld [tilespmem:s22+$0x520]  }
0x3b: {  	v10 =	vld [tilespmem:s22+$0x530]  }
0x3c: {  	v9 =	vld [tilespmem:s22+$0x540]  }
0x3d: {  	v8 =	vld [tilespmem:s22+$0x550]  }
0x3e: {  	v7 =	vld [tilespmem:s22+$0x560]  }
0x3f: {  	v6 =	vld [tilespmem:s22+$0x570]  }
0x40: {  	v18 =	vld [tilespmem:s22+$0x2D00]  }
0x41: {  	v19 =	vld [tilespmem:s22+$0x2D10]  }
0x42: {  	v16 =	vld [tilespmem:s22+$0x2D20]  }
0x43: {  	v15 =	vld [tilespmem:s22+$0x2D30]  }
0x44: {  	v14 =	vld [tilespmem:s22+$0x2D40]  }
0x45: {  	v13 =	vld [tilespmem:s22+$0x2D50];
	v18 =	vmul.f32 v18, v12  }
0x46: {  	s23 =	simm.s32 $0x200;
	v17 =	vmul.f32 v19, v17;
	v12 =	vld [tilespmem:s22+$0x2D60]  }
.LBB2_3:
0x47: {  	p0 =	sne.s32 s23, $0x9E00;
	v5 =	vadd.f32 v5, v18;
	v11 =	vmul.f32 v16, v11;
	v16 =	vld [tilespmem:s22+$0x2D70]  }
0x48: {  	v4 =	vadd.f32 v4, v17;
	v10 =	vmul.f32 v15, v10;
	v15 =	vld [tilespmem:s22+$0x5560]  }
0x49: {  	s24 =	sshra.s32 s23, $0x2;
	[tilespmem:s22+$0x2D00] =	vst v5;
	v3 =	vadd.f32 v3, v11;
	v9 =	vmul.f32 v14, v9;
	v11 =	vld [tilespmem:s22+$0x5570]  }
0x4a: {  	v5 =	vld [tilespmem:s24+$0x5500];
	[tilespmem:s22+$0x2D10] =	vst v4;
	v2 =	vadd.f32 v2, v10;
	v8 =	vmul.f32 v13, v8  }
0x4b: {  	v4 =	vld [tilespmem:s24+$0x5510];
	[tilespmem:s22+$0x2D20] =	vst v3;
	v1 =	vadd.f32 v1, v9;
	v7 =	vmul.f32 v12, v7  }
0x4c: {  	v3 =	vld [tilespmem:s24+$0x5520];
	[tilespmem:s22+$0x2D30] =	vst v2;
	v0 =	vadd.f32 v0, v8;
	v6 =	vmul.f32 v16, v6  }
0x4d: {  	v2 =	vld [tilespmem:s24+$0x5530];
	[tilespmem:s22+$0x2D40] =	vst v1;
	v7 =	vadd.f32 v15, v7  }
0x4e: {  	v1 =	vld [tilespmem:s24+$0x5540];
	[tilespmem:s22+$0x2D50] =	vst v0;
	v6 =	vadd.f32 v11, v6  }
0x4f: {  	v0 =	vld [tilespmem:s24+$0x5550];
	[tilespmem:s22+$0x2D60] =	vst v7  }
0x50: {  	v12 =	vld [tilespmem:s24+$0x500];
	[tilespmem:s22+$0x2D70] =	vst v6;
	s22 =	smov.u32 s24  }
0x51: {  	v17 =	vld [tilespmem:s22+$0x510]  }
0x52: {  	v11 =	vld [tilespmem:s22+$0x520]  }
0x53: {  	v10 =	vld [tilespmem:s22+$0x530]  }
0x54: {  	v9 =	vld [tilespmem:s22+$0x540]  }
0x55: {  	v8 =	vld [tilespmem:s22+$0x550]  }
0x56: {  	v7 =	vld [tilespmem:s22+$0x560]  }
0x57: {  	v6 =	vld [tilespmem:s22+$0x570]  }
0x58: {  	v13 =	vld [tilespmem:s22+$0x2D00]  }
0x59: {  	v19 =	vld [tilespmem:s22+$0x2D10]  }
.Ltmp0:
0x5a: {  	v16 =	vld [tilespmem:s22+$0x2D20];
	(pc) =	sbr.rel @p0 .LBB2_3-.Ltmp0, $4  }
0x5b: {  	v15 =	vld [tilespmem:s22+$0x2D30]  }
0x5c: {  	v14 =	vld [tilespmem:s22+$0x2D40]  }
0x5d: {  	v18 =	vmul.f32 v13, v12;
	v13 =	vld [tilespmem:s22+$0x2D50]  }
0x5e: {  	s23 =	sadd.s32 $0x200, s23;
	v17 =	vmul.f32 v19, v17;
	v12 =	vld [tilespmem:s22+$0x2D60]  }
0x5f: {  	v5 =	vadd.f32 v5, v18;
	v55 =	vld [tilespmem:s22+$0x2D70];
	v11 =	vmul.f32 v16, v11  }
0x60: {  	v56 =	vld [tilespmem:s22+$0x5560];
	v4 =	vadd.f32 v4, v17;
	v10 =	vmul.f32 v15, v10  }
0x61: {  	v58 =	vld [tilespmem:s22+$0x5570];
	[tilespmem:s22+$0x2D00] =	vst v5;
	v3 =	vadd.f32 v3, v11;
	v57 =	vmul.f32 v14, v9  }
0x62: {  	[tilespmem:s22+$0x2D10] =	vst v4;
	v2 =	vadd.f32 v2, v10;
	v59 =	vmul.f32 v13, v8  }
0x63: {  	[tilespmem:s22+$0x2D20] =	vst v3;
	v1 =	vadd.f32 v1, v57;
	v60 =	vmul.f32 v12, v7  }
0x64: {  	[tilespmem:s22+$0x2D30] =	vst v2;
	v0 =	vadd.f32 v0, v59;
	v61 =	vmul.f32 v55, v6  }
0x65: {  	[tilespmem:s22+$0x2D40] =	vst v1;
	v62 =	vadd.f32 v56, v60  }
0x66: {  	s20 =	sadd.s32 $0x1, s20;
	[tilespmem:s22+$0x2D50] =	vst v0;
	v63 =	vadd.f32 v58, v61  }
0x67: {  	p0 =	sne.s32 s20, $0x7D;
	[tilespmem:s22+$0x2D60] =	vst v62  }
.Ltmp1:
0x68: {  	s21 =	sadd.s32 s8, s21;
	[tilespmem:s22+$0x2D70] =	vst v63;
	(pc) =	sbr.rel @p0 .LBB2_2-.Ltmp1, $4  }
0x69: {  	[hbm4b:s21+s2] =	stream.linear.scatter [tilespmem:s16], [sflag:$0x2], $0x2800, $0x38;
	[tilespmem:$0x7D00] =	vst v63  }
0x6a: {  	_ =	swait.ge [sflag:s11], $0x2800  }
0x6b: {  	[sflag:s11] =	ssyncset.done $0x0  }
0x6c: {  	[sflag:s11] =	ssyncadd.s32 $0xFFFFD800  }
0x6d: {  	s19 =	sadd.s32 $0x1, s19  }
0x6e: {  	p0 =	sne.s32 s19, s10  }
.Ltmp2:
0x6f: {  	_ = 	snop;
	(pc) =	sbr.rel @p0 .LBB2_1-.Ltmp2, $1  }
0x70: {  	_ =	sdelay $0x3  }
0x71: {  	_ =	sfence.sel $0x180000  }
0x72: {  	[bflag:$0x0] =	sbarrier.arrive $0xFFFF  }
0x73: {  	p0 =	sne.s32 s3, $0x0;
	_ =	strace $0x90000050  }
0x74: {  	s0 =	sadd.s32 @!p0 $0x100000, s0;
	[bflag:$0x2] =	sbarrier.arrive $0xFFFF  }
0x75: {  	[sflag:s0] =	ssyncadd.tile.s32 @!p0 $0x1;
	_ =	shalt  }
.Lfunc_end2:
_tile_overlayer_lowered:
.L_overlay_start_2:
0x76: {  	(tag) =	ssettag $0x2  }
0x77: {  	s0 =	rddreg [dreg:$0x0];
	s2 =	stileid.u32  }
0x78: {  	s1 =	rddreg [dreg:$0x1];
	p0 =	sne.s32 s2, $0x0  }
0x79: {  	s3 =	rddreg [dreg:$0x2];
	[bflag:$0x3] =	sbarrier.arrive $0xFFFF;
	s2 =	simm.s32 @!p0 $0x1C02  }
0x7a: {  	[timem:s3], [sflag:s2] =	dma.local @!p0 [hbm:s0], s1  }
0x7b: {  	s0 =	simm.s32 @!p0 $0x2  }
0x7c: {  	_ =	swait.ge @!p0 [sflag:s0], s1  }
0x7d: {  	s1 =	ssub.s32 @!p0 $0x0, s1;
	[sflag:s0] =	ssyncset.done @!p0 $0x0  }
0x7e: {  	[sflag:s0] =	ssyncadd.s32 @!p0 s1  }
0x7f: {  	[bflag:$0x3] =	sbarrier.arrive $0xFFFF  }
0x80: {  	_ =	shalt  }

// kernel: kernel.15.cloned.1.call-start
scs
__scs_entry_jumppad:
0x0: {  	(pc) =	sbr.rel $0x88, $3  }
0x1: {  	(tag) =	ssettag $0x0;
	lr =	simm.s32 $0x1  }
0x2: {  	[smem:$0x3F92] =	sst lr;
	_ =	strace $0xD0000000  }
0x3: {  	_ = 	snop  }
0x4: {  	_ = 	snop  }
0x5: {  	_ = 	snop  }
0x6: {  	_ = 	snop  }
0x7: {  	_ = 	snop  }
__scs_overlays_trampoline_lowered:
0x8: {  	[smem:$0x3FA1] =	sst s0  }
0x9: {  	[smem:$0x3FA2] =	sst s1  }
0xa: {  	[smem:$0x3FA3] =	sst s2  }
0xb: {  	[smem:$0x3FA4] =	sst s3  }
0xc: {  	[smem:$0x3FA5] =	sst s4  }
0xd: {  	[smem:$0x3FA6] =	sst s5  }
0xe: {  	[smem:$0x3FA7] =	sst s6  }
0xf: {  	[smem:$0x3FA8] =	sst s7  }
0x10: {  	[smem:$0x3FA9] =	sst s8  }
0x11: {  	[smem:$0x3FAA] =	sst s9;
	s0 =	simm.s32 @!p0 $0x0  }
0x12: {  	s1 =	sld [smem:$0x3F90];
	s0 =	simm.s32 @p0 $0x1  }
0x13: {  	[smem:$0x3FAB] =	sst s0;
	s0 =	simm.s32 @!p1 $0x0  }
0x14: {  	s2 =	sld [smem:$0x3F8F];
	s0 =	simm.s32 @p1 $0x1  }
0x15: {  	[smem:$0x3FAC] =	sst s0;
	s0 =	simm.s32 @!p2 $0x0  }
0x16: {  	s3 =	sld [smem:$0x3FDB];
	s0 =	simm.s32 @p2 $0x1  }
0x17: {  	s4 =	simm.s32 $0x1BF5;
	[smem:$0x3FAE] =	sst s0  }
0x18: {  	s0 =	sld [smem:$0x3F91];
	_ =	swait.ge [sflag:s4], $0x0  }
0x19: {  	s7 =	sld [smem:$0x3F92]  }
0x1a: {  	s8 =	sadd.s32 $0xFFFFE003, lr  }
0x1b: {  	s9 =	sadd.s32 $0xFFFFFEF7, lr;
	s5 =	simm.s32 $0xFFFFFFFF;
	p2 =	slt.u32 s8, $0xFFFFF086  }
0x1c: {  	p1 =	slt.u32 s9, $0xF7A;
	s5 =	simm.s32 @!p2 $0x0  }
0x1d: {  	s5 =	simm.s32 @p1 $0x1;
	p0 =	seq.s32 s7, s2  }
0x1e: {  	s7 =	smul.u32 @!p0 $0xF7A, s2;
	p2 =	seq.s32 @!p0 s5, $0x0  }
0x1f: {  	s9 =	smul.u32 $0xF7A, s1;
	s8 =	simm.s32 @!p0 $0x1BF5;
	p2 =	por !p2, p0  }
0x20: {  	[sflag:s8] =	ssyncset.s32 @!p0 $0xFFFFF086;
	s6 =	sadd.s32 @!p0 s3, s7;
	s7 =	simm.s32 @!p0 $0x108  }
0x21: {  	s3 =	sadd.s32 s3, s9;
	s6 =	sadd.s32 @!p0 $0x88, s6;
	s7 =	simm.s32 @p2 $0x1082  }
0x22: {  	[simem:s7], [sflag:s8] =	dma.local @!p0 [hbm:s6], $0xF7A  }
0x23: {  	s9 =	sor.u32 $0xD0000000, s2;
	s6 =	simm.s32 $0x108;
	_ =	swait.ge @!p0 [sflag:s8], $0x0  }
0x24: {  	s3 =	sadd.s32 $0x88, s3;
	s6 =	simm.s32 @!p1 $0x1082;
	[sflag:s4] =	ssyncset.s32 $0xFFFFF086  }
0x25: {  	[simem:s6], [sflag:s4] =	dma.local [hbm:s3], $0xF7A  }
0x26: {  	[smem:$0x3F92] =	sst s1;
	(tag) =	ssettag s2;
	_ =	strace s9  }
0x27: {  	s1 =	sld [smem:$0x3FA2]  }
0x28: {  	s2 =	sld [smem:$0x3FA3]  }
0x29: {  	s4 =	sld [smem:$0x3FA5]  }
0x2a: {  	p0 =	seq.s32 s5, $0x0;
	s5 =	sld [smem:$0x3FA6]  }
0x2b: {  	s6 =	sld [smem:$0x3FA7]  }
0x2c: {  	s7 =	sld [smem:$0x3FA8]  }
0x2d: {  	s3 =	simm.s32 $0x108;
	s8 =	sld [smem:$0x3FA9]  }
0x2e: {  	s3 =	simm.s32 @!p0 $0x1082;
	s9 =	sld [smem:$0x3FAA]  }
0x2f: {  	lr =	sadd.s32 s0, s3;
	s0 =	sld [smem:$0x3FA1]  }
0x30: {  	s3 =	sld [smem:$0x3FA4]  }
0x31: {  	[smem:$0x3FAD] =	sst s10  }
0x32: {  	s10 =	sld [smem:$0x3FAB];
	_ =	sdelay $0x3  }
0x33: {  	p0 =	seq.s32 s10, $0x1;
	s10 =	sld [smem:$0x3FAD];
	_ =	sdelay $0x3  }
0x34: {  	[smem:$0x3FAD] =	sst s10  }
0x35: {  	s10 =	sld [smem:$0x3FAC];
	_ =	sdelay $0x3  }
0x36: {  	p1 =	seq.s32 s10, $0x1;
	s10 =	sld [smem:$0x3FAD];
	_ =	sdelay $0x3  }
0x37: {  	[smem:$0x3FAD] =	sst s10  }
0x38: {  	s10 =	sld [smem:$0x3FAE]  }
0x39: {  	_ = 	snop;
	(pc) =	sbr.ind lr, $3  }
0x3a: {  	_ = 	snop  }
0x3b: {  	_ = 	snop  }
0x3c: {  	p2 =	seq.s32 s10, $0x1;
	s10 =	sld [smem:$0x3FAD]  }
0x3d: {  	_ =	shalt  }
0x3e: {  	_ =	shalt  }
0x3f: {  	_ =	shalt  }
0x40: {  	_ =	shalt  }
0x41: {  	_ =	shalt  }
0x42: {  	_ =	shalt  }
0x43: {  	_ =	shalt  }
0x44: {  	_ =	shalt  }
0x45: {  	_ =	shalt  }
0x46: {  	_ =	shalt  }
0x47: {  	_ =	shalt  }
0x48: {  	_ =	shalt  }
0x49: {  	_ =	shalt  }
0x4a: {  	_ =	shalt  }
0x4b: {  	_ =	shalt  }
0x4c: {  	_ =	shalt  }
0x4d: {  	_ =	shalt  }
0x4e: {  	_ =	shalt  }
0x4f: {  	_ =	shalt  }
0x50: {  	_ =	shalt  }
0x51: {  	_ =	shalt  }
0x52: {  	_ =	shalt  }
0x53: {  	_ =	shalt  }
0x54: {  	_ =	shalt  }
0x55: {  	_ =	shalt  }
0x56: {  	_ =	shalt  }
0x57: {  	_ =	shalt  }
0x58: {  	_ =	shalt  }
0x59: {  	_ =	shalt  }
0x5a: {  	_ =	shalt  }
0x5b: {  	_ =	shalt  }
0x5c: {  	_ =	shalt  }
0x5d: {  	_ =	shalt  }
0x5e: {  	_ =	shalt  }
0x5f: {  	_ =	shalt  }
0x60: {  	_ =	shalt  }
0x61: {  	_ =	shalt  }
0x62: {  	_ =	shalt  }
0x63: {  	_ =	shalt  }
0x64: {  	_ =	shalt  }
0x65: {  	_ =	shalt  }
0x66: {  	_ =	shalt  }
0x67: {  	_ =	shalt  }
0x68: {  	_ =	shalt  }
0x69: {  	_ =	shalt  }
0x6a: {  	_ =	shalt  }
0x6b: {  	_ =	shalt  }
0x6c: {  	_ =	shalt  }
0x6d: {  	_ =	shalt  }
0x6e: {  	_ =	shalt  }
0x6f: {  	_ =	shalt  }
0x70: {  	_ =	shalt  }
0x71: {  	_ =	shalt  }
0x72: {  	_ =	shalt  }
0x73: {  	_ =	shalt  }
0x74: {  	_ =	shalt  }
0x75: {  	_ =	shalt  }
0x76: {  	_ =	shalt  }
0x77: {  	_ =	shalt  }
0x78: {  	_ =	shalt  }
0x79: {  	_ =	shalt  }
0x7a: {  	_ =	shalt  }
0x7b: {  	_ =	shalt  }
0x7c: {  	_ =	shalt  }
0x7d: {  	_ =	shalt  }
0x7e: {  	_ =	shalt  }
0x7f: {  	_ =	shalt  }
0x80: {  	_ =	shalt  }
0x81: {  	_ =	shalt  }
0x82: {  	_ =	shalt  }
0x83: {  	_ =	shalt  }
0x84: {  	_ =	shalt  }
0x85: {  	_ =	shalt  }
0x86: {  	_ =	shalt  }
0x87: {  	_ =	shalt  }
.Lfunc_end0:
.L_simem_size_0:
called_computation.3_lowered:
.L_overlay_start_0:
0x88: {  	s2 =	sld [smem:$0x3FD9]  }
0x89: {  	s3 =	sld [smem:$0x3FFE];
	_ =	sdelay $0x1  }
0x8a: {  	s1 =	srdreg.scid  }
0x8b: {  	s0 =	sand.u32 $0x1, s1  }
0x8c: {  	s17 =	sshll.u32 s0, $0xA;
	s2 =	sadd.s32 s3, s2  }
0x8d: {  	s2 =	sadd.s32 s2, s17  }
0x8e: {  	[smem:$0x3FB9] =	sst s2  }
0x8f: {  	_ = 	snop  }
0x90: {  	(tm) =	ssettm $0x1  }
0x91: {  	s18 =	sld [smem:$0x3FFB];
	_ =	sdelay $0x3  }
0x92: {  	_ =	strace s18  }
0x93: {  	s2 =	sld [smem:$0x3FFC];
	_ =	sdelay $0x3  }
0x94: {  	_ =	strace s2  }
0x95: {  	s2 =	sld [smem:$0x3FFD];
	_ =	sdelay $0x3  }
0x96: {  	_ =	strace s2  }
0x97: {  	_ =	strace $0x8FFFFFFF  }
0x98: {  	s19 =	sld [smem:$0x3FDB];
	_ =	sdelay $0x1  }
0x99: {  	s20 =	simm.s32 $_scs_section_size  }
0x9a: {  	s4 =	simm.s32 $_size__tile_overlayer_lowered;
	s5 =	simm.s32 $_tile_overlayer_lowered  }
0x9b: {  	s6 =	simm.s32 $0x1BFF;
	s21 =	sshll.u32 s5, $0x1;
	s3 =	sadd.s32 s20, s19  }
0x9c: {  	s22 =	simm.s32 $0x0;
	s4 =	sshll.u32 s4, $0x1;
	s5 =	sadd.s32 s21, s3  }
0x9d: {  	[timem:s22], [sflag:s6] =	dma.local [hbm:s5], s4  }
0x9e: {  	_ =	swait.ge [sflag:s6], s4  }
0x9f: {  	s4 =	ssub.s32 $0x0, s4;
	[sflag:s6] =	ssyncset.done $0x0  }
0xa0: {  	[sflag:s6] =	ssyncadd.s32 s4;
	_ =	sdelay $0x1  }
0xa1: {  	s23 =	simm.s32 $0x1B8B  }
0xa2: {  	_ =	swait.ge [sflag:s23], $0x1  }
0xa3: {  	[sflag:s23] =	ssyncset.done $0x0  }
0xa4: {  	[sflag:s23] =	ssyncadd.s32 $0xFFFFFFFF  }
0xa5: {  	s4 =	sld [smem:$0x0]  }
0xa6: {  	s5 =	sand.u32 $0xFFFFFFFE, s1  }
0xa7: {  	p0 =	sne.s32 s1, s5  }
0xa8: {  	s5 =	sshll.u32 @p0 s5, $0xE  }
0xa9: {  	s5 =	sadd.s32 @p0 $0x11B8D, s5;
	s6 =	sshll.u32 @p0 s4, $0x11  }
0xaa: {  	s5 =	sor.u32 @p0 s6, s5  }
0xab: {  	[sflag:s5] =	ssyncadd.remote.s32 @p0 $0x1;
	_ =	sdelay $0x1  }
0xac: {  	s5 =	simm.s32 @p0 $0x1B8D  }
0xad: {  	_ =	swait.eq @p0 [sflag:s5], $0x1  }
0xae: {  	[sflag:s5] =	ssyncadd.s32 @p0 $0xFFFFFFFF  }
0xaf: {  	s6 =	sshll.u32 @!p0 s1, $0xE  }
0xb0: {  	s6 =	sor.u32 @!p0 $0x4000, s6;
	s5 =	simm.s32 @!p0 $0x1B8D  }
0xb1: {  	s4 =	sshll.u32 @!p0 s4, $0x11;
	s6 =	sadd.s32 @!p0 $0x11B8D, s6;
	_ =	swait.eq @!p0 [sflag:s5], $0x1  }
0xb2: {  	s4 =	sor.u32 @!p0 s4, s6;
	[sflag:s5] =	ssyncadd.s32 @!p0 $0xFFFFFFFF  }
0xb3: {  	s25 =	simm.s32 $0x1B8E;
	s24 =	sld [smem:$0x3FFE];
	[sflag:s4] =	ssyncadd.remote.s32 @!p0 $0x1  }
0xb4: {  	s26 =	simm.s32 $execute0_lowered;
	[smem:$0x3FD2] =	sst s25  }
0xb5: {  	s5 =	sshll.u32 s26, $0x1;
	_ =	strace $0x8000004C;
	[dreg:$0x1] =	wrdreg $0xFFFFFFFF  }
0xb6: {  	s28 =	simm.s32 $_size_execute0_lowered;
	s3 =	sadd.s32 s3, s5;
	[dreg:$0x0] =	wrdreg $0x0  }
0xb7: {  	s5 =	sshll.u32 s28, $0x1;
	[dreg:$0x2] =	wrdreg s3  }
0xb8: {  	[dreg:$0x3] =	wrdreg s5  }
0xb9: {  	[dreg:$0x4] =	wrdreg $0xC0  }
0xba: {  	_ =	task [dreg:s22], $0x5FFFF  }
0xbb: {  	[dreg:$0x1] =	wrdreg $0xFFFFFFFF  }
0xbc: {  	[dreg:$0x0] =	wrdreg $0x60  }
0xbd: {  	[dreg:$0x2] =	wrdreg s24  }
0xbe: {  	[dreg:$0x3] =	wrdreg $0xA  }
0xbf: {  	_ =	task.clear_ibuf [dreg:s22], $0x4FFFF;
	_ =	strace $0x9000004C  }
0xc0: {  	s29 =	simm.s32 $0xA;
	_ =	strace $0x8000004E  }
0xc1: {  	_ =	swait.ge [sflag:s29], $0x1  }
0xc2: {  	[sflag:s29] =	ssyncadd.s32 $0xFFFFFFFF  }
0xc3: {  	_ =	strace $0x9000004E  }
0xc4: {  	_ =	sfence  }
0xc5: {  	s30 =	sld [smem:$0x0];
	_ =	sdelay $0x2  }
0xc6: {  	s31 =	sshll.u32 s1, $0xD;
	s1 =	sshrl.u32 s1, $0x2  }
0xc7: {  	s4 =	sand.u32 $0x4000, s31;
	s1 =	sadd.s32 s1, s30  }
0xc8: {  	s0 =	sor.u32 s4, s0;
	s1 =	sshll.u32 s1, $0x11  }
0xc9: {  	s0 =	sor.u32 s1, s0  }
0xca: {  	s0 =	sadd.s32 $0x8F2B, s0  }
0xcb: {  	[sflag:s0] =	ssyncadd.remote.s32 $0x1  }
0xcc: {  	_ =	sfence.sel $0xFFFF  }
0xcd: {  	[dreg:$0x0] =	wrdreg $0xFFFFFFFF;
	(pc) =	sbr.abs _section_cstart, $3  }
0xce: {  	[dreg:$0x1] =	wrdreg $0xFFFFFFFF  }
0xcf: {  	_ =	task.clear_ibuf [dreg:s22], $0x2FFFF;
	_ =	strace $0x9FFFFFFF  }
0xd0: {  	(tm) =	ssettm $0x7FFFFFFF  }
0xd1: {  	_ =	shalt  }
tec
execute0_lowered:
.L_overlay_start_1:
0x0: {  	(tag) =	ssettag $0x1  }
0x1: {  	s4 =	rddreg [dreg:$0x0];
	s2 =	srdreg.scid  }
0x2: {  	s0 =	rddreg [dreg:$0x1];
	s1 =	simm.s32 $0x0;
	s5 =	sand.u32 $0x1, s2  }
0x3: {  	s10 =	simm.s32 $0x480;
	s11 =	simm.s32 $0x1;
	s6 =	smul.u32 $0x3E800, s5  }
0x4: {  	s12 =	simm.s32 $0x0;
	s2 =	stileid.u32;
	s7 =	smul.u32 $0x271000, s5  }
0x5: {  	[smem:$0x7FF] =	sst s1;
	s3 =	sadd.s32 $0x1CE00, s4;
	s8 =	smul.u32 $0x3E80, s2  }
0x6: {  	_ =	strace $0x8000004D;
	s5 =	ssub.s32 $0x2, s5;
	s9 =	smul.u32 $0x27100, s2  }
0x7: {  	s30 =	sshrl.u32 s5, $0x1;
	s6 =	sadd.s32 s6, s4;
	s4 =	sadd.s32 s7, s4  }
0x8: {  	s5 =	ssub.s32 s5, s30;
	s7 =	simm.s32 $0x2;
	s6 =	sadd.s32 s8, s6  }
0x9: {  	s31 =	sadd.s32 s9, s4;
	s4 =	smax.u32 s5, $0x1;
	s8 =	simm.s32 $0x50  }
0xa: {  	s9 =	simm.s32 $0x400;
	s5 =	sadd.s32 $0x1E800, s6;
	s6 =	sadd.s32 $0x591400, s31  }
.LBB2_1:
0xb: {  	s13 =	sadd.s32 $0x0, s5  }
0xc: {  	[tilespmem:s1], [sflag:$0x2] =	stream.linear.gather [hbm4b:s13+s1], $0x300, $0x38;
	[tilespmem:$0x2C80] =	vst v63  }
0xd: {  	_ =	swait.ge [sflag:s7], $0x300  }
0xe: {  	[sflag:s7] =	ssyncset.done $0x0  }
0xf: {  	[sflag:s7] =	ssyncadd.s32 $0xFFFFFD00  }
0x10: {  	v0 =	vld [tilespmem:$0x2C0]  }
0x11: {  	v1 =	vld [tilespmem:$0x2B0]  }
0x12: {  	v2 =	vld [tilespmem:$0x280]  }
0x13: {  	v3 =	vld [tilespmem:$0x2A0]  }
0x14: {  	v4 =	vld [tilespmem:$0x290]  }
0x15: {  	[tilespmem:$0x440] =	vst v0  }
0x16: {  	[tilespmem:$0x430] =	vst v1  }
0x17: {  	[tilespmem:$0x400] =	vst v2  }
0x18: {  	[tilespmem:$0x420] =	vst v3  }
0x19: {  	[tilespmem:$0x410] =	vst v4  }
0x1a: {  	[tilespmem:s10], [sflag:$0x1] =	stream.indirect.gather [hbm4b:s3+s8], $0x80, s9, s8, $0xb8;
	[tilespmem:$0x2C80] =	vst v63  }
0x1b: {  	s14 =	smov.u32 s6;
	_ =	swait.ge [sflag:s11], $0x2800  }
0x1c: {  	s15 =	smov.u32 s6;
	s13 =	simm.s32 $0x80;
	[sflag:s11] =	ssyncset.done $0x0  }
.LBB2_2:
0x1d: {  	p0 =	sne.s32 s13, $0x3E00  }
0x1e: {  	[sflag:s11] =	ssyncadd.s32 $0xFFFFD800;
	s14 =	sadd.s32 $0x500, s14;
	s16 =	smov.u32 s13  }
0x1f: {  	[hbm4b:s15+s1] =	stream.linear.scatter [tilespmem:s10], [sflag:$0x2], $0x2800, $0x38;
	[tilespmem:$0x2C80] =	vst v63  }
0x20: {  	s13 =	sadd.s32 $0x80, s13;
	s15 =	smov.u32 s14;
	_ =	swait.ge [sflag:s7], $0x2800  }
0x21: {  	[sflag:s7] =	ssyncset.done $0x0  }
0x22: {  	s16 =	sadd.s32 s16, s5;
	[sflag:s7] =	ssyncadd.s32 $0xFFFFD800  }
0x23: {  	[tilespmem:s1], [sflag:$0x2] =	stream.linear.gather [hbm4b:s16+s1], $0x300, $0x38;
	[tilespmem:$0x2C80] =	vst v63  }
0x24: {  	_ =	swait.ge [sflag:s7], $0x300  }
0x25: {  	[sflag:s7] =	ssyncset.done $0x0  }
0x26: {  	[sflag:s7] =	ssyncadd.s32 $0xFFFFFD00  }
0x27: {  	v0 =	vld [tilespmem:$0x2C0]  }
0x28: {  	v1 =	vld [tilespmem:$0x2B0]  }
0x29: {  	v2 =	vld [tilespmem:$0x280]  }
0x2a: {  	v3 =	vld [tilespmem:$0x2A0]  }
0x2b: {  	v4 =	vld [tilespmem:$0x290]  }
0x2c: {  	[tilespmem:$0x440] =	vst v0  }
0x2d: {  	[tilespmem:$0x430] =	vst v1  }
0x2e: {  	[tilespmem:$0x400] =	vst v2  }
.Ltmp0:
0x2f: {  	[tilespmem:$0x420] =	vst v3;
	(pc) =	sbr.rel @p0 .LBB2_2-.Ltmp0, $4  }
0x30: {  	[tilespmem:$0x410] =	vst v4  }
0x31: {  	[tilespmem:s10], [sflag:$0x1] =	stream.indirect.gather [hbm4b:s3+s8], $0x80, s9, s8, $0xb8;
	[tilespmem:$0x2C80] =	vst v63  }
0x32: {  	_ =	swait.ge [sflag:s11], $0x2800  }
0x33: {  	[sflag:s11] =	ssyncset.done $0x0  }
0x34: {  	s12 =	sadd.s32 $0x1, s12  }
0x35: {  	p0 =	sne.s32 s12, s4  }
.Ltmp1:
0x36: {  	[sflag:s11] =	ssyncadd.s32 $0xFFFFD800;
	(pc) =	sbr.rel @p0 .LBB2_1-.Ltmp1, $4  }
0x37: {  	[hbm4b:s15+s1] =	stream.linear.scatter [tilespmem:s10], [sflag:$0x2], $0x2800, $0x38;
	[tilespmem:$0x2C80] =	vst v63  }
0x38: {  	_ =	swait.ge [sflag:s7], $0x2800  }
0x39: {  	[sflag:s7] =	ssyncset.done $0x0  }
0x3a: {  	[sflag:s7] =	ssyncadd.s32 $0xFFFFD800  }
0x3b: {  	_ =	sfence.sel $0x180000  }
0x3c: {  	[bflag:$0x0] =	sbarrier.arrive $0xFFFF  }
0x3d: {  	p0 =	sne.s32 s2, $0x0;
	_ =	strace $0x9000004D  }
0x3e: {  	s0 =	sadd.s32 @!p0 $0x100000, s0;
	[bflag:$0x2] =	sbarrier.arrive $0xFFFF  }
0x3f: {  	[sflag:s0] =	ssyncadd.tile.s32 @!p0 $0x1;
	_ =	shalt  }
.Lfunc_end2:
_tile_overlayer_lowered:
.L_overlay_start_2:
0x40: {  	(tag) =	ssettag $0x2  }
0x41: {  	s0 =	rddreg [dreg:$0x0];
	s2 =	stileid.u32  }
0x42: {  	s1 =	rddreg [dreg:$0x1];
	p0 =	sne.s32 s2, $0x0  }
0x43: {  	s3 =	rddreg [dreg:$0x2];
	[bflag:$0x3] =	sbarrier.arrive $0xFFFF;
	s2 =	simm.s32 @!p0 $0x1C02  }
0x44: {  	[timem:s3], [sflag:s2] =	dma.local @!p0 [hbm:s0], s1  }
0x45: {  	s0 =	simm.s32 @!p0 $0x2  }
0x46: {  	_ =	swait.ge @!p0 [sflag:s0], s1  }
0x47: {  	s1 =	ssub.s32 @!p0 $0x0, s1;
	[sflag:s0] =	ssyncset.done @!p0 $0x0  }
0x48: {  	[sflag:s0] =	ssyncadd.s32 @!p0 s1  }
0x49: {  	[bflag:$0x3] =	sbarrier.arrive $0xFFFF  }
0x4a: {  	_ =	shalt  }

// kernel: kernel.18.cloned.1.call-start
scs
__scs_entry_jumppad:
0x0: {  	(pc) =	sbr.rel $0x88, $3  }
0x1: {  	(tag) =	ssettag $0x0;
	lr =	simm.s32 $0x1  }
0x2: {  	[smem:$0x3F92] =	sst lr;
	_ =	strace $0xD0000000  }
0x3: {  	_ = 	snop  }
0x4: {  	_ = 	snop  }
0x5: {  	_ = 	snop  }
0x6: {  	_ = 	snop  }
0x7: {  	_ = 	snop  }
__scs_overlays_trampoline_lowered:
0x8: {  	[smem:$0x3FA1] =	sst s0  }
0x9: {  	[smem:$0x3FA2] =	sst s1  }
0xa: {  	[smem:$0x3FA3] =	sst s2  }
0xb: {  	[smem:$0x3FA4] =	sst s3  }
0xc: {  	[smem:$0x3FA5] =	sst s4  }
0xd: {  	[smem:$0x3FA6] =	sst s5  }
0xe: {  	[smem:$0x3FA7] =	sst s6  }
0xf: {  	[smem:$0x3FA8] =	sst s7  }
0x10: {  	[smem:$0x3FA9] =	sst s8  }
0x11: {  	[smem:$0x3FAA] =	sst s9;
	s0 =	simm.s32 @!p0 $0x0  }
0x12: {  	s1 =	sld [smem:$0x3F90];
	s0 =	simm.s32 @p0 $0x1  }
0x13: {  	[smem:$0x3FAB] =	sst s0;
	s0 =	simm.s32 @!p1 $0x0  }
0x14: {  	s2 =	sld [smem:$0x3F8F];
	s0 =	simm.s32 @p1 $0x1  }
0x15: {  	[smem:$0x3FAC] =	sst s0;
	s0 =	simm.s32 @!p2 $0x0  }
0x16: {  	s3 =	sld [smem:$0x3FDB];
	s0 =	simm.s32 @p2 $0x1  }
0x17: {  	s4 =	simm.s32 $0x1BF5;
	[smem:$0x3FAE] =	sst s0  }
0x18: {  	s0 =	sld [smem:$0x3F91];
	_ =	swait.ge [sflag:s4], $0x0  }
0x19: {  	s7 =	sld [smem:$0x3F92]  }
0x1a: {  	s8 =	sadd.s32 $0xFFFFE003, lr  }
0x1b: {  	s9 =	sadd.s32 $0xFFFFFEF7, lr;
	s5 =	simm.s32 $0xFFFFFFFF;
	p2 =	slt.u32 s8, $0xFFFFF086  }
0x1c: {  	p1 =	slt.u32 s9, $0xF7A;
	s5 =	simm.s32 @!p2 $0x0  }
0x1d: {  	s5 =	simm.s32 @p1 $0x1;
	p0 =	seq.s32 s7, s2  }
0x1e: {  	s7 =	smul.u32 @!p0 $0xF7A, s2;
	p2 =	seq.s32 @!p0 s5, $0x0  }
0x1f: {  	s9 =	smul.u32 $0xF7A, s1;
	s8 =	simm.s32 @!p0 $0x1BF5;
	p2 =	por !p2, p0  }
0x20: {  	[sflag:s8] =	ssyncset.s32 @!p0 $0xFFFFF086;
	s6 =	sadd.s32 @!p0 s3, s7;
	s7 =	simm.s32 @!p0 $0x108  }
0x21: {  	s3 =	sadd.s32 s3, s9;
	s6 =	sadd.s32 @!p0 $0x88, s6;
	s7 =	simm.s32 @p2 $0x1082  }
0x22: {  	[simem:s7], [sflag:s8] =	dma.local @!p0 [hbm:s6], $0xF7A  }
0x23: {  	s9 =	sor.u32 $0xD0000000, s2;
	s6 =	simm.s32 $0x108;
	_ =	swait.ge @!p0 [sflag:s8], $0x0  }
0x24: {  	s3 =	sadd.s32 $0x88, s3;
	s6 =	simm.s32 @!p1 $0x1082;
	[sflag:s4] =	ssyncset.s32 $0xFFFFF086  }
0x25: {  	[simem:s6], [sflag:s4] =	dma.local [hbm:s3], $0xF7A  }
0x26: {  	[smem:$0x3F92] =	sst s1;
	(tag) =	ssettag s2;
	_ =	strace s9  }
0x27: {  	s1 =	sld [smem:$0x3FA2]  }
0x28: {  	s2 =	sld [smem:$0x3FA3]  }
0x29: {  	s4 =	sld [smem:$0x3FA5]  }
0x2a: {  	p0 =	seq.s32 s5, $0x0;
	s5 =	sld [smem:$0x3FA6]  }
0x2b: {  	s6 =	sld [smem:$0x3FA7]  }
0x2c: {  	s7 =	sld [smem:$0x3FA8]  }
0x2d: {  	s3 =	simm.s32 $0x108;
	s8 =	sld [smem:$0x3FA9]  }
0x2e: {  	s3 =	simm.s32 @!p0 $0x1082;
	s9 =	sld [smem:$0x3FAA]  }
0x2f: {  	lr =	sadd.s32 s0, s3;
	s0 =	sld [smem:$0x3FA1]  }
0x30: {  	s3 =	sld [smem:$0x3FA4]  }
0x31: {  	[smem:$0x3FAD] =	sst s10  }
0x32: {  	s10 =	sld [smem:$0x3FAB];
	_ =	sdelay $0x3  }
0x33: {  	p0 =	seq.s32 s10, $0x1;
	s10 =	sld [smem:$0x3FAD];
	_ =	sdelay $0x3  }
0x34: {  	[smem:$0x3FAD] =	sst s10  }
0x35: {  	s10 =	sld [smem:$0x3FAC];
	_ =	sdelay $0x3  }
0x36: {  	p1 =	seq.s32 s10, $0x1;
	s10 =	sld [smem:$0x3FAD];
	_ =	sdelay $0x3  }
0x37: {  	[smem:$0x3FAD] =	sst s10  }
0x38: {  	s10 =	sld [smem:$0x3FAE]  }
0x39: {  	_ = 	snop;
	(pc) =	sbr.ind lr, $3  }
0x3a: {  	_ = 	snop  }
0x3b: {  	_ = 	snop  }
0x3c: {  	p2 =	seq.s32 s10, $0x1;
	s10 =	sld [smem:$0x3FAD]  }
0x3d: {  	_ =	shalt  }
0x3e: {  	_ =	shalt  }
0x3f: {  	_ =	shalt  }
0x40: {  	_ =	shalt  }
0x41: {  	_ =	shalt  }
0x42: {  	_ =	shalt  }
0x43: {  	_ =	shalt  }
0x44: {  	_ =	shalt  }
0x45: {  	_ =	shalt  }
0x46: {  	_ =	shalt  }
0x47: {  	_ =	shalt  }
0x48: {  	_ =	shalt  }
0x49: {  	_ =	shalt  }
0x4a: {  	_ =	shalt  }
0x4b: {  	_ =	shalt  }
0x4c: {  	_ =	shalt  }
0x4d: {  	_ =	shalt  }
0x4e: {  	_ =	shalt  }
0x4f: {  	_ =	shalt  }
0x50: {  	_ =	shalt  }
0x51: {  	_ =	shalt  }
0x52: {  	_ =	shalt  }
0x53: {  	_ =	shalt  }
0x54: {  	_ =	shalt  }
0x55: {  	_ =	shalt  }
0x56: {  	_ =	shalt  }
0x57: {  	_ =	shalt  }
0x58: {  	_ =	shalt  }
0x59: {  	_ =	shalt  }
0x5a: {  	_ =	shalt  }
0x5b: {  	_ =	shalt  }
0x5c: {  	_ =	shalt  }
0x5d: {  	_ =	shalt  }
0x5e: {  	_ =	shalt  }
0x5f: {  	_ =	shalt  }
0x60: {  	_ =	shalt  }
0x61: {  	_ =	shalt  }
0x62: {  	_ =	shalt  }
0x63: {  	_ =	shalt  }
0x64: {  	_ =	shalt  }
0x65: {  	_ =	shalt  }
0x66: {  	_ =	shalt  }
0x67: {  	_ =	shalt  }
0x68: {  	_ =	shalt  }
0x69: {  	_ =	shalt  }
0x6a: {  	_ =	shalt  }
0x6b: {  	_ =	shalt  }
0x6c: {  	_ =	shalt  }
0x6d: {  	_ =	shalt  }
0x6e: {  	_ =	shalt  }
0x6f: {  	_ =	shalt  }
0x70: {  	_ =	shalt  }
0x71: {  	_ =	shalt  }
0x72: {  	_ =	shalt  }
0x73: {  	_ =	shalt  }
0x74: {  	_ =	shalt  }
0x75: {  	_ =	shalt  }
0x76: {  	_ =	shalt  }
0x77: {  	_ =	shalt  }
0x78: {  	_ =	shalt  }
0x79: {  	_ =	shalt  }
0x7a: {  	_ =	shalt  }
0x7b: {  	_ =	shalt  }
0x7c: {  	_ =	shalt  }
0x7d: {  	_ =	shalt  }
0x7e: {  	_ =	shalt  }
0x7f: {  	_ =	shalt  }
0x80: {  	_ =	shalt  }
0x81: {  	_ =	shalt  }
0x82: {  	_ =	shalt  }
0x83: {  	_ =	shalt  }
0x84: {  	_ =	shalt  }
0x85: {  	_ =	shalt  }
0x86: {  	_ =	shalt  }
0x87: {  	_ =	shalt  }
.Lfunc_end0:
.L_simem_size_0:
called_computation.4_lowered:
.L_overlay_start_0:
0x88: {  	s2 =	sld [smem:$0x3FD9]  }
0x89: {  	s3 =	sld [smem:$0x3FFE];
	_ =	sdelay $0x1  }
0x8a: {  	s1 =	srdreg.scid  }
0x8b: {  	s0 =	sand.u32 $0x1, s1  }
0x8c: {  	s16 =	sshll.u32 s0, $0xA;
	s2 =	sadd.s32 s3, s2  }
0x8d: {  	s2 =	sadd.s32 s2, s16  }
0x8e: {  	[smem:$0x3FB9] =	sst s2  }
0x8f: {  	_ = 	snop  }
0x90: {  	(tm) =	ssettm $0x1  }
0x91: {  	s17 =	sld [smem:$0x3FFB];
	_ =	sdelay $0x3  }
0x92: {  	_ =	strace s17  }
0x93: {  	s2 =	sld [smem:$0x3FFC];
	_ =	sdelay $0x3  }
0x94: {  	_ =	strace s2  }
0x95: {  	s2 =	sld [smem:$0x3FFD];
	_ =	sdelay $0x3  }
0x96: {  	_ =	strace s2  }
0x97: {  	_ =	strace $0x8FFFFFFF  }
0x98: {  	s18 =	sld [smem:$0x3FDB];
	_ =	sdelay $0x1  }
0x99: {  	s19 =	simm.s32 $_scs_section_size  }
0x9a: {  	s4 =	simm.s32 $_size__tile_overlayer_lowered;
	s5 =	simm.s32 $_tile_overlayer_lowered  }
0x9b: {  	s22 =	simm.s32 $0x1BFF;
	s21 =	sshll.u32 s5, $0x1;
	s2 =	sadd.s32 s19, s18  }
0x9c: {  	s6 =	simm.s32 $0x0;
	s20 =	sshll.u32 s4, $0x1;
	s4 =	sadd.s32 s21, s2  }
0x9d: {  	[timem:s6], [sflag:s22] =	dma.local [hbm:s4], s20  }
0x9e: {  	_ =	swait.ge [sflag:s22], s20  }
0x9f: {  	s3 =	ssub.s32 $0x0, s20;
	[sflag:s22] =	ssyncset.done $0x0  }
0xa0: {  	[sflag:s22] =	ssyncadd.s32 s3;
	_ =	sdelay $0x1  }
0xa1: {  	s23 =	simm.s32 $0x1B8B  }
0xa2: {  	_ =	swait.ge [sflag:s23], $0x1  }
0xa3: {  	[sflag:s23] =	ssyncset.done $0x0  }
0xa4: {  	s25 =	simm.s32 $0x1B8E;
	s24 =	sld [smem:$0x3FFE];
	[sflag:s23] =	ssyncadd.s32 $0xFFFFFFFF  }
0xa5: {  	s26 =	simm.s32 $execute0_lowered;
	[smem:$0x3FD2] =	sst s25  }
0xa6: {  	s4 =	sshll.u32 s26, $0x1;
	_ =	strace $0x80000052;
	[dreg:$0x1] =	wrdreg $0xFFFFFFFF  }
0xa7: {  	s28 =	simm.s32 $_size_execute0_lowered;
	s2 =	sadd.s32 s2, s4;
	[dreg:$0x0] =	wrdreg $0x0  }
0xa8: {  	s4 =	sshll.u32 s28, $0x1;
	[dreg:$0x2] =	wrdreg s2  }
0xa9: {  	[dreg:$0x3] =	wrdreg s4  }
0xaa: {  	[dreg:$0x4] =	wrdreg $0xC0  }
0xab: {  	_ =	task [dreg:s6], $0x5FFFF  }
0xac: {  	[dreg:$0x1] =	wrdreg $0xFFFFFFFF  }
0xad: {  	[dreg:$0x0] =	wrdreg $0x60  }
0xae: {  	[dreg:$0x2] =	wrdreg s24  }
0xaf: {  	[dreg:$0x3] =	wrdreg $0x53000  }
0xb0: {  	[dreg:$0x4] =	wrdreg $0x9  }
0xb1: {  	_ =	task.clear_ibuf [dreg:s6], $0x5FFFF;
	_ =	strace $0x90000052  }
0xb2: {  	s29 =	simm.s32 $0x9;
	_ =	strace $0x80000054  }
0xb3: {  	_ =	swait.ge [sflag:s29], $0x1  }
0xb4: {  	[sflag:s29] =	ssyncadd.s32 $0xFFFFFFFF  }
0xb5: {  	_ =	strace $0x90000054  }
0xb6: {  	_ =	sfence  }
0xb7: {  	s30 =	sld [smem:$0x0];
	_ =	sdelay $0x2  }
0xb8: {  	s31 =	sshll.u32 s1, $0xD;
	s1 =	sshrl.u32 s1, $0x2  }
0xb9: {  	s3 =	sand.u32 $0x4000, s31;
	s1 =	sadd.s32 s1, s30  }
0xba: {  	s0 =	sor.u32 s3, s0;
	s1 =	sshll.u32 s1, $0x11  }
0xbb: {  	s0 =	sor.u32 s1, s0  }
0xbc: {  	s0 =	sadd.s32 $0x8F2B, s0  }
0xbd: {  	[sflag:s0] =	ssyncadd.remote.s32 $0x1  }
0xbe: {  	_ =	sfence.sel $0xFFFF  }
0xbf: {  	[dreg:$0x0] =	wrdreg $0xFFFFFFFF;
	(pc) =	sbr.abs _section_cstart, $3  }
0xc0: {  	[dreg:$0x1] =	wrdreg $0xFFFFFFFF  }
0xc1: {  	_ =	task.clear_ibuf [dreg:s6], $0x2FFFF;
	_ =	strace $0x9FFFFFFF  }
0xc2: {  	(tm) =	ssettm $0x7FFFFFFF  }
0xc3: {  	_ =	shalt  }
tec
execute0_lowered:
.L_overlay_start_1:
0x0: {  	(tag) =	ssettag $0x1  }
0x1: {  	s7 =	rddreg [dreg:$0x0]  }
0x2: {  	s2 =	rddreg [dreg:$0x1]  }
0x3: {  	s0 =	rddreg [dreg:$0x2];
	s3 =	simm.s32 $0x0  }
0x4: {  	s4 =	srdreg.scid;
	s1 =	stileid.u32;
	s20 =	simm.s32 $0x2  }
0x5: {  	s21 =	simm.s32 $0x50;
	s22 =	simm.s32 $0x200;
	s24 =	simm.s32 $0x1  }
0x6: {  	s25 =	simm.s32 $0x280;
	[smem:$0x7FF] =	sst s3;
	s8 =	smul.u32 $0x2800, s1  }
0x7: {  	s17 =	sand.u32 $0x1, s4;
	s4 =	sadd.s32 $0xF93C00, s7;
	s6 =	sadd.s32 $0xF55400, s7  }
0x8: {  	s5 =	sadd.s32 $0x3600, s7;
	s28 =	smul.u32 $0x50000, s1;
	_ =	strace $0x80000053  }
0x9: {  	s9 =	smul.u32 $0x28000, s17;
	s29 =	ssub.s32 $0x2, s17;
	s30 =	sshll.u32 s17, $0x4  }
0xa: {  	s23 =	smul.u32 $0x2710, s17;
	s10 =	sshrl.u32 s29, $0x1;
	s14 =	sor.u32 s1, s30  }
0xb: {  	s31 =	sshrl.u32 s28, $0x2;
	s8 =	sadd.s32 s8, s9;
	s19 =	ssub.s32 s29, s10  }
0xc: {  	s18 =	sadd.s32 s8, s7;
	s7 =	smul.u32 $0x2710, s14;
	s8 =	sadd.s32 s31, s2  }
0xd: {  	v0 =	vmov s23;
	s23 =	simm.s32 $0x2B00;
	s14 =	smul.u32 $0x7D, s14;
	s9 =	sadd.s32 $0x2800, s8  }
0xe: {  	s10 =	sadd.s32 $0x5000, s8;
	s11 =	sadd.s32 $0x7800, s8;
	s12 =	sadd.s32 $0xA000, s8  }
0xf: {  	s13 =	sadd.s32 $0xC800, s8;
	s15 =	sadd.s32 $0xF000, s8;
	s16 =	sadd.s32 $0x11800, s8  }
0x10: {  	v1 =	vimm.f32 $0.0e+00;
	s17 =	sadd.s32 $0x4E5600, s18;
	s18 =	smax.u32 s19, $0x1;
	s19 =	simm.s32 $0x300  }
.LBB2_1:
0x11: {  	s26 =	simm.s32 $0x0;
	s28 =	simm.s32 $0x200  }
.LBB2_2:
0x12: {  	p0 =	sne.s32 s28, $0x9E00;
	[tilespmem:s26+$0x370] =	vst v1  }
0x13: {  	[tilespmem:s26+$0x300] =	vst v1  }
0x14: {  	[tilespmem:s26+$0x310] =	vst v1  }
.Ltmp0:
0x15: {  	[tilespmem:s26+$0x320] =	vst v1;
	(pc) =	sbr.rel @p0 .LBB2_2-.Ltmp0, $4  }
0x16: {  	[tilespmem:s26+$0x330] =	vst v1  }
0x17: {  	[tilespmem:s26+$0x340] =	vst v1  }
0x18: {  	[tilespmem:s26+$0x350] =	vst v1  }
0x19: {  	[tilespmem:s26+$0x360] =	vst v1;
	s26 =	sshra.s32 s28, $0x2;
	s28 =	sadd.s32 $0x200, s28  }
0x1a: {  	[tilespmem:s26+$0x370] =	vst v1  }
0x1b: {  	[tilespmem:s26+$0x300] =	vst v1  }
0x1c: {  	[tilespmem:s26+$0x310] =	vst v1  }
0x1d: {  	[tilespmem:s26+$0x320] =	vst v1  }
0x1e: {  	[tilespmem:s26+$0x330] =	vst v1  }
0x1f: {  	[tilespmem:s26+$0x340] =	vst v1  }
0x20: {  	[tilespmem:s26+$0x350] =	vst v1  }
0x21: {  	[tilespmem:s26+$0x360] =	vst v1  }
0x22: {  	[spmem:s8] =	stream.linear.scatter [tilespmem:s19], [sflag:$0x2], $0x2800, $0x38;
	[tilespmem:$0x19300] =	vst v63  }
0x23: {  	_ =	swait.ge [sflag:s20], $0x2800  }
0x24: {  	[sflag:s20] =	ssyncset.done $0x0  }
0x25: {  	[sflag:s20] =	ssyncadd.s32 $0xFFFFD800  }
0x26: {  	[spmem:s9] =	stream.linear.scatter [tilespmem:s19], [sflag:$0x2], $0x2800, $0x38;
	[tilespmem:$0x19300] =	vst v63  }
0x27: {  	_ =	swait.ge [sflag:s20], $0x2800  }
0x28: {  	[sflag:s20] =	ssyncset.done $0x0  }
0x29: {  	[sflag:s20] =	ssyncadd.s32 $0xFFFFD800  }
0x2a: {  	[spmem:s10] =	stream.linear.scatter [tilespmem:s19], [sflag:$0x2], $0x2800, $0x38;
	[tilespmem:$0x19300] =	vst v63  }
0x2b: {  	_ =	swait.ge [sflag:s20], $0x2800  }
0x2c: {  	[sflag:s20] =	ssyncset.done $0x0  }
0x2d: {  	[sflag:s20] =	ssyncadd.s32 $0xFFFFD800  }
0x2e: {  	[spmem:s11] =	stream.linear.scatter [tilespmem:s19], [sflag:$0x2], $0x2800, $0x38;
	[tilespmem:$0x19300] =	vst v63  }
0x2f: {  	_ =	swait.ge [sflag:s20], $0x2800  }
0x30: {  	[sflag:s20] =	ssyncset.done $0x0  }
0x31: {  	[sflag:s20] =	ssyncadd.s32 $0xFFFFD800  }
0x32: {  	[spmem:s12] =	stream.linear.scatter [tilespmem:s19], [sflag:$0x2], $0x2800, $0x38;
	[tilespmem:$0x19300] =	vst v63  }
0x33: {  	_ =	swait.ge [sflag:s20], $0x2800  }
0x34: {  	[sflag:s20] =	ssyncset.done $0x0  }
0x35: {  	[sflag:s20] =	ssyncadd.s32 $0xFFFFD800  }
0x36: {  	[spmem:s13] =	stream.linear.scatter [tilespmem:s19], [sflag:$0x2], $0x2800, $0x38;
	[tilespmem:$0x19300] =	vst v63  }
0x37: {  	_ =	swait.ge [sflag:s20], $0x2800  }
0x38: {  	[sflag:s20] =	ssyncset.done $0x0  }
0x39: {  	[sflag:s20] =	ssyncadd.s32 $0xFFFFD800  }
0x3a: {  	[spmem:s15] =	stream.linear.scatter [tilespmem:s19], [sflag:$0x2], $0x2800, $0x38;
	[tilespmem:$0x19300] =	vst v63  }
0x3b: {  	_ =	swait.ge [sflag:s20], $0x2800  }
0x3c: {  	[sflag:s20] =	ssyncset.done $0x0  }
0x3d: {  	[sflag:s20] =	ssyncadd.s32 $0xFFFFD800  }
0x3e: {  	[spmem:s16] =	stream.linear.scatter [tilespmem:s19], [sflag:$0x2], $0x2800, $0x38;
	[tilespmem:$0x19300] =	vst v63  }
0x3f: {  	_ =	swait.ge [sflag:s20], $0x2800  }
0x40: {  	[sflag:s20] =	ssyncset.done $0x0  }
0x41: {  	[sflag:s20] =	ssyncadd.s32 $0xFFFFD800  }
0x42: {  	s26 =	simm.s32 $0x0;
	s28 =	simm.s32 $0x0;
	[bflag:$0x0] =	sbarrier.arrive $0xFFFF  }
.LBB2_4:
0x43: {  	s29 =	sadd.s32 s14, s28  }
0x44: {  	s29 =	sshll.u32 s29, $0x6  }
0x45: {  	s29 =	sadd.s32 s6, s29  }
0x46: {  	[tilespmem:s26], [sflag:$0x2] =	stream.linear.gather [hbm4b:s29+s26], $0x180, $0x38;
	[tilespmem:$0x19300] =	vst v63  }
0x47: {  	_ =	swait.ge [sflag:s20], $0x180  }
0x48: {  	[sflag:s20] =	ssyncset.done $0x0  }
0x49: {  	[sflag:s20] =	ssyncadd.s32 $0xFFFFFE80  }
0x4a: {  	v2 =	vld [tilespmem:$0x0]  }
0x4b: {  	v3 =	vld [tilespmem:$0x100]  }
0x4c: {  	v4 =	vld [tilespmem:$0x10]  }
0x4d: {  	v5 =	vld [tilespmem:$0x110]  }
0x4e: {  	v6 =	vld [tilespmem:$0x20];
	_ =	sdelay $0x2  }
0x4f: {  	v7 =	vld [tilespmem:$0x120];
	[tilespmem:$0x280] =	vst v3  }
0x50: {  	v2 =	vadd.s32 v0, v2;
	v3 =	vadd.s32 v0, v4;
	v4 =	vld [tilespmem:$0x130];
	[tilespmem:$0x290] =	vst v5  }
0x51: {  	v5 =	vadd.s32 v0, v6;
	[tilespmem:$0x200] =	vst v2;
	v2 =	vld [tilespmem:$0x30]  }
0x52: {  	[tilespmem:$0x220] =	vst v5;
	v5 =	vld [tilespmem:$0x140]  }
0x53: {  	[tilespmem:$0x210] =	vst v3;
	v3 =	vld [tilespmem:$0x40];
	_ =	sdelay $0x1  }
0x54: {  	[tilespmem:$0x2A0] =	vst v7  }
0x55: {  	s29 =	smul.u32 $0x50, s28;
	[tilespmem:$0x2B0] =	vst v4  }
0x56: {  	v2 =	vadd.s32 v0, v2;
	[tilespmem:$0x2C0] =	vst v5  }
0x57: {  	s29 =	sadd.s32 s7, s29;
	[tilespmem:$0x230] =	vst v2;
	v2 =	vadd.s32 v0, v3  }
0x58: {  	s29 =	sshll.u32 s29, $0x4;
	[tilespmem:$0x240] =	vst v2  }
0x59: {  	[tilespmem:s19], [sflag:$0x1] =	stream.indirect.gather [hbm4b:s4+s21], $0x80, s22, s21, $0xb8;
	[tilespmem:$0x19300] =	vst v63  }
0x5a: {  	s29 =	sadd.s32 s5, s29  }
0x5b: {  	[tilespmem:s23], [sflag:$0x2] =	stream.linear.gather [hbm4b:s29+s26], $0x2800, $0x38;
	[tilespmem:$0x19300] =	vst v63  }
0x5c: {  	_ =	swait.ge [sflag:s20], $0x2800  }
0x5d: {  	[sflag:s20] =	ssyncset.done $0x0  }
0x5e: {  	[sflag:s20] =	ssyncadd.s32 $0xFFFFD800  }
0x5f: {  	_ =	swait.ge [sflag:s24], $0x2800  }
0x60: {  	[sflag:s24] =	ssyncset.done $0x0  }
0x61: {  	s29 =	simm.s32 $0x0;
	[sflag:s24] =	ssyncadd.s32 $0xFFFFD800  }
0x62: {  	v9 =	vld [tilespmem:s29+$0x300]  }
0x63: {  	v13 =	vld [tilespmem:s29+$0x310]  }
0x64: {  	v7 =	vld [tilespmem:s29+$0x320]  }
0x65: {  	v6 =	vld [tilespmem:s29+$0x330]  }
0x66: {  	v5 =	vld [tilespmem:s29+$0x340]  }
0x67: {  	v4 =	vld [tilespmem:s29+$0x350]  }
0x68: {  	v3 =	vld [tilespmem:s29+$0x360]  }
0x69: {  	v2 =	vld [tilespmem:s29+$0x370]  }
0x6a: {  	v14 =	vld [tilespmem:s29+$0x2B00]  }
0x6b: {  	v15 =	vld [tilespmem:s29+$0x2B10]  }
0x6c: {  	v12 =	vld [tilespmem:s29+$0x2B20]  }
0x6d: {  	v11 =	vld [tilespmem:s29+$0x2B30]  }
0x6e: {  	v10 =	vld [tilespmem:s29+$0x2B40]  }
0x6f: {  	v8 =	vld [tilespmem:s29+$0x2B50];
	v14 =	vmul.f32 v9, v14  }
0x70: {  	s30 =	simm.s32 $0x200;
	v13 =	vmul.f32 v13, v15;
	v9 =	vld [tilespmem:s29+$0x2B60]  }
.LBB2_5:
0x71: {  	s31 =	sshra.s32 s30, $0x2;
	p0 =	sne.s32 s30, $0x9E00;
	[tilespmem:s29+$0x2B00] =	vst v14;
	v7 =	vmul.f32 v7, v12;
	v12 =	vld [tilespmem:s29+$0x2B70]  }
0x72: {  	v14 =	vld [tilespmem:s31+$0x300];
	[tilespmem:s29+$0x2B10] =	vst v13;
	v6 =	vmul.f32 v6, v11  }
0x73: {  	v13 =	vld [tilespmem:s31+$0x310];
	[tilespmem:s29+$0x2B20] =	vst v7;
	v5 =	vmul.f32 v5, v10  }
0x74: {  	v7 =	vld [tilespmem:s31+$0x320];
	[tilespmem:s29+$0x2B30] =	vst v6;
	v4 =	vmul.f32 v4, v8  }
0x75: {  	v6 =	vld [tilespmem:s31+$0x330];
	[tilespmem:s29+$0x2B40] =	vst v5;
	v3 =	vmul.f32 v3, v9  }
0x76: {  	v5 =	vld [tilespmem:s31+$0x340];
	[tilespmem:s29+$0x2B50] =	vst v4;
	v2 =	vmul.f32 v2, v12  }
0x77: {  	v4 =	vld [tilespmem:s31+$0x350];
	[tilespmem:s29+$0x2B60] =	vst v3  }
0x78: {  	v3 =	vld [tilespmem:s31+$0x360];
	[tilespmem:s29+$0x2B70] =	vst v2;
	s29 =	smov.u32 s31  }
0x79: {  	v2 =	vld [tilespmem:s29+$0x370]  }
0x7a: {  	v8 =	vld [tilespmem:s29+$0x2B00]  }
0x7b: {  	v9 =	vld [tilespmem:s29+$0x2B10]  }
.Ltmp1:
0x7c: {  	v12 =	vld [tilespmem:s29+$0x2B20];
	(pc) =	sbr.rel @p0 .LBB2_5-.Ltmp1, $4  }
0x7d: {  	v11 =	vld [tilespmem:s29+$0x2B30]  }
0x7e: {  	v10 =	vld [tilespmem:s29+$0x2B40]  }
0x7f: {  	v14 =	vmul.f32 v14, v8;
	v8 =	vld [tilespmem:s29+$0x2B50]  }
0x80: {  	s30 =	sadd.s32 $0x200, s30;
	v13 =	vmul.f32 v13, v9;
	v9 =	vld [tilespmem:s29+$0x2B60]  }
0x81: {  	[tilespmem:s29+$0x2B00] =	vst v14;
	v7 =	vmul.f32 v7, v12;
	v63 =	vld [tilespmem:s29+$0x2B70]  }
0x82: {  	[tilespmem:s29+$0x2B10] =	vst v13;
	v6 =	vmul.f32 v6, v11  }
0x83: {  	[tilespmem:s29+$0x2B20] =	vst v7;
	v5 =	vmul.f32 v5, v10  }
0x84: {  	[tilespmem:s29+$0x2B30] =	vst v6;
	v4 =	vmul.f32 v4, v8  }
0x85: {  	[tilespmem:s29+$0x2B40] =	vst v5;
	v3 =	vmul.f32 v3, v9  }
0x86: {  	s28 =	sadd.s32 $0x1, s28;
	[tilespmem:s29+$0x2B50] =	vst v4;
	v2 =	vmul.f32 v2, v63  }
0x87: {  	p0 =	sne.s32 s28, $0x7D;
	[tilespmem:s29+$0x2B60] =	vst v3  }
.Ltmp2:
0x88: {  	[tilespmem:s29+$0x2B70] =	vst v2;
	(pc) =	sbr.rel @p0 .LBB2_4-.Ltmp2, $4  }
0x89: {  	[spmem:s2] =	stream.indirect.scatter.add.f32 [tilespmem:s23], [sflag:$0x2], $0x80, s25, s21, $0xb8;
	[tilespmem:$0x19300] =	vst v63  }
0x8a: {  	_ =	swait.ge [sflag:s20], $0x2800  }
0x8b: {  	[sflag:s20] =	ssyncset.done $0x0  }
0x8c: {  	[sflag:s20] =	ssyncadd.s32 $0xFFFFD800  }
0x8d: {  	s3 =	sadd.s32 $0x1, s3  }
0x8e: {  	s26 =	sshll.u32 s1, $0x6;
	[bflag:$0x0] =	sbarrier.arrive $0xFFFF;
	p0 =	sne.s32 s3, s18  }
.Ltmp3:
0x8f: {  	s28 =	sshrl.u32 s8, $0x3;
	s26 =	sor.u32 $0x1C02, s26;
	(pc) =	sbr.rel @p0 .LBB2_1-.Ltmp3, $4  }
0x90: {  	[hbm:s17], [sflag:s26] =	dma.local [spmem:s28], $0x2800  }
0x91: {  	_ =	swait.ge [sflag:s20], $0x2800  }
0x92: {  	[sflag:s20] =	ssyncset.done $0x0  }
0x93: {  	[sflag:s20] =	ssyncadd.s32 $0xFFFFD800  }
0x94: {  	_ =	sfence.sel $0x180000  }
0x95: {  	[bflag:$0x0] =	sbarrier.arrive $0xFFFF  }
0x96: {  	p0 =	sne.s32 s1, $0x0;
	_ =	strace $0x90000053  }
0x97: {  	s0 =	sadd.s32 @!p0 $0x100000, s0;
	[bflag:$0x2] =	sbarrier.arrive $0xFFFF  }
0x98: {  	[sflag:s0] =	ssyncadd.tile.s32 @!p0 $0x1;
	_ =	shalt  }
.Lfunc_end2:
_tile_overlayer_lowered:
.L_overlay_start_2:
0x99: {  	(tag) =	ssettag $0x2  }
0x9a: {  	s0 =	rddreg [dreg:$0x0];
	s2 =	stileid.u32  }
0x9b: {  	s1 =	rddreg [dreg:$0x1];
	p0 =	sne.s32 s2, $0x0  }
0x9c: {  	s3 =	rddreg [dreg:$0x2];
	[bflag:$0x3] =	sbarrier.arrive $0xFFFF;
	s2 =	simm.s32 @!p0 $0x1C02  }
0x9d: {  	[timem:s3], [sflag:s2] =	dma.local @!p0 [hbm:s0], s1  }
0x9e: {  	s0 =	simm.s32 @!p0 $0x2  }
0x9f: {  	_ =	swait.ge @!p0 [sflag:s0], s1  }
0xa0: {  	s1 =	ssub.s32 @!p0 $0x0, s1;
	[sflag:s0] =	ssyncset.done @!p0 $0x0  }
0xa1: {  	[sflag:s0] =	ssyncadd.s32 @!p0 s1  }
0xa2: {  	[bflag:$0x3] =	sbarrier.arrive $0xFFFF  }
0xa3: {  	_ =	shalt  }

// kernel: kernel.9.cloned.1.call-start
scs
__scs_entry_jumppad:
0x0: {  	(pc) =	sbr.rel $0x88, $3  }
0x1: {  	(tag) =	ssettag $0x0;
	lr =	simm.s32 $0x1  }
0x2: {  	[smem:$0x3F92] =	sst lr;
	_ =	strace $0xD0000000  }
0x3: {  	_ = 	snop  }
0x4: {  	_ = 	snop  }
0x5: {  	_ = 	snop  }
0x6: {  	_ = 	snop  }
0x7: {  	_ = 	snop  }
__scs_overlays_trampoline_lowered:
0x8: {  	[smem:$0x3FA1] =	sst s0  }
0x9: {  	[smem:$0x3FA2] =	sst s1  }
0xa: {  	[smem:$0x3FA3] =	sst s2  }
0xb: {  	[smem:$0x3FA4] =	sst s3  }
0xc: {  	[smem:$0x3FA5] =	sst s4  }
0xd: {  	[smem:$0x3FA6] =	sst s5  }
0xe: {  	[smem:$0x3FA7] =	sst s6  }
0xf: {  	[smem:$0x3FA8] =	sst s7  }
0x10: {  	[smem:$0x3FA9] =	sst s8  }
0x11: {  	[smem:$0x3FAA] =	sst s9;
	s0 =	simm.s32 @!p0 $0x0  }
0x12: {  	s1 =	sld [smem:$0x3F90];
	s0 =	simm.s32 @p0 $0x1  }
0x13: {  	[smem:$0x3FAB] =	sst s0;
	s0 =	simm.s32 @!p1 $0x0  }
0x14: {  	s2 =	sld [smem:$0x3F8F];
	s0 =	simm.s32 @p1 $0x1  }
0x15: {  	[smem:$0x3FAC] =	sst s0;
	s0 =	simm.s32 @!p2 $0x0  }
0x16: {  	s3 =	sld [smem:$0x3FDB];
	s0 =	simm.s32 @p2 $0x1  }
0x17: {  	s4 =	simm.s32 $0x1BF5;
	[smem:$0x3FAE] =	sst s0  }
0x18: {  	s0 =	sld [smem:$0x3F91];
	_ =	swait.ge [sflag:s4], $0x0  }
0x19: {  	s7 =	sld [smem:$0x3F92]  }
0x1a: {  	s8 =	sadd.s32 $0xFFFFE003, lr  }
0x1b: {  	s9 =	sadd.s32 $0xFFFFFEF7, lr;
	s5 =	simm.s32 $0xFFFFFFFF;
	p2 =	slt.u32 s8, $0xFFFFF086  }
0x1c: {  	p1 =	slt.u32 s9, $0xF7A;
	s5 =	simm.s32 @!p2 $0x0  }
0x1d: {  	s5 =	simm.s32 @p1 $0x1;
	p0 =	seq.s32 s7, s2  }
0x1e: {  	s7 =	smul.u32 @!p0 $0xF7A, s2;
	p2 =	seq.s32 @!p0 s5, $0x0  }
0x1f: {  	s9 =	smul.u32 $0xF7A, s1;
	s8 =	simm.s32 @!p0 $0x1BF5;
	p2 =	por !p2, p0  }
0x20: {  	[sflag:s8] =	ssyncset.s32 @!p0 $0xFFFFF086;
	s6 =	sadd.s32 @!p0 s3, s7;
	s7 =	simm.s32 @!p0 $0x108  }
0x21: {  	s3 =	sadd.s32 s3, s9;
	s6 =	sadd.s32 @!p0 $0x88, s6;
	s7 =	simm.s32 @p2 $0x1082  }
0x22: {  	[simem:s7], [sflag:s8] =	dma.local @!p0 [hbm:s6], $0xF7A  }
0x23: {  	s9 =	sor.u32 $0xD0000000, s2;
	s6 =	simm.s32 $0x108;
	_ =	swait.ge @!p0 [sflag:s8], $0x0  }
0x24: {  	s3 =	sadd.s32 $0x88, s3;
	s6 =	simm.s32 @!p1 $0x1082;
	[sflag:s4] =	ssyncset.s32 $0xFFFFF086  }
0x25: {  	[simem:s6], [sflag:s4] =	dma.local [hbm:s3], $0xF7A  }
0x26: {  	[smem:$0x3F92] =	sst s1;
	(tag) =	ssettag s2;
	_ =	strace s9  }
0x27: {  	s1 =	sld [smem:$0x3FA2]  }
0x28: {  	s2 =	sld [smem:$0x3FA3]  }
0x29: {  	s4 =	sld [smem:$0x3FA5]  }
0x2a: {  	p0 =	seq.s32 s5, $0x0;
	s5 =	sld [smem:$0x3FA6]  }
0x2b: {  	s6 =	sld [smem:$0x3FA7]  }
0x2c: {  	s7 =	sld [smem:$0x3FA8]  }
0x2d: {  	s3 =	simm.s32 $0x108;
	s8 =	sld [smem:$0x3FA9]  }
0x2e: {  	s3 =	simm.s32 @!p0 $0x1082;
	s9 =	sld [smem:$0x3FAA]  }
0x2f: {  	lr =	sadd.s32 s0, s3;
	s0 =	sld [smem:$0x3FA1]  }
0x30: {  	s3 =	sld [smem:$0x3FA4]  }
0x31: {  	[smem:$0x3FAD] =	sst s10  }
0x32: {  	s10 =	sld [smem:$0x3FAB];
	_ =	sdelay $0x3  }
0x33: {  	p0 =	seq.s32 s10, $0x1;
	s10 =	sld [smem:$0x3FAD];
	_ =	sdelay $0x3  }
0x34: {  	[smem:$0x3FAD] =	sst s10  }
0x35: {  	s10 =	sld [smem:$0x3FAC];
	_ =	sdelay $0x3  }
0x36: {  	p1 =	seq.s32 s10, $0x1;
	s10 =	sld [smem:$0x3FAD];
	_ =	sdelay $0x3  }
0x37: {  	[smem:$0x3FAD] =	sst s10  }
0x38: {  	s10 =	sld [smem:$0x3FAE]  }
0x39: {  	_ = 	snop;
	(pc) =	sbr.ind lr, $3  }
0x3a: {  	_ = 	snop  }
0x3b: {  	_ = 	snop  }
0x3c: {  	p2 =	seq.s32 s10, $0x1;
	s10 =	sld [smem:$0x3FAD]  }
0x3d: {  	_ =	shalt  }
0x3e: {  	_ =	shalt  }
0x3f: {  	_ =	shalt  }
0x40: {  	_ =	shalt  }
0x41: {  	_ =	shalt  }
0x42: {  	_ =	shalt  }
0x43: {  	_ =	shalt  }
0x44: {  	_ =	shalt  }
0x45: {  	_ =	shalt  }
0x46: {  	_ =	shalt  }
0x47: {  	_ =	shalt  }
0x48: {  	_ =	shalt  }
0x49: {  	_ =	shalt  }
0x4a: {  	_ =	shalt  }
0x4b: {  	_ =	shalt  }
0x4c: {  	_ =	shalt  }
0x4d: {  	_ =	shalt  }
0x4e: {  	_ =	shalt  }
0x4f: {  	_ =	shalt  }
0x50: {  	_ =	shalt  }
0x51: {  	_ =	shalt  }
0x52: {  	_ =	shalt  }
0x53: {  	_ =	shalt  }
0x54: {  	_ =	shalt  }
0x55: {  	_ =	shalt  }
0x56: {  	_ =	shalt  }
0x57: {  	_ =	shalt  }
0x58: {  	_ =	shalt  }
0x59: {  	_ =	shalt  }
0x5a: {  	_ =	shalt  }
0x5b: {  	_ =	shalt  }
0x5c: {  	_ =	shalt  }
0x5d: {  	_ =	shalt  }
0x5e: {  	_ =	shalt  }
0x5f: {  	_ =	shalt  }
0x60: {  	_ =	shalt  }
0x61: {  	_ =	shalt  }
0x62: {  	_ =	shalt  }
0x63: {  	_ =	shalt  }
0x64: {  	_ =	shalt  }
0x65: {  	_ =	shalt  }
0x66: {  	_ =	shalt  }
0x67: {  	_ =	shalt  }
0x68: {  	_ =	shalt  }
0x69: {  	_ =	shalt  }
0x6a: {  	_ =	shalt  }
0x6b: {  	_ =	shalt  }
0x6c: {  	_ =	shalt  }
0x6d: {  	_ =	shalt  }
0x6e: {  	_ =	shalt  }
0x6f: {  	_ =	shalt  }
0x70: {  	_ =	shalt  }
0x71: {  	_ =	shalt  }
0x72: {  	_ =	shalt  }
0x73: {  	_ =	shalt  }
0x74: {  	_ =	shalt  }
0x75: {  	_ =	shalt  }
0x76: {  	_ =	shalt  }
0x77: {  	_ =	shalt  }
0x78: {  	_ =	shalt  }
0x79: {  	_ =	shalt  }
0x7a: {  	_ =	shalt  }
0x7b: {  	_ =	shalt  }
0x7c: {  	_ =	shalt  }
0x7d: {  	_ =	shalt  }
0x7e: {  	_ =	shalt  }
0x7f: {  	_ =	shalt  }
0x80: {  	_ =	shalt  }
0x81: {  	_ =	shalt  }
0x82: {  	_ =	shalt  }
0x83: {  	_ =	shalt  }
0x84: {  	_ =	shalt  }
0x85: {  	_ =	shalt  }
0x86: {  	_ =	shalt  }
0x87: {  	_ =	shalt  }
.Lfunc_end0:
.L_simem_size_0:
called_computation.1_lowered:
.L_overlay_start_0:
0x88: {  	s2 =	sld [smem:$0x3FD9]  }
0x89: {  	s3 =	sld [smem:$0x3FFE];
	_ =	sdelay $0x1  }
0x8a: {  	s1 =	srdreg.scid  }
0x8b: {  	s0 =	sand.u32 $0x1, s1  }
0x8c: {  	s17 =	sshll.u32 s0, $0xA;
	s2 =	sadd.s32 s3, s2  }
0x8d: {  	s2 =	sadd.s32 s2, s17  }
0x8e: {  	[smem:$0x3FB9] =	sst s2  }
0x8f: {  	_ = 	snop  }
0x90: {  	s2 =	sld [smem:$0x3FC9];
	(tm) =	ssettm $0x1  }
0x91: {  	s18 =	sld [smem:$0x3FFB];
	_ =	sdelay $0x3  }
0x92: {  	_ =	strace s18  }
0x93: {  	s3 =	sld [smem:$0x3FFC];
	_ =	sdelay $0x3  }
0x94: {  	_ =	strace s3  }
0x95: {  	s3 =	sld [smem:$0x3FFD];
	_ =	sdelay $0x3  }
0x96: {  	_ =	strace s3  }
0x97: {  	_ =	strace $0x8FFFFFFF  }
0x98: {  	s19 =	sld [smem:$0x3FDB];
	_ =	sdelay $0x1  }
0x99: {  	s4 =	simm.s32 $_scs_section_size  }
0x9a: {  	s5 =	simm.s32 $_size__tile_overlayer_lowered;
	s6 =	simm.s32 $_tile_overlayer_lowered  }
0x9b: {  	s22 =	simm.s32 $0x1BFF;
	s21 =	sshll.u32 s6, $0x1;
	s3 =	sadd.s32 s4, s19  }
0x9c: {  	s7 =	simm.s32 $0x0;
	s20 =	sshll.u32 s5, $0x1;
	s5 =	sadd.s32 s21, s3  }
0x9d: {  	[timem:s7], [sflag:s22] =	dma.local [hbm:s5], s20  }
0x9e: {  	_ =	swait.ge [sflag:s22], s20  }
0x9f: {  	s4 =	ssub.s32 $0x0, s20;
	[sflag:s22] =	ssyncset.done $0x0  }
0xa0: {  	[sflag:s22] =	ssyncadd.s32 s4;
	_ =	sdelay $0x1  }
0xa1: {  	s23 =	simm.s32 $0x1B8B  }
0xa2: {  	_ =	swait.ge [sflag:s23], $0x1  }
0xa3: {  	[sflag:s23] =	ssyncset.done $0x0  }
0xa4: {  	s25 =	simm.s32 $0x1B8E;
	s24 =	sld [smem:$0x3FFE];
	[sflag:s23] =	ssyncadd.s32 $0xFFFFFFFF  }
0xa5: {  	s26 =	simm.s32 $execute0_lowered;
	[smem:$0x3FD2] =	sst s25  }
0xa6: {  	s5 =	sshll.u32 s26, $0x1;
	_ =	strace $0x80000046;
	[dreg:$0x1] =	wrdreg $0xFFFFFFFF  }
0xa7: {  	s28 =	simm.s32 $_size_execute0_lowered;
	s3 =	sadd.s32 s3, s5;
	[dreg:$0x0] =	wrdreg $0x0  }
0xa8: {  	s5 =	sshll.u32 s28, $0x1;
	[dreg:$0x2] =	wrdreg s3  }
0xa9: {  	[dreg:$0x3] =	wrdreg s5  }
0xaa: {  	[dreg:$0x4] =	wrdreg $0xC0  }
0xab: {  	_ =	task [dreg:s7], $0x5FFFF  }
0xac: {  	[dreg:$0x1] =	wrdreg $0xFFFFFFFF  }
0xad: {  	[dreg:$0x0] =	wrdreg $0x60  }
0xae: {  	[dreg:$0x2] =	wrdreg s2  }
0xaf: {  	[dreg:$0x3] =	wrdreg s24  }
0xb0: {  	[dreg:$0x4] =	wrdreg $0xB  }
0xb1: {  	_ =	task.clear_ibuf [dreg:s7], $0x5FFFF;
	_ =	strace $0x90000046  }
0xb2: {  	s29 =	simm.s32 $0xB;
	_ =	strace $0x80000048  }
0xb3: {  	_ =	swait.ge [sflag:s29], $0x1  }
0xb4: {  	[sflag:s29] =	ssyncadd.s32 $0xFFFFFFFF  }
0xb5: {  	_ =	strace $0x90000048  }
0xb6: {  	_ =	sfence  }
0xb7: {  	s30 =	sld [smem:$0x0];
	_ =	sdelay $0x2  }
0xb8: {  	s31 =	sshll.u32 s1, $0xD;
	s1 =	sshrl.u32 s1, $0x2  }
0xb9: {  	s3 =	sand.u32 $0x4000, s31;
	s1 =	sadd.s32 s1, s30  }
0xba: {  	s0 =	sor.u32 s3, s0;
	s1 =	sshll.u32 s1, $0x11  }
0xbb: {  	s0 =	sor.u32 s1, s0  }
0xbc: {  	s0 =	sadd.s32 $0x8F2B, s0  }
0xbd: {  	[sflag:s0] =	ssyncadd.remote.s32 $0x1  }
0xbe: {  	_ =	sfence.sel $0xFFFF  }
0xbf: {  	[dreg:$0x0] =	wrdreg $0xFFFFFFFF;
	(pc) =	sbr.abs _section_cstart, $3  }
0xc0: {  	[dreg:$0x1] =	wrdreg $0xFFFFFFFF  }
0xc1: {  	_ =	task.clear_ibuf [dreg:s7], $0x2FFFF;
	_ =	strace $0x9FFFFFFF  }
0xc2: {  	(tm) =	ssettm $0x7FFFFFFF  }
0xc3: {  	_ =	shalt  }
tec
execute0_lowered:
.L_overlay_start_1:
0x0: {  	(tag) =	ssettag $0x1  }
0x1: {  	s1 =	rddreg [dreg:$0x0]  }
0x2: {  	s7 =	rddreg [dreg:$0x1]  }
0x3: {  	s0 =	rddreg [dreg:$0x2];
	s2 =	simm.s32 $0x0  }
0x4: {  	s3 =	srdreg.scid;
	s11 =	simm.s32 $0x50;
	s12 =	simm.s32 $0x400  }
0x5: {  	s13 =	simm.s32 $0x500;
	s14 =	simm.s32 $0x480;
	s15 =	simm.s32 $0x2D00  }
0x6: {  	s16 =	simm.s32 $0x1;
	s17 =	simm.s32 $0x0;
	[smem:$0x7FF] =	sst s2  }
0x7: {  	s5 =	sand.u32 $0x1, s3;
	s3 =	stileid.u32;
	s4 =	sadd.s32 $0x1CE00, s7  }
0x8: {  	_ =	strace $0x80000047;
	s6 =	sshll.u32 s5, $0x4;
	s8 =	ssub.s32 $0x2, s5  }
0x9: {  	s5 =	sadd.s32 $0x1E800, s7;
	s9 =	sor.u32 s3, s6;
	s10 =	sshrl.u32 s8, $0x1  }
0xa: {  	s7 =	sadd.s32 $0x9B800, s7;
	s6 =	smul.u32 $0x2710, s9;
	s10 =	ssub.s32 s8, s10  }
0xb: {  	s8 =	smul.u32 $0x7D, s9;
	s9 =	smax.u32 s10, $0x1;
	s10 =	simm.s32 $0x2  }
.LBB2_1:
0xc: {  	s18 =	simm.s32 $0x0  }
.LBB2_2:
0xd: {  	s19 =	sadd.s32 s8, s18  }
0xe: {  	s19 =	sshll.u32 s19, $0x7  }
0xf: {  	s20 =	simm.s32 $0x0;
	s19 =	sadd.s32 s5, s19  }
0x10: {  	[tilespmem:s20], [sflag:$0x2] =	stream.linear.gather [hbm4b:s19+s20], $0x300, $0x38;
	[tilespmem:$0x5500] =	vst v63  }
0x11: {  	_ =	swait.ge [sflag:s10], $0x300  }
0x12: {  	[sflag:s10] =	ssyncset.done $0x0  }
0x13: {  	[sflag:s10] =	ssyncadd.s32 $0xFFFFFD00  }
0x14: {  	v0 =	vld [tilespmem:$0x0]  }
0x15: {  	v1 =	vld [tilespmem:$0x100]  }
0x16: {  	v2 =	vld [tilespmem:$0x10]  }
0x17: {  	v3 =	vld [tilespmem:$0x110]  }
0x18: {  	v4 =	vld [tilespmem:$0x20]  }
0x19: {  	[tilespmem:$0x400] =	vst v0;
	v0 =	vld [tilespmem:$0x120]  }
0x1a: {  	[tilespmem:$0x480] =	vst v1;
	v1 =	vld [tilespmem:$0x30]  }
0x1b: {  	[tilespmem:$0x410] =	vst v2;
	v2 =	vld [tilespmem:$0x130]  }
0x1c: {  	[tilespmem:$0x490] =	vst v3;
	v3 =	vld [tilespmem:$0x40]  }
0x1d: {  	[tilespmem:$0x420] =	vst v4;
	v4 =	vld [tilespmem:$0x140]  }
0x1e: {  	[tilespmem:$0x4A0] =	vst v0  }
0x1f: {  	[tilespmem:$0x430] =	vst v1  }
0x20: {  	[tilespmem:$0x4B0] =	vst v2  }
0x21: {  	[tilespmem:$0x440] =	vst v3  }
0x22: {  	[tilespmem:$0x4C0] =	vst v4  }
0x23: {  	[tilespmem:s13], [sflag:$0x1] =	stream.indirect.gather [hbm4b:s1+s11], $0x80, s12, s11, $0xb8;
	[tilespmem:$0x5500] =	vst v63  }
0x24: {  	_ = 	snop  }
0x25: {  	[tilespmem:s15], [sflag:$0x1] =	stream.indirect.gather [hbm4b:s4+s11], $0x80, s14, s11, $0xb8;
	[tilespmem:$0x5500] =	vst v63  }
0x26: {  	_ =	swait.ge [sflag:s16], $0x2800  }
0x27: {  	[sflag:s16] =	ssyncset.done $0x0  }
0x28: {  	[sflag:s16] =	ssyncadd.s32 $0xFFFFD800  }
0x29: {  	_ =	swait.ge [sflag:s16], $0x2800  }
0x2a: {  	[sflag:s16] =	ssyncset.done $0x0  }
0x2b: {  	s19 =	simm.s32 $0x0;
	[sflag:s16] =	ssyncadd.s32 $0xFFFFD800  }
0x2c: {  	v6 =	vld [tilespmem:s19+$0x500]  }
0x2d: {  	v11 =	vld [tilespmem:s19+$0x510]  }
0x2e: {  	v5 =	vld [tilespmem:s19+$0x520]  }
0x2f: {  	v4 =	vld [tilespmem:s19+$0x530]  }
0x30: {  	v3 =	vld [tilespmem:s19+$0x540]  }
0x31: {  	v2 =	vld [tilespmem:s19+$0x550]  }
0x32: {  	v1 =	vld [tilespmem:s19+$0x560]  }
0x33: {  	v0 =	vld [tilespmem:s19+$0x570]  }
0x34: {  	v12 =	vld [tilespmem:s19+$0x2D00]  }
0x35: {  	v13 =	vld [tilespmem:s19+$0x2D10]  }
0x36: {  	v10 =	vld [tilespmem:s19+$0x2D20]  }
0x37: {  	v9 =	vld [tilespmem:s19+$0x2D30]  }
0x38: {  	v8 =	vld [tilespmem:s19+$0x2D40]  }
0x39: {  	v7 =	vld [tilespmem:s19+$0x2D50];
	v12 =	vmul.f32 v12, v6  }
0x3a: {  	s20 =	simm.s32 $0x200;
	v11 =	vmul.f32 v13, v11;
	v6 =	vld [tilespmem:s19+$0x2D60]  }
.LBB2_3:
0x3b: {  	s21 =	sshra.s32 s20, $0x2;
	p0 =	sne.s32 s20, $0x9E00;
	[tilespmem:s19+$0x2D00] =	vst v12;
	v5 =	vmul.f32 v10, v5;
	v10 =	vld [tilespmem:s19+$0x2D70]  }
0x3c: {  	v12 =	vld [tilespmem:s21+$0x500];
	[tilespmem:s19+$0x2D10] =	vst v11;
	v4 =	vmul.f32 v9, v4  }
0x3d: {  	v11 =	vld [tilespmem:s21+$0x510];
	[tilespmem:s19+$0x2D20] =	vst v5;
	v3 =	vmul.f32 v8, v3  }
0x3e: {  	v5 =	vld [tilespmem:s21+$0x520];
	[tilespmem:s19+$0x2D30] =	vst v4;
	v2 =	vmul.f32 v7, v2  }
0x3f: {  	v4 =	vld [tilespmem:s21+$0x530];
	[tilespmem:s19+$0x2D40] =	vst v3;
	v1 =	vmul.f32 v6, v1  }
0x40: {  	v3 =	vld [tilespmem:s21+$0x540];
	[tilespmem:s19+$0x2D50] =	vst v2;
	v0 =	vmul.f32 v10, v0  }
0x41: {  	v2 =	vld [tilespmem:s21+$0x550];
	[tilespmem:s19+$0x2D60] =	vst v1  }
0x42: {  	v1 =	vld [tilespmem:s21+$0x560];
	[tilespmem:s19+$0x2D70] =	vst v0;
	s19 =	smov.u32 s21  }
0x43: {  	v0 =	vld [tilespmem:s19+$0x570]  }
0x44: {  	v6 =	vld [tilespmem:s19+$0x2D00]  }
0x45: {  	v13 =	vld [tilespmem:s19+$0x2D10]  }
.Ltmp0:
0x46: {  	v10 =	vld [tilespmem:s19+$0x2D20];
	(pc) =	sbr.rel @p0 .LBB2_3-.Ltmp0, $4  }
0x47: {  	v9 =	vld [tilespmem:s19+$0x2D30]  }
0x48: {  	v8 =	vld [tilespmem:s19+$0x2D40]  }
0x49: {  	v12 =	vmul.f32 v6, v12;
	v7 =	vld [tilespmem:s19+$0x2D50]  }
0x4a: {  	s20 =	sadd.s32 $0x200, s20;
	v11 =	vmul.f32 v13, v11;
	v6 =	vld [tilespmem:s19+$0x2D60]  }
0x4b: {  	[tilespmem:s19+$0x2D00] =	vst v12;
	v5 =	vmul.f32 v10, v5;
	v63 =	vld [tilespmem:s19+$0x2D70]  }
0x4c: {  	[tilespmem:s19+$0x2D10] =	vst v11;
	v4 =	vmul.f32 v9, v4  }
0x4d: {  	[tilespmem:s19+$0x2D20] =	vst v5;
	v3 =	vmul.f32 v8, v3  }
0x4e: {  	s20 =	smul.u32 $0x50, s18;
	[tilespmem:s19+$0x2D30] =	vst v4;
	v2 =	vmul.f32 v7, v2  }
0x4f: {  	[tilespmem:s19+$0x2D40] =	vst v3;
	v1 =	vmul.f32 v6, v1  }
0x50: {  	s18 =	sadd.s32 $0x1, s18;
	s20 =	sadd.s32 s6, s20;
	[tilespmem:s19+$0x2D50] =	vst v2;
	v0 =	vmul.f32 v63, v0  }
0x51: {  	p0 =	sne.s32 s18, $0x7D;
	s20 =	sshll.u32 s20, $0x4;
	[tilespmem:s19+$0x2D60] =	vst v1  }
.Ltmp1:
0x52: {  	s31 =	sadd.s32 s7, s20;
	[tilespmem:s19+$0x2D70] =	vst v0;
	(pc) =	sbr.rel @p0 .LBB2_2-.Ltmp1, $4  }
0x53: {  	[hbm4b:s31+s2] =	stream.linear.scatter [tilespmem:s15], [sflag:$0x2], $0x2800, $0x38;
	[tilespmem:$0x5500] =	vst v63  }
0x54: {  	_ =	swait.ge [sflag:s10], $0x2800  }
0x55: {  	[sflag:s10] =	ssyncset.done $0x0  }
0x56: {  	[sflag:s10] =	ssyncadd.s32 $0xFFFFD800  }
0x57: {  	s17 =	sadd.s32 $0x1, s17  }
0x58: {  	p0 =	sne.s32 s17, s9  }
.Ltmp2:
0x59: {  	_ = 	snop;
	(pc) =	sbr.rel @p0 .LBB2_1-.Ltmp2, $1  }
0x5a: {  	_ =	sdelay $0x3  }
0x5b: {  	_ =	sfence.sel $0x180000  }
0x5c: {  	[bflag:$0x0] =	sbarrier.arrive $0xFFFF  }
0x5d: {  	p0 =	sne.s32 s3, $0x0;
	_ =	strace $0x90000047  }
0x5e: {  	s0 =	sadd.s32 @!p0 $0x100000, s0;
	[bflag:$0x2] =	sbarrier.arrive $0xFFFF  }
0x5f: {  	[sflag:s0] =	ssyncadd.tile.s32 @!p0 $0x1;
	_ =	shalt  }
.Lfunc_end2:
_tile_overlayer_lowered:
.L_overlay_start_2:
0x60: {  	(tag) =	ssettag $0x2  }
0x61: {  	s0 =	rddreg [dreg:$0x0];
	s2 =	stileid.u32  }
0x62: {  	s1 =	rddreg [dreg:$0x1];
	p0 =	sne.s32 s2, $0x0  }
0x63: {  	s3 =	rddreg [dreg:$0x2];
	[bflag:$0x3] =	sbarrier.arrive $0xFFFF;
	s2 =	simm.s32 @!p0 $0x1C02  }
0x64: {  	[timem:s3], [sflag:s2] =	dma.local @!p0 [hbm:s0], s1  }
0x65: {  	s0 =	simm.s32 @!p0 $0x2  }
0x66: {  	_ =	swait.ge @!p0 [sflag:s0], s1  }
0x67: {  	s1 =	ssub.s32 @!p0 $0x0, s1;
	[sflag:s0] =	ssyncset.done @!p0 $0x0  }
0x68: {  	[sflag:s0] =	ssyncadd.s32 @!p0 s1  }
0x69: {  	[bflag:$0x3] =	sbarrier.arrive $0xFFFF  }
0x6a: {  	_ =	shalt  }

// kernel: scatter_offload_async_start
scs
__scs_entry_jumppad:
0x0: {  	(pc) =	sbr.rel $0x88, $3  }
0x1: {  	(tag) =	ssettag $0x0;
	lr =	simm.s32 $0x1  }
0x2: {  	[smem:$0x3F92] =	sst lr;
	_ =	strace $0xD0000000  }
0x3: {  	_ = 	snop  }
0x4: {  	_ = 	snop  }
0x5: {  	_ = 	snop  }
0x6: {  	_ = 	snop  }
0x7: {  	_ = 	snop  }
__scs_overlays_trampoline_lowered:
0x8: {  	[smem:$0x3FA1] =	sst s0  }
0x9: {  	[smem:$0x3FA2] =	sst s1  }
0xa: {  	[smem:$0x3FA3] =	sst s2  }
0xb: {  	[smem:$0x3FA4] =	sst s3  }
0xc: {  	[smem:$0x3FA5] =	sst s4  }
0xd: {  	[smem:$0x3FA6] =	sst s5  }
0xe: {  	[smem:$0x3FA7] =	sst s6  }
0xf: {  	[smem:$0x3FA8] =	sst s7  }
0x10: {  	[smem:$0x3FA9] =	sst s8  }
0x11: {  	[smem:$0x3FAA] =	sst s9;
	s0 =	simm.s32 @!p0 $0x0  }
0x12: {  	s1 =	sld [smem:$0x3F90];
	s0 =	simm.s32 @p0 $0x1  }
0x13: {  	[smem:$0x3FAB] =	sst s0;
	s0 =	simm.s32 @!p1 $0x0  }
0x14: {  	s2 =	sld [smem:$0x3F8F];
	s0 =	simm.s32 @p1 $0x1  }
0x15: {  	[smem:$0x3FAC] =	sst s0;
	s0 =	simm.s32 @!p2 $0x0  }
0x16: {  	s3 =	sld [smem:$0x3FDB];
	s0 =	simm.s32 @p2 $0x1  }
0x17: {  	s4 =	simm.s32 $0x1BF5;
	[smem:$0x3FAE] =	sst s0  }
0x18: {  	s0 =	sld [smem:$0x3F91];
	_ =	swait.ge [sflag:s4], $0x0  }
0x19: {  	s7 =	sld [smem:$0x3F92]  }
0x1a: {  	s8 =	sadd.s32 $0xFFFFE003, lr  }
0x1b: {  	s9 =	sadd.s32 $0xFFFFFEF7, lr;
	s5 =	simm.s32 $0xFFFFFFFF;
	p2 =	slt.u32 s8, $0xFFFFF086  }
0x1c: {  	p1 =	slt.u32 s9, $0xF7A;
	s5 =	simm.s32 @!p2 $0x0  }
0x1d: {  	s5 =	simm.s32 @p1 $0x1;
	p0 =	seq.s32 s7, s2  }
0x1e: {  	s7 =	smul.u32 @!p0 $0xF7A, s2;
	p2 =	seq.s32 @!p0 s5, $0x0  }
0x1f: {  	s9 =	smul.u32 $0xF7A, s1;
	s8 =	simm.s32 @!p0 $0x1BF5;
	p2 =	por !p2, p0  }
0x20: {  	[sflag:s8] =	ssyncset.s32 @!p0 $0xFFFFF086;
	s6 =	sadd.s32 @!p0 s3, s7;
	s7 =	simm.s32 @!p0 $0x108  }
0x21: {  	s3 =	sadd.s32 s3, s9;
	s6 =	sadd.s32 @!p0 $0x88, s6;
	s7 =	simm.s32 @p2 $0x1082  }
0x22: {  	[simem:s7], [sflag:s8] =	dma.local @!p0 [hbm:s6], $0xF7A  }
0x23: {  	s9 =	sor.u32 $0xD0000000, s2;
	s6 =	simm.s32 $0x108;
	_ =	swait.ge @!p0 [sflag:s8], $0x0  }
0x24: {  	s3 =	sadd.s32 $0x88, s3;
	s6 =	simm.s32 @!p1 $0x1082;
	[sflag:s4] =	ssyncset.s32 $0xFFFFF086  }
0x25: {  	[simem:s6], [sflag:s4] =	dma.local [hbm:s3], $0xF7A  }
0x26: {  	[smem:$0x3F92] =	sst s1;
	(tag) =	ssettag s2;
	_ =	strace s9  }
0x27: {  	s1 =	sld [smem:$0x3FA2]  }
0x28: {  	s2 =	sld [smem:$0x3FA3]  }
0x29: {  	s4 =	sld [smem:$0x3FA5]  }
0x2a: {  	p0 =	seq.s32 s5, $0x0;
	s5 =	sld [smem:$0x3FA6]  }
0x2b: {  	s6 =	sld [smem:$0x3FA7]  }
0x2c: {  	s7 =	sld [smem:$0x3FA8]  }
0x2d: {  	s3 =	simm.s32 $0x108;
	s8 =	sld [smem:$0x3FA9]  }
0x2e: {  	s3 =	simm.s32 @!p0 $0x1082;
	s9 =	sld [smem:$0x3FAA]  }
0x2f: {  	lr =	sadd.s32 s0, s3;
	s0 =	sld [smem:$0x3FA1]  }
0x30: {  	s3 =	sld [smem:$0x3FA4]  }
0x31: {  	[smem:$0x3FAD] =	sst s10  }
0x32: {  	s10 =	sld [smem:$0x3FAB];
	_ =	sdelay $0x3  }
0x33: {  	p0 =	seq.s32 s10, $0x1;
	s10 =	sld [smem:$0x3FAD];
	_ =	sdelay $0x3  }
0x34: {  	[smem:$0x3FAD] =	sst s10  }
0x35: {  	s10 =	sld [smem:$0x3FAC];
	_ =	sdelay $0x3  }
0x36: {  	p1 =	seq.s32 s10, $0x1;
	s10 =	sld [smem:$0x3FAD];
	_ =	sdelay $0x3  }
0x37: {  	[smem:$0x3FAD] =	sst s10  }
0x38: {  	s10 =	sld [smem:$0x3FAE]  }
0x39: {  	_ = 	snop;
	(pc) =	sbr.ind lr, $3  }
0x3a: {  	_ = 	snop  }
0x3b: {  	_ = 	snop  }
0x3c: {  	p2 =	seq.s32 s10, $0x1;
	s10 =	sld [smem:$0x3FAD]  }
0x3d: {  	_ =	shalt  }
0x3e: {  	_ =	shalt  }
0x3f: {  	_ =	shalt  }
0x40: {  	_ =	shalt  }
0x41: {  	_ =	shalt  }
0x42: {  	_ =	shalt  }
0x43: {  	_ =	shalt  }
0x44: {  	_ =	shalt  }
0x45: {  	_ =	shalt  }
0x46: {  	_ =	shalt  }
0x47: {  	_ =	shalt  }
0x48: {  	_ =	shalt  }
0x49: {  	_ =	shalt  }
0x4a: {  	_ =	shalt  }
0x4b: {  	_ =	shalt  }
0x4c: {  	_ =	shalt  }
0x4d: {  	_ =	shalt  }
0x4e: {  	_ =	shalt  }
0x4f: {  	_ =	shalt  }
0x50: {  	_ =	shalt  }
0x51: {  	_ =	shalt  }
0x52: {  	_ =	shalt  }
0x53: {  	_ =	shalt  }
0x54: {  	_ =	shalt  }
0x55: {  	_ =	shalt  }
0x56: {  	_ =	shalt  }
0x57: {  	_ =	shalt  }
0x58: {  	_ =	shalt  }
0x59: {  	_ =	shalt  }
0x5a: {  	_ =	shalt  }
0x5b: {  	_ =	shalt  }
0x5c: {  	_ =	shalt  }
0x5d: {  	_ =	shalt  }
0x5e: {  	_ =	shalt  }
0x5f: {  	_ =	shalt  }
0x60: {  	_ =	shalt  }
0x61: {  	_ =	shalt  }
0x62: {  	_ =	shalt  }
0x63: {  	_ =	shalt  }
0x64: {  	_ =	shalt  }
0x65: {  	_ =	shalt  }
0x66: {  	_ =	shalt  }
0x67: {  	_ =	shalt  }
0x68: {  	_ =	shalt  }
0x69: {  	_ =	shalt  }
0x6a: {  	_ =	shalt  }
0x6b: {  	_ =	shalt  }
0x6c: {  	_ =	shalt  }
0x6d: {  	_ =	shalt  }
0x6e: {  	_ =	shalt  }
0x6f: {  	_ =	shalt  }
0x70: {  	_ =	shalt  }
0x71: {  	_ =	shalt  }
0x72: {  	_ =	shalt  }
0x73: {  	_ =	shalt  }
0x74: {  	_ =	shalt  }
0x75: {  	_ =	shalt  }
0x76: {  	_ =	shalt  }
0x77: {  	_ =	shalt  }
0x78: {  	_ =	shalt  }
0x79: {  	_ =	shalt  }
0x7a: {  	_ =	shalt  }
0x7b: {  	_ =	shalt  }
0x7c: {  	_ =	shalt  }
0x7d: {  	_ =	shalt  }
0x7e: {  	_ =	shalt  }
0x7f: {  	_ =	shalt  }
0x80: {  	_ =	shalt  }
0x81: {  	_ =	shalt  }
0x82: {  	_ =	shalt  }
0x83: {  	_ =	shalt  }
0x84: {  	_ =	shalt  }
0x85: {  	_ =	shalt  }
0x86: {  	_ =	shalt  }
0x87: {  	_ =	shalt  }
.Lfunc_end0:
.L_simem_size_0:
called_computation_lowered:
.L_overlay_start_0:
0x88: {  	s0 =	sld [smem:$0x3FD9]  }
0x89: {  	s1 =	sld [smem:$0x3FFE];
	_ =	sdelay $0x3  }
0x8a: {  	s0 =	sadd.s32 s1, s0  }
0x8b: {  	[smem:$0x3FB9] =	sst s0  }
0x8c: {  	_ = 	snop  }
0x8d: {  	s0 =	sld [smem:$0x3FD0];
	_ =	sdelay $0x2  }
0x8e: {  	s13 =	simm.s32 $0xC;
	s2 =	simm.s32 $0x10  }
0x8f: {  	[smem:s2], [sflag:s13] =	dma.local [hbm:s0], $0x1  }
0x90: {  	_ =	swait.eq [sflag:s13], $0x1  }
0x91: {  	[sflag:s13] =	ssyncset.done $0x0  }
0x92: {  	[sflag:s13] =	ssyncadd.s32 $0xFFFFFFFF  }
0x93: {  	s14 =	sld [smem:$0x11];
	(tm) =	ssettm $0x1  }
0x94: {  	s15 =	sld [smem:$0x3FFB];
	_ =	sdelay $0x3  }
0x95: {  	_ =	strace s15  }
0x96: {  	s1 =	sld [smem:$0x3FFC];
	_ =	sdelay $0x3  }
0x97: {  	_ =	strace s1  }
0x98: {  	s1 =	sld [smem:$0x3FFD];
	_ =	sdelay $0x3  }
0x99: {  	_ =	strace s1  }
0x9a: {  	_ =	strace $0x8FFFFFFF  }
0x9b: {  	s16 =	sld [smem:$0x3FDB];
	_ =	sdelay $0x1  }
0x9c: {  	s17 =	simm.s32 $_scs_section_size  }
0x9d: {  	s3 =	simm.s32 $_size__tile_overlayer_lowered;
	s4 =	simm.s32 $_tile_overlayer_lowered  }
0x9e: {  	s20 =	simm.s32 $0x1BFF;
	s19 =	sshll.u32 s4, $0x1;
	s1 =	sadd.s32 s17, s16  }
0x9f: {  	s5 =	simm.s32 $0x0;
	s18 =	sshll.u32 s3, $0x1;
	s3 =	sadd.s32 s19, s1  }
0xa0: {  	[timem:s5], [sflag:s20] =	dma.local [hbm:s3], s18  }
0xa1: {  	_ =	swait.ge [sflag:s20], s18  }
0xa2: {  	s2 =	ssub.s32 $0x0, s18;
	[sflag:s20] =	ssyncset.done $0x0  }
0xa3: {  	[sflag:s20] =	ssyncadd.s32 s2;
	_ =	sdelay $0x1  }
0xa4: {  	s21 =	simm.s32 $0x1B8B  }
0xa5: {  	_ =	swait.ge [sflag:s21], $0x1  }
0xa6: {  	[sflag:s21] =	ssyncset.done $0x0  }
0xa7: {  	s23 =	simm.s32 $0x1B8E;
	s22 =	sld [smem:$0x3FFE];
	[sflag:s21] =	ssyncadd.s32 $0xFFFFFFFF  }
0xa8: {  	s24 =	simm.s32 $execute0_lowered;
	[smem:$0x3FD2] =	sst s23  }
0xa9: {  	s3 =	sshll.u32 s24, $0x1;
	_ =	strace $0x80000049;
	[dreg:$0x1] =	wrdreg $0xFFFFFFFF  }
0xaa: {  	s25 =	simm.s32 $_size_execute0_lowered;
	s1 =	sadd.s32 s1, s3;
	[dreg:$0x0] =	wrdreg $0x0  }
0xab: {  	s3 =	sshll.u32 s25, $0x1;
	[dreg:$0x2] =	wrdreg s1  }
0xac: {  	[dreg:$0x3] =	wrdreg s3  }
0xad: {  	[dreg:$0x4] =	wrdreg $0xC0  }
0xae: {  	_ =	task [dreg:s5], $0x5FFFF  }
0xaf: {  	[dreg:$0x1] =	wrdreg $0xFFFFFFFF  }
0xb0: {  	[dreg:$0x0] =	wrdreg $0x60  }
0xb1: {  	[dreg:$0x2] =	wrdreg s14  }
0xb2: {  	[dreg:$0x3] =	wrdreg s22  }
0xb3: {  	[dreg:$0x4] =	wrdreg $0x9  }
0xb4: {  	_ =	task.clear_ibuf [dreg:s5], $0x5FFFF;
	_ =	strace $0x90000049  }
0xb5: {  	s26 =	simm.s32 $0x9;
	_ =	strace $0x8000004B  }
0xb6: {  	_ =	swait.ge [sflag:s26], $0x1  }
0xb7: {  	[sflag:s26] =	ssyncadd.s32 $0xFFFFFFFF  }
0xb8: {  	_ =	strace $0x9000004B  }
0xb9: {  	_ =	sfence  }
0xba: {  	s28 =	sld [smem:$0x0];
	_ =	sdelay $0x1  }
0xbb: {  	s29 =	srdreg.scid  }
0xbc: {  	s30 =	sshll.u32 s29, $0xD;
	s31 =	sshrl.u32 s29, $0x2  }
0xbd: {  	s2 =	sand.u32 $0x4000, s30;
	s1 =	sand.u32 $0x1, s29;
	s0 =	sadd.s32 s31, s28  }
0xbe: {  	s1 =	sor.u32 s2, s1;
	s0 =	sshll.u32 s0, $0x11  }
0xbf: {  	s0 =	sor.u32 s0, s1  }
0xc0: {  	s0 =	sadd.s32 $0x8F2B, s0  }
0xc1: {  	[sflag:s0] =	ssyncadd.remote.s32 $0x1  }
0xc2: {  	_ =	sfence.sel $0xFFFF  }
0xc3: {  	[dreg:$0x0] =	wrdreg $0xFFFFFFFF;
	(pc) =	sbr.abs _section_cstart, $3  }
0xc4: {  	[dreg:$0x1] =	wrdreg $0xFFFFFFFF  }
0xc5: {  	_ =	task.clear_ibuf [dreg:s5], $0x2FFFF;
	_ =	strace $0x9FFFFFFF  }
0xc6: {  	(tm) =	ssettm $0x7FFFFFFF  }
0xc7: {  	_ =	shalt  }
tec
execute0_lowered:
.L_overlay_start_1:
0x0: {  	(tag) =	ssettag $0x1  }
0x1: {  	s1 =	rddreg [dreg:$0x0]  }
0x2: {  	s0 =	rddreg [dreg:$0x1];
	_ =	strace $0x8000004A;
	s15 =	stileid.u32  }
0x3: {  	s2 =	simm.s32 $0x1;
	s4 =	smin.u32 s15, $0x8;
	s3 =	sshll.u32 s15, $0x1  }
0x4: {  	v1 =	vimm.s32 $0xFFFFFFFF;
	[sflag:s2] =	ssyncpa.u1 $0x0;
	s4 =	sadd.s32 s4, s3  }
0x5: {  	s5 =	simm.s32 $0x5DC0;
	p0 =	slt.u32 s15, $0x8;
	[tilespmem:$0x10] =	vst v1;
	s4 =	smul.u32 $0x1F40, s4  }
0x6: {  	v0 =	vimm.f32 $0.0e+00;
	[tilespmem:$0x20] =	vst v1;
	s5 =	simm.s32 @!p0 $0x3E80  }
0x7: {  	[tilespmem:$0x30] =	vst v0;
	s5 =	sadd.s32 s5, s4  }
0x8: {  	[tilespmem:$0x40] =	vst v0;
	s5 =	smin.u32 s5, $0x4E200  }
0x9: {  	s7 =	simm.s32 $0x2;
	[tilespmem:$0x50] =	vst v0;
	s9 =	ssub.s32 s5, s4  }
0xa: {  	s8 =	simm.s32 $0x8;
	s31 =	simm.s32 $0x9;
	[tilespmem:$0x60] =	vst v1;
	p0 =	sgt.s32 s9, $0x0  }
0xb: {  	s16 =	simm.s32 $0x0;
	s17 =	simm.s32 $0xF0;
	[tilespmem:$0x70] =	vst v1;
	s9 =	simm.s32 @!p0 $0x0  }
0xc: {  	s18 =	simm.s32 $0xFFFFFFFF;
	s19 =	simm.s32 $0xFFFFC280;
	[tilespmem:$0x80] =	vst v1;
	s6 =	smulhi.u32 $0x10624DD3, s9  }
0xd: {  	s20 =	simm.s32 $0xFFFFFFFE;
	s21 =	simm.s32 $0xF;
	s25 =	simm.s32 $0x0;
	v1 =	vimm.s32 $0x0;
	[tilespmem:$0xB0] =	vst v0  }
0xe: {  	s24 =	simm.s32 $0x0;
	s15 =	sshllo.u32 s15, $0x1;
	[tilespmem:$0x90] =	vst v1;
	s10 =	sshrl.u32 s6, $0x9  }
0xf: {  	[tilespmem:$0xA0] =	vst v1;
	[sflag:s7] =	ssyncpa.u1 $0x0;
	s7 =	simm.s32 $0x7;
	s11 =	smul.u32 $0x1F40, s10  }
.Ltmp0:
0x10: {  	s13 =	sor.u32 $0x80, s3;
	[sflag:s7] =	ssyncpa.u1 $0x0;
	(pc) =	sbr.rel .LBB2_1-.Ltmp0, $4  }
0x11: {  	s14 =	sor.u32 $0x81, s3;
	[sflag:s8] =	ssyncpa.u1 $0x0;
	p0 =	sne.s32 s9, s11  }
0x12: {  	s23 =	smov.u32 s4;
	[sflag:s31] =	ssyncpa.u1 $0x0;
	s2 =	simm.s32 @!p0 $0x0  }
0x13: {  	vm0 =	vmmov $0xffff;
	v2 =	vlaneseq.u32;
	s6 =	sadd.s32 $0x57D800, s0;
	s9 =	sadd.s32 $0x587600, s0;
	s10 =	sadd.s32 s2, s10  }
0x14: {  	vm1 =	vmxor vm1, vm1;
	vm2 =	vmmov $0x1;
	vm3 =	vcmask $0x3F3C;
	p0 =	por $0x0, $0x0;
	s11 =	sadd.s32 $0x1, s10;
	s12 =	sadd.s32 $0x2, s10  }
.LBB2_9:
0x15: {  	p1 =	slt.u32 s24, $0x3  }
0x16: {  	s0 =	simm.s32 @!p1 $0x2  }
0x17: {  	_ =	swait.ge @!p1 [sflag:s0], $0x1F40  }
0x18: {  	[sflag:s0] =	ssyncset.done @!p1 $0x0  }
0x19: {  	[sflag:s0] =	ssyncadd.s32 @!p1 $0xFFFFE0C0;
	s0 =	simm.s32 @!p1 $0x9  }
0x1a: {  	_ =	swait.ge @!p1 [sflag:s0], $0x10  }
0x1b: {  	[sflag:s0] =	ssyncset.done @!p1 $0x0  }
0x1c: {  	[sflag:s0] =	ssyncadd.s32 @!p1 $0xFFFFFFF0;
	p1 =	sne.s32 s24, s12  }
.Ltmp1:
0x1d: {  	s2 =	sadd.s32 $0x1F40, s23;
	(pc) =	sbr.rel @!p1 .LBB2_10-.Ltmp1, $4  }
0x1e: {  	s22 =	smov.u32 s4;
	s31 =	sadd.s32 $0x1, s24;
	s17 =	sadd.s32 $0x1F40, s17  }
0x1f: {  	s18 =	sadd.s32 $0x1, s18;
	s25 =	smov.u32 s23;
	p2 =	slt.s32 s2, s5  }
0x20: {  	p0 =	por !p0, !p0;
	s19 =	sadd.s32 $0x1F40, s19;
	s22 =	smov.u32 @p2 s2  }
0x21: {  	s20 =	sadd.s32 $0x1, s20;
	s23 =	smov.u32 s22;
	s24 =	smov.u32 s31  }
.LBB2_1:
0x22: {  	p1 =	sge.u32 s24, s10  }
0x23: {  	s0 =	smulhi.u32 @!p1 $0xAAAAAAAB, s24;
	_ =	sdelay $0x1  }
0x24: {  	s0 =	sshrl.u32 @!p1 s0, $0x1  }
0x25: {  	s0 =	smul.u32 @!p1 $0x3, s0;
	_ =	sdelay $0x1  }
0x26: {  	s0 =	ssub.s32 @!p1 s24, s0  }
0x27: {  	s0 =	smul.u32 @!p1 $0x7D00, s0;
	_ =	sdelay $0x1  }
0x28: {  	s2 =	sshrl.u32 @!p1 s23, $0x3;
	s0 =	sshrl.u32 @!p1 s0, $0x2  }
0x29: {  	s22 =	sand.u32 @!p1 $0x7, s23;
	s2 =	sadd.s32 @!p1 s6, s2;
	s0 =	sadd.s32 @!p1 $0x100, s0  }
0x2a: {  	[tilespmem:s0], [sflag:$0x7] =	stream.linear.gather @!p1 [hbm4b:s2+s22], $0x1F40, $0x38;
	[tilespmem:$0x11A60] =	vst v63  }
0x2b: {  	s0 =	sadd.s32 $0xFFFFFFFF, s24  }
0x2c: {  	p1 =	sge.u32 s0, s10  }
.Ltmp2:
0x2d: {  	_ = 	snop;
	(pc) =	sbr.rel @p1 .LBB2_5-.Ltmp2, $1  }
0x2e: {  	_ =	sdelay $0x3  }
0x2f: {  	s2 =	smulhi.u32 $0xAAAAAAAB, s0;
	_ =	sdelay $0x1  }
0x30: {  	s2 =	sshrl.u32 s2, $0x1  }
0x31: {  	s2 =	smul.u32 $0x3, s2;
	_ =	sdelay $0x1  }
0x32: {  	s2 =	ssub.s32 s0, s2  }
0x33: {  	s2 =	smul.u32 $0x7D00, s2  }
0x34: {  	_ =	swait.ge [sflag:s7], $0x1F40  }
0x35: {  	[sflag:s7] =	ssyncset.done $0x0;
	s2 =	sshrl.u32 s2, $0x2  }
0x36: {  	[sflag:s7] =	ssyncadd.s32 $0xFFFFE0C0;
	(ifvalue) =	ssetifvalue $0xFFFFFFFF;
	v3 =	vld.msk [tilespmem:s2+$0x100 ss:$0x1], $0xffff;
	_ =	sdelay $0x2  }
0x37: {  	s30 =	smulhi.u32 $0xAAAAAAAB, s18;
	p1 =	sne.s32 s24, $0x1  }
0x38: {  	v4 =	vimm.s32 @!p1 $0x0  }
0x39: {  	s2 =	sshrl.u32 s30, $0x1;
	v4 =	vperm.xlane @!p1 v3, v4  }
0x3a: {  	s22 =	sshll.u32 s24, $0x4;
	s2 =	smul.u32 $0xFFFE8900, s2;
	vm4 =	vlt.u32 v3, $0x5000  }
0x3b: {  	s22 =	sand.u32 $0x10, s22;
	v3 =	vnsel vm4, $0xFFFFFFFE, v3;
	vm4 =	vlt.u32 @!p1 v4, $0x5000  }
0x3c: {  	s2 =	sshra.s32 s2, $0x2;
	[tilespmem:s22+$0x60] =	vst v3;
	v3 =	vnsel @!p1 vm4, $0xFFFFFFFE, v4  }
0x3d: {  	s28 =	sadd.s32 s2, s17;
	[tilespmem:$0x80] =	vst @!p1 v3  }
0x3e: {  	v3 =	vld.msk [tilespmem:s28+$0x0 ss:$0x1], $0xffff;
	_ =	sdelay $0x4  }
0x3f: {  	(xrf1) =	vunique.msk.u32 $0xffff, v3;
	_ =	sdelay $0xd  }
0x40: {  	v4 =	vimm.s32 $0xFFFFFFFF;
	v5, _, _ =	vpop (xrf1)  }
0x41: {  	vm5 =	vne.s32 v3, v4;
	vm4 =	veq.s32 v5, v2  }
0x42: {  	vm6 =	vlt.u32 v3, $0x5000;
	vm4 =	vmand vm5, vm4  }
0x43: {  	vm4 =	vmand vm6, vm4  }
0x44: {  	v4 =	vnsel vm4, $0xFFFFFFFF, v3  }
0x45: {  	s31 =	sand.u32 $0x1, s0  }
0x46: {  	s0 =	simm.s32 $0x1F40;
	p1 =	seq.s32 s31, $0x1  }
0x47: {  	s0 =	simm.s32 @!p1 $0x0  }
0x48: {  	s26 =	sadd.s32 $0x7DF0, s0;
	(ifvalue) =	ssetifvalue $0xFFFFFFFF  }
0x49: {  	v3 =	vperm.xlane v3, v1;
	[tilespmem:s26], [sflag:$0x8] =	stream.indirect_vreg.gather [hbm4b:s1+s16], $0x1, v4, vm0, $0x4038;
	v4 =	vnsel vm6, $0xFFFFFFFE, v4;
	[tilespmem:$0x11A60] =	vst v63  }
0x4a: {  	s2 =	simm.s32 $0x0;
	s22 =	sadd.s32 $0xFFFFFFF0, s28;
	[tilespmem:s28+$0x0] =	vst v4  }
.LBB2_3:
0x4b: {  	v4 =	vld.msk [tilespmem:s22+$0x0 ss:$0x1], $0xffff;
	s2 =	sadd.s32 $0x10, s2;
	v5 =	vmov v3;
	s28 =	smov.u32 s22  }
0x4c: {  	p1 =	slt.u32 s2, $0x1F30;
	_ =	sdelay $0x4  }
0x4d: {  	v3 =	vperm.xlane v4, v1;
	(xrf1) =	vunique.msk.u32 $0xffff, v4;
	_ =	sdelay $0xd  }
0x4e: {  	v6, _, _ =	vpop (xrf1)  }
0x4f: {  	vm5 =	vne.s32 v4, v5;
	vm4 =	veq.s32 v6, v2  }
0x50: {  	vm6 =	vlt.u32 v4, $0x5000;
	vm4 =	vmand vm5, vm4  }
0x51: {  	vm4 =	vmand vm6, vm4  }
0x52: {  	v4 =	vnsel vm4, $0xFFFFFFFF, v4  }
.Ltmp3:
0x53: {  	v5 =	vnsel vm6, $0xFFFFFFFE, v4;
	(pc) =	sbr.rel @p1 .LBB2_3-.Ltmp3, $3  }
0x54: {  	_ =	sdelay $0x1  }
0x55: {  	s22 =	sadd.s32 $0xFFFFFFF0, s22;
	s26 =	sadd.s32 $0xFFFFFFF0, s26;
	(ifvalue) =	ssetifvalue $0xFFFFFFFF  }
0x56: {  	[tilespmem:s26], [sflag:$0x8] =	stream.indirect_vreg.gather [hbm4b:s1+s16], $0x1, v4, vm0, $0x4038;
	[tilespmem:s28+$0x0] =	vst v5  }
0x57: {  	s2 =	sshrl.u32 s25, $0x3  }
0x58: {  	s0 =	sadd.s32 $0x9D40, s0;
	s2 =	sadd.s32 s9, s2  }
0x59: {  	[tilespmem:s0], [sflag:$0x8] =	stream.linear.gather [hbm:s2], $0x1F40, $0x38;
	[tilespmem:$0x11A60] =	vst v63  }
.LBB2_5:
0x5a: {  	p1 =	slt.u32 s24, $0x2  }
0x5b: {  	p2 =	sge.u32 @!p1 s24, s12  }
0x5c: {  	p1 =	por p1, p2  }
.Ltmp4:
0x5d: {  	_ = 	snop;
	(pc) =	sbr.rel @p1 .LBB2_9-.Ltmp4, $1  }
0x5e: {  	_ =	sdelay $0x3  }
0x5f: {  	s0 =	sadd.s32 $0xFFFFFFFE, s24  }
0x60: {  	s2 =	smulhi.u32 $0xAAAAAAAB, s0;
	_ =	sdelay $0x1  }
0x61: {  	s2 =	sshrl.u32 s2, $0x1  }
0x62: {  	s2 =	smul.u32 $0x3, s2;
	_ =	sdelay $0x1  }
0x63: {  	s0 =	ssub.s32 s0, s2  }
0x64: {  	_ =	swait.ge [sflag:s8], $0x3E80;
	s0 =	smul.u32 $0x1F40, s0  }
0x65: {  	p1 =	sne.s32 s24, s11;
	[sflag:s8] =	ssyncset.done $0x0  }
0x66: {  	[sflag:s8] =	ssyncadd.s32 $0xFFFFC180;
	s2 =	sadd.s32 @!p1 $0x203F, s0  }
0x67: {  	[spmem:s14] =	stream.linear.scatter @!p1 [tilespmem:s2], [sflag:$0x1], $0x1, $0x38;
	[tilespmem:$0x11A60] =	vst v63  }
0x68: {  	s2 =	simm.s32 @!p1 $0x1  }
0x69: {  	_ =	swait.ge @!p1 [sflag:s2], $0x1  }
0x6a: {  	s22 =	sshll.u32 s24, $0x4;
	[sflag:s2] =	ssyncset.done @!p1 $0x0  }
0x6b: {  	s25 =	sand.u32 $0x10, s22;
	[sflag:s2] =	ssyncadd.s32 @!p1 $0xFFFFFFFF  }
0x6c: {  	s2 =	sxor.u32 $0x10, s25;
	v4 =	vld [tilespmem:s25+$0x10]  }
0x6d: {  	v5 =	vld [tilespmem:s2+$0x60]  }
0x6e: {  	v3 =	vld [tilespmem:$0x80];
	_ =	sdelay $0x2  }
0x6f: {  	(v2sf) =	vpush v4, $0x0  }
0x70: {  	(v2sf) =	vpush v5, $0x0  }
0x71: {  	(v2sf) =	vpush v3, $0x0;
	_ =	sdelay $0xc  }
0x72: {  	s22 =	spop (v2sf)  }
0x73: {  	s26 =	spop (v2sf)  }
0x74: {  	s28 =	spop (v2sf)  }
0x75: {  	p2 =	seq.s32 s22, s26;
	p3 =	seq.s32 s28, s22  }
0x76: {  	p3 =	por p2, p3  }
0x77: {  	s26 =	sand.u32 $0x1, s24;
	v4 =	vpsel p3, $0xFFFFFFFF, v4  }
0x78: {  	s29 =	smul.u32 $0x1F40, s26;
	[tilespmem:s25+$0x10] =	vst.msk $0x1, v4  }
0x79: {  	v4 =	vld [tilespmem:$0x30]  }
0x7a: {  	v5 =	vld [tilespmem:s29+$0x9D40]  }
0x7b: {  	v6 =	vld [tilespmem:s25+$0x40];
	_ =	sdelay $0x3  }
0x7c: {  	vm4 =	vmmov vm1;
	v5 =	vadd.f32 v5, v4  }
0x7d: {  	vm5 =	vmmov vm2;
	vm4 =	vmmov @p2 vm2;
	s22 =	sshll.u32 s26, $0x4;
	v4 =	vadd.f32 v6, v4  }
0x7e: {  	s26 =	sor.u32 $0x11A40, s22;
	vm5 =	vmmov @p3 vm1;
	[tilespmem:s29+$0x9D40] =	vst.msk vm4, v5  }
0x7f: {  	[tilespmem:s26+$0x0] =	vst.msk vm5, v4  }
0x80: {  	v4 =	vld [tilespmem:s29+$0x7DF0];
	_ =	sdelay $0x3  }
0x81: {  	v5 =	vimm.f32 $0.0e+00  }
0x82: {  	v4 =	vshift.insert v4, v5, s21  }
0x83: {  	s22 =	sor.u32 $0x40, s2  }
0x84: {  	[tilespmem:s22+$0x0] =	vst.msk $0x1, v4  }
0x85: {  	[tilespmem:s29+$0x7DFF] =	vst.msk $0x1, v5  }
0x86: {  	v4 =	vld [tilespmem:s0+$0x2030];
	_ =	sdelay $0x1  }
0x87: {  	s22 =	smulhi.u32 $0xAAAAAAAB, s20;
	s0 =	simm.s32 $0x1  }
0x88: {  	s0 =	simm.s32 @!p0 $0x0  }
0x89: {  	s22 =	sshrl.u32 s22, $0x1;
	s0 =	smul.u32 $0x7D00, s0  }
0x8a: {  	s22 =	smul.u32 $0xFFFE8900, s22;
	v4 =	vshift.insert v4, v1, s21  }
0x8b: {  	s0 =	sshrl.u32 s0, $0x2  }
0x8c: {  	s22 =	sshra.s32 s22, $0x2;
	s30 =	sadd.s32 $0x9D40, s0;
	[tilespmem:s2+$0x10] =	vst.msk $0x1, v4  }
0x8d: {  	s22 =	sadd.s32 s22, s19;
	v6 =	vld [tilespmem:s30+$0x0]  }
0x8e: {  	v7 =	vld [tilespmem:s22+$0x0];
	_ =	sdelay $0x3  }
0x8f: {  	v5 =	vadd.f32 v6, v5  }
0x90: {  	vm4 =	vne.s32 v7, $0xFFFFFFFF  }
0x91: {  	(xrf2) =	vadd.seg.scan.f32 vm4, v5;
	_ =	sdelay $0x3  }
0x92: {  	s31 =	sadd.s32 $0x5EC0, s0;
	v5 =	vperm.xlane v4, v1  }
0x93: {  	v6 =	vld [tilespmem:s31+$0x0]  }
0x94: {  	vm5 =	veq.s32 v7, v3;
	vm6 =	veq.s32 v7, v5  }
0x95: {  	vm7 =	vgt.u32 v7, $0xFFFFFFFD;
	vm6 =	vmor vm6, vm5  }
0x96: {  	vm6 =	vmor vm6, vm7  }
0x97: {  	v9 =	vld [tilespmem:$0xA0];
	v7 =	vsel vm6, $0xFFFFFFFF, v7  }
0x98: {  	v10 =	vld [tilespmem:$0x90];
	v6 =	vsel vm5, $0x0, v6;
	v8, _, _ =	vpop (xrf2)  }
0x99: {  	v6 =	vadd.f32 v8, v6  }
0x9a: {  	s0 =	sadd.s32 $0xDBC0, s0  }
0x9b: {  	vm4 =	vmand vm4, vm3;
	[tilespmem:s0+$0x0] =	vst v6;
	(ifvalue) =	ssetifvalue $0xFFFFFFFF  }
0x9c: {  	vm6 =	veq.s32 v9, $0x1;
	[hbm4b:s1+s16] =	stream.indirect_vreg.scatter [tilespmem:s0], [sflag:$0x2], $0x1, v7, vm0, $0x4038;
	v7 =	vsel vm4, $0x0, v8;
	[tilespmem:$0x11A60] =	vst v63  }
0x9d: {  	s2 =	simm.s32 $0x0;
	s22 =	sadd.s32 $0x10, s22;
	vm4 =	vmor vm6, vm5;
	v6 =	vsel vm5, v8, v10;
	v7 =	vshift.insert v7, v0, s21  }
.LBB2_7:
0x9e: {  	v8 =	vld [tilespmem:s22+$0x0];
	s30 =	sadd.s32 $0x10, s30  }
0x9f: {  	s31 =	sadd.s32 $0x10, s31;
	v9 =	vld [tilespmem:s30+$0x0]  }
0xa0: {  	s2 =	sadd.s32 $0x10, s2;
	v10 =	vld [tilespmem:s31+$0x0]  }
0xa1: {  	p2 =	slt.u32 s2, $0x1F30;
	_ =	sdelay $0x2  }
0xa2: {  	v7 =	vadd.f32 v9, v7  }
0xa3: {  	vm5 =	vne.s32 v8, $0xFFFFFFFF  }
0xa4: {  	vm6 =	vmand vm5, vm3;
	(xrf2) =	vadd.seg.scan.f32 vm5, v7;
	_ =	sdelay $0x5  }
0xa5: {  	vm7 =	veq.s32 v8, v5;
	vm5 =	veq.s32 v8, v3  }
0xa6: {  	vm8 =	vgt.u32 v8, $0xFFFFFFFD;
	vm4 =	vmor vm4, vm5;
	vm7 =	vmor vm7, vm5  }
0xa7: {  	vm7 =	vmor vm7, vm8  }
0xa8: {  	v8 =	vsel vm7, $0xFFFFFFFF, v8  }
.Ltmp5:
0xa9: {  	v7 =	vsel vm5, $0x0, v10;
	v9, _, _ =	vpop (xrf2);
	(pc) =	sbr.rel @p2 .LBB2_7-.Ltmp5, $4  }
0xaa: {  	v6 =	vsel vm5, v9, v6;
	v10 =	vadd.f32 v9, v7;
	v7 =	vsel vm6, $0x0, v9  }
0xab: {  	s0 =	sadd.s32 $0x10, s0;
	v7 =	vshift.insert v7, v0, s21  }
0xac: {  	s22 =	sadd.s32 $0x10, s22;
	[tilespmem:s0+$0x0] =	vst v10;
	(ifvalue) =	ssetifvalue $0xFFFFFFFF  }
0xad: {  	[hbm4b:s1+s16] =	stream.indirect_vreg.scatter [tilespmem:s0], [sflag:$0x2], $0x1, v8, vm0, $0x4038;
	[tilespmem:$0x11A60] =	vst v63  }
0xae: {  	v3 =	vld [tilespmem:s29+$0xFAF0];
	_ =	sdelay $0x4  }
0xaf: {  	v3 =	vshift.insert v3, v0, s21  }
0xb0: {  	s0 =	simm.s32 $0x30  }
0xb1: {  	[tilespmem:s0+$0x0] =	vst.msk $0x1, v3  }
0xb2: {  	v3 =	vsel vm4, $0x1, v1;
	[tilespmem:$0x90] =	vst v6  }
0xb3: {  	s0 =	sadd.s32 @!p1 $0xFAFF, s29;
	[tilespmem:$0xA0] =	vst v3  }
0xb4: {  	[spmem:s15] =	stream.linear.scatter @!p1 [tilespmem:s0], [sflag:$0x1], $0x1, $0x38;
	[tilespmem:$0x11A60] =	vst v63  }
0xb5: {  	s0 =	simm.s32 @!p1 $0x1  }
0xb6: {  	v3 =	vmctz.xlane @!p1 vm4;
	_ =	swait.ge @!p1 [sflag:s0], $0x1  }
0xb7: {  	(v2sf) =	vpush @!p1 v4, $0x0  }
0xb8: {  	(v2sf) =	vpush @!p1 v3, $0x0;
	_ =	sdelay $0xd  }
0xb9: {  	s2 =	spop @!p1 (v2sf)  }
0xba: {  	s22 =	spop @!p1 (v2sf)  }
0xbb: {  	p2 =	sne.s32 @!p1 s28, s2;
	p3 =	slt.s32 @!p1 s22, $0xF  }
0xbc: {  	[sflag:s0] =	ssyncset.done @!p1 $0x0;
	p2 =	por p2, p1;
	p3 =	por !p3, p1  }
0xbd: {  	[sflag:s0] =	ssyncadd.s32 @!p1 $0xFFFFFFFF;
	v3 =	vimm.s32 @!p2 $0xFFFFFFFF;
	s22 =	simm.s32 @p3 $0xF  }
0xbe: {  	[tilespmem:$0x80] =	vst @!p2 v3;
	s2 =	sadd.s32 @!p1 $0x90, s22  }
0xbf: {  	[spmem:s3] =	stream.linear.scatter @!p1 [tilespmem:s2], [sflag:$0x1], $0x1, $0x38;
	[tilespmem:$0x11A60] =	vst v63  }
0xc0: {  	_ =	swait.ge @!p1 [sflag:s0], $0x1  }
0xc1: {  	[sflag:s0] =	ssyncset.done @!p1 $0x0  }
0xc2: {  	s2 =	simm.s32 @!p1 $0x80;
	[sflag:s0] =	ssyncadd.s32 @!p1 $0xFFFFFFFF  }
0xc3: {  	[spmem:s13] =	stream.linear.scatter @!p1 [tilespmem:s2], [sflag:$0x1], $0x1, $0x38;
	[tilespmem:$0x11A60] =	vst v63  }
0xc4: {  	_ =	swait.ge @!p1 [sflag:s0], $0x1  }
0xc5: {  	[sflag:s0] =	ssyncset.done @!p1 $0x0  }
0xc6: {  	[sflag:s0] =	ssyncadd.s32 @!p1 $0xFFFFFFFF;
	(ifvalue) =	ssetifvalue $0xFFFFFFFF;
	v3 =	vld [tilespmem:s25+$0x10];
	_ =	sdelay $0x3  }
.Ltmp6:
0xc7: {  	_ = 	snop;
	(pc) =	sbr.rel .LBB2_9-.Ltmp6, $3  }
0xc8: {  	_ =	sdelay $0x1  }
0xc9: {  	(ifvalue) =	ssetifvalue $0xFFFFFFFF  }
0xca: {  	[hbm4b:s1+s16] =	stream.indirect_vreg.scatter [tilespmem:s26], [sflag:$0x9], $0x1, v3, vm0, $0x4038;
	[tilespmem:$0x11A60] =	vst v63  }
.LBB2_10:
0xcb: {  	_ =	sfence.sel $0x180000  }
0xcc: {  	s0 =	simm.s32 $0x7;
	[bflag:$0x0] =	sbarrier.arrive $0xFFFF  }
0xcd: {  	s26 =	simm.s32 $0x8;
	[sflag:s0] =	ssyncpa.u1 $0x1  }
0xce: {  	s28 =	simm.s32 $0x9;
	[sflag:s26] =	ssyncpa.u1 $0x1  }
0xcf: {  	[sflag:s28] =	ssyncpa.u1 $0x1  }
0xd0: {  	_ =	sfence.stream.spmem  }
0xd1: {  	s29 =	simm.s32 $0x3;
	[bflag:$0x0] =	sbarrier.arrive $0xFFFF  }
0xd2: {  	s30 =	simm.s32 $0x4;
	[sflag:s29] =	ssyncpa.u1 $0x1  }
0xd3: {  	s31 =	simm.s32 $0x3C;
	s2 =	stileid.u32;
	[sflag:s30] =	ssyncpa.u1 $0x1  }
0xd4: {  	p0 =	sne.s32 s2, $0x0;
	[sflag:s31] =	ssyncpa.u1 $0x1  }
0xd5: {  	s0 =	simm.s32 @p0 $0x1;
	_ =	sfence @p0  }
0xd6: {  	[sflag:s0] =	ssyncpa.u1 @p0 $0x1;
	s0 =	simm.s32 @p0 $0x2  }
0xd7: {  	[sflag:s0] =	ssyncpa.u1 @p0 $0x1  }
0xd8: {  	_ =	strace @p0 $0x9000004A  }
0xd9: {  	[bflag:$0x2] =	sbarrier.arrive @p0 $0xFFFF  }
0xda: {  	_ =	shalt @p0  }
.LBB2_11:
0xdb: {  	_ =	sfence.stream.spmem;
	s0 =	simm.s32 $0x5  }
0xdc: {  	s2 =	simm.s32 $0x80;
	s3 =	simm.s32 $0xC0;
	[sflag:s0] =	ssyncpa.u1 $0x0  }
0xdd: {  	[tilespmem:s3], [sflag:$0x5] =	stream.linear.gather [spmem:s2], $0x20, $0x38;
	[tilespmem:$0x11A60] =	vst v63  }
0xde: {  	s2 =	simm.s32 $0x0;
	s3 =	simm.s32 $0xE0  }
0xdf: {  	[tilespmem:s3], [sflag:$0x5] =	stream.linear.gather [spmem:s2], $0x20, $0x38;
	[tilespmem:$0x11A60] =	vst v63  }
.Ltmp7:
0xe0: {  	_ = 	snop;
	(pc) =	sbr.rel .LBB2_12-.Ltmp7, $4  }
0xe1: {  	_ =	swait.ge [sflag:s0], $0x40  }
0xe2: {  	[sflag:s0] =	ssyncset.done $0x0  }
0xe3: {  	s31 =	simm.s32 $0x6;
	[sflag:s0] =	ssyncadd.s32 $0xFFFFFFC0  }
0xe4: {  	s4 =	simm.s32 $0x0;
	[sflag:s31] =	ssyncpa.u1 $0x0  }
.LBB2_17:
0xe5: {  	p0 =	sgt.u32 s5, $0x4FFF  }
0xe6: {  	s0 =	sshrl.u32 @!p0 s5, $0x3  }
0xe7: {  	s5 =	sand.u32 @!p0 $0x7, s5;
	s6 =	simm.s32 @!p0 $0xB0;
	s0 =	sadd.s32 @!p0 s1, s0  }
0xe8: {  	[tilespmem:s6], [sflag:$0x6] =	stream.linear.gather @!p0 [hbm4b:s0+s5], $0x1, $0x38;
	[tilespmem:$0x11A60] =	vst v63  }
0xe9: {  	s0 =	simm.s32 @!p0 $0x6  }
0xea: {  	_ =	swait.ge @!p0 [sflag:s0], $0x1  }
0xeb: {  	[sflag:s0] =	ssyncset.done @!p0 $0x0  }
0xec: {  	[sflag:s0] =	ssyncadd.s32 @!p0 $0xFFFFFFFF  }
0xed: {  	v2 =	vmov @!p0 s4;
	v1 =	vld.msk @!p0 [tilespmem:$0xB0], $0x1;
	_ =	sdelay $0x3  }
0xee: {  	s0 =	simm.s32 @!p0 $0xE0  }
0xef: {  	[tilespmem:v2+s0+$0x0], v1 =	vst.idx.ret.add.f32.msk @!p0 $0x1, v1  }
0xf0: {  	[tilespmem:s2+$0xC0] =	vst.msk $0x1, v0  }
0xf1: {  	v0 =	vld.msk [tilespmem:s4+$0xE0], $0x1;
	_ =	sdelay $0x4  }
0xf2: {  	[tilespmem:s2+$0xE0] =	vst.msk $0x1, v0;
	s2 =	sadd.s32 $0x1, s2  }
.LBB2_19:
0xf3: {  	s4 =	sadd.s32 $0x1, s4  }
0xf4: {  	p0 =	sne.s32 s4, $0x20  }
.Ltmp8:
0xf5: {  	_ = 	snop;
	(pc) =	sbr.rel @!p0 .LBB2_20-.Ltmp8, $1  }
0xf6: {  	_ =	sdelay $0x3  }
.LBB2_12:
0xf7: {  	v0 =	vld.msk [tilespmem:s4+$0xC0], $0x1;
	_ =	sdelay $0x4  }
0xf8: {  	(v2sf) =	vpush v0, $0x0;
	_ =	sdelay $0xe  }
0xf9: {  	s5 =	spop (v2sf)  }
0xfa: {  	p0 =	seq.s32 s5, $0xFFFFFFFF  }
.Ltmp9:
0xfb: {  	_ = 	snop;
	(pc) =	sbr.rel @p0 .LBB2_19-.Ltmp9, $1  }
0xfc: {  	_ =	sdelay $0x3  }
0xfd: {  	p0 =	slt.s32 s2, $0x1  }
.Ltmp10:
0xfe: {  	_ = 	snop;
	(pc) =	sbr.rel @p0 .LBB2_17-.Ltmp10, $1  }
0xff: {  	_ =	sdelay $0x3  }
0x100: {  	s0 =	simm.s32 $0xC0;
	p0 =	por $0x0, $0x0  }
0x101: {  	v1 =	vld.msk @!p0 [tilespmem:s0+$0x0], $0x1;
	_ =	sdelay $0x4  }
0x102: {  	(v2sf) =	vpush @!p0 v1, $0x0;
	_ =	sdelay $0xd  }
0x103: {  	p2 =	sne.s32 s2, $0x1  }
.Ltmp11:
0x104: {  	s6 =	spop @!p0 (v2sf);
	(pc) =	sbr.rel @!p2 .LBB2_16-.Ltmp11, $4  }
0x105: {  	p1 =	seq.s32 @!p0 s5, s6  }
0x106: {  	s6 =	simm.s32 $0x0;
	p1 =	por !p1, p0  }
0x107: {  	s8 =	simm.s32 $0xFFFFFFFF;
	s6 =	simm.s32 @p1 $0xFFFFFFFF  }
0x108: {  	s7 =	simm.s32 $0x1;
	s6 =	smov.u32 @p0 s8  }
.LBB2_15:
0x109: {  	s8 =	smov.u32 s6;
	p0 =	sne.s32 s6, $0xFFFFFFFF  }
0x10a: {  	s0 =	sadd.s32 $0x1, s0;
	s6 =	smov.u32 s7;
	s7 =	sadd.s32 $0x1, s7  }
0x10b: {  	p1 =	sne.s32 s2, s7;
	v1 =	vld.msk @!p0 [tilespmem:s0+$0x0], $0x1;
	_ =	sdelay $0x4  }
0x10c: {  	(v2sf) =	vpush @!p0 v1, $0x0;
	_ =	sdelay $0xe  }
.Ltmp12:
0x10d: {  	s9 =	spop @!p0 (v2sf);
	(pc) =	sbr.rel @p1 .LBB2_15-.Ltmp12, $4  }
0x10e: {  	p2 =	seq.s32 @!p0 s5, s9  }
0x10f: {  	p2 =	por !p2, p0  }
0x110: {  	s6 =	simm.s32 @p2 $0xFFFFFFFF  }
0x111: {  	s6 =	smov.u32 @p0 s8  }
.LBB2_16:
0x112: {  	p0 =	sne.s32 s6, $0xFFFFFFFF  }
.Ltmp13:
0x113: {  	_ = 	snop;
	(pc) =	sbr.rel @!p0 .LBB2_17-.Ltmp13, $1  }
0x114: {  	_ =	sdelay $0x3  }
0x115: {  	v0 =	vld.msk [tilespmem:s4+$0xE0], $0x1;
	v1 =	vmov s6  }
.Ltmp14:
0x116: {  	_ = 	snop;
	(pc) =	sbr.rel .LBB2_19-.Ltmp14, $2  }
0x117: {  	_ =	sdelay $0x2  }
0x118: {  	[tilespmem:v1+s3+$0x0], v0 =	vst.idx.ret.add.f32.msk $0x1, v0  }
.LBB2_20:
0x119: {  	p0 =	slt.s32 s2, $0x1  }
.Ltmp15:
0x11a: {  	_ = 	snop;
	(pc) =	sbr.rel @p0 .LBB2_24-.Ltmp15, $3  }
0x11b: {  	_ =	sdelay $0x1  }
0x11c: {  	s0 =	simm.s32 $0x6  }
0x11d: {  	s3 =	simm.s32 $0x0;
	[sflag:s0] =	ssyncpa.u1 $0x1  }
0x11e: {  	s0 =	simm.s32 $0xC0  }
0x11f: {  	v0 =	vld.msk [tilespmem:s0+$0x0], $0x1;
	_ =	sdelay $0x4  }
0x120: {  	(v2sf) =	vpush v0, $0x0;
	_ =	sdelay $0xe  }
0x121: {  	s2 =	sadd.s32 $0xFFFFFFFF, s2;
	s4 =	spop (v2sf)  }
0x122: {  	p1 =	sne.s32 s2, $0x0;
	p0 =	sgt.u32 s4, $0x4FFF  }
.Ltmp16:
0x123: {  	s5 =	sshrl.u32 @!p0 s4, $0x3;
	(pc) =	sbr.rel @!p1 .LBB2_23-.Ltmp16, $4  }
0x124: {  	s0 =	simm.s32 $0xE0;
	s4 =	sand.u32 @!p0 $0x7, s4;
	s5 =	sadd.s32 @!p0 s1, s5  }
0x125: {  	[hbm4b:s5+s4] =	stream.linear.scatter @!p0 [tilespmem:s0], [sflag:$0x5], $0x1, $0x38;
	[tilespmem:$0x11A60] =	vst v63  }
0x126: {  	s5 =	simm.s32 $0x0  }
0x127: {  	s4 =	simm.s32 $0xC1;
	s5 =	simm.s32 @!p0 $0x4  }
.LBB2_22:
0x128: {  	v0 =	vld.msk [tilespmem:s4+$0x0], $0x1;
	s2 =	sadd.s32 $0xFFFFFFFF, s2;
	s3 =	sadd.s32 s3, s5  }
0x129: {  	p0 =	sne.s32 s2, $0x0;
	_ =	sdelay $0x3  }
0x12a: {  	(v2sf) =	vpush v0, $0x0;
	_ =	sdelay $0xe  }
.Ltmp17:
0x12b: {  	s6 =	spop (v2sf);
	(pc) =	sbr.rel @p0 .LBB2_22-.Ltmp17, $4  }
0x12c: {  	s5 =	simm.s32 $0x0;
	p1 =	sgt.u32 s6, $0x4FFF  }
0x12d: {  	s0 =	sadd.s32 $0x1, s0;
	s5 =	simm.s32 @!p1 $0x4;
	s7 =	sshrl.u32 @!p1 s6, $0x3  }
0x12e: {  	s4 =	sadd.s32 $0x1, s4;
	s6 =	sand.u32 @!p1 $0x7, s6;
	s7 =	sadd.s32 @!p1 s1, s7  }
0x12f: {  	[hbm4b:s7+s6] =	stream.linear.scatter @!p1 [tilespmem:s0], [sflag:$0x5], $0x1, $0x38;
	[tilespmem:$0x11A60] =	vst v63  }
.LBB2_23:
0x130: {  	s0 =	sadd.s32 s3, s5  }
0x131: {  	s3 =	sshrl.u32 s0, $0x2  }
.LBB2_24:
0x132: {  	s0 =	simm.s32 $0x5  }
0x133: {  	_ =	swait.ge [sflag:s0], s3  }
0x134: {  	s1 =	ssub.s32 $0x0, s3;
	[sflag:s0] =	ssyncset.done $0x0  }
0x135: {  	[sflag:s0] =	ssyncadd.s32 s1  }
0x136: {  	[sflag:s0] =	ssyncpa.u1 $0x1  }
0x137: {  	s29 =	simm.s32 $0x1;
	_ =	sfence  }
0x138: {  	s30 =	simm.s32 $0x2;
	[sflag:s29] =	ssyncpa.u1 $0x1  }
0x139: {  	[sflag:s30] =	ssyncpa.u1 $0x1  }
0x13a: {  	_ =	strace $0x9000004A  }
0x13b: {  	[bflag:$0x2] =	sbarrier.arrive $0xFFFF  }
0x13c: {  	s31 =	rddreg [dreg:$0x2]  }
0x13d: {  	s0 =	sadd.s32 $0x100000, s31  }
0x13e: {  	[sflag:s0] =	ssyncadd.tile.s32 $0x1;
	_ =	shalt  }
.Lfunc_end2:
_tile_overlayer_lowered:
.L_overlay_start_2:
0x13f: {  	(tag) =	ssettag $0x2  }
0x140: {  	s0 =	rddreg [dreg:$0x0];
	s2 =	stileid.u32  }
0x141: {  	s1 =	rddreg [dreg:$0x1];
	p0 =	sne.s32 s2, $0x0  }
0x142: {  	s3 =	rddreg [dreg:$0x2];
	[bflag:$0x3] =	sbarrier.arrive $0xFFFF;
	s2 =	simm.s32 @!p0 $0x1C01  }
0x143: {  	[timem:s3], [sflag:s2] =	dma.local @!p0 [hbm:s0], s1  }
0x144: {  	s0 =	simm.s32 @!p0 $0x1  }
0x145: {  	_ =	swait.ge @!p0 [sflag:s0], s1  }
0x146: {  	s1 =	ssub.s32 @!p0 $0x0, s1;
	[sflag:s0] =	ssyncset.done @!p0 $0x0  }
0x147: {  	[sflag:s0] =	ssyncadd.s32 @!p0 s1  }
0x148: {  	[bflag:$0x3] =	sbarrier.arrive $0xFFFF  }
0x149: {  	_ =	shalt  }

</sc_bundles>
